<compile_context>
chip_gen: v7x
topology: tpu7x:2x2x1
jax: 0.10.2.dev20260603
libtpu: 0.0.44.dev20260713+nightly
codegen_flags: <defaults>
</compile_context>

<pallas_src>
import functools

import jax
import jax.numpy as jnp
from jax import lax
from jax.experimental import pallas as pl
from jax.experimental.pallas import tpu as pltpu
from jax.experimental.pallas import tpu_sc as plsc

POOL = 1000
KDIM = 3840
PDIM = 13824
BATCH = 1024
TOPK = 2
NTOK = 4

BM = 128
GRID = BATCH // BM

NC, NS = 2, 16
NW = NC * NS
NIDX = BATCH * TOPK
BPW = NIDX // NW
CH = 4
NCHUNK = BPW // CH


def _sim_body(x_ref, pk_ref, sim_ref, idx_ref, acc_ref):
    i = pl.program_id(0)
    x = x_ref[...]
    xm = (x[:, 0, :] + x[:, 1, :] + x[:, 2, :] + x[:, 3, :]) * (1.0 / NTOK)
    xsq = jnp.sum(xm * xm, axis=1, keepdims=True)
    xn = xm * lax.rsqrt(jnp.maximum(xsq, 1e-12))
    pk = pk_ref[...]
    psq = jnp.sum(pk * pk, axis=1, keepdims=True)
    pn = pk * lax.rsqrt(jnp.maximum(psq, 1e-12))
    sim = lax.dot_general(xn, pn, (((1,), (1,)), ((), ())),
                          preferred_element_type=jnp.float32)
    sim_ref[...] = sim

    cols = lax.broadcasted_iota(jnp.int32, (BM, POOL), 1)
    m1 = jnp.max(sim, axis=1)
    a1 = jnp.min(jnp.where(sim == m1[:, None], cols, POOL), axis=1)
    simm = jnp.where(cols == a1[:, None], -jnp.inf, sim)
    m2 = jnp.max(simm, axis=1)
    a2 = jnp.min(jnp.where(simm == m2[:, None], cols, POOL), axis=1)
    idx_ref[...] = jnp.concatenate([a1[:, None], a2[:, None]], axis=1)

    @pl.when(i == 0)
    def _():
        acc_ref[0, 0] = 0.0

    acc_ref[0, 0] += jnp.sum(m1) + jnp.sum(m2)


def _sim_call(x_embed, prompt_key):
    return pl.pallas_call(
        _sim_body,
        grid=(GRID,),
        in_specs=[
            pl.BlockSpec((BM, NTOK, KDIM), lambda i: (i, 0, 0)),
            pl.BlockSpec((POOL, KDIM), lambda i: (0, 0)),
        ],
        out_specs=[
            pl.BlockSpec((BM, POOL), lambda i: (i, 0)),
            pl.BlockSpec((BM, TOPK), lambda i: (i, 0)),
            pl.BlockSpec(block_shape=(1, 1), index_map=lambda i: (0, 0),
                         memory_space=pltpu.SMEM),
        ],
        out_shape=[
            jax.ShapeDtypeStruct((BATCH, POOL), jnp.float32),
            jax.ShapeDtypeStruct((BATCH, TOPK), jnp.int32),
            jax.ShapeDtypeStruct((1, 1), jnp.float32),
        ],
        compiler_params=pltpu.CompilerParams(
            dimension_semantics=("arbitrary",)),
    )(x_embed, prompt_key)


def _gather_body(table, idxm, out, idx_v, buf0, buf1,
                 gsem0, gsem1, ssem0, ssem1):
    c = lax.axis_index("c")
    s = lax.axis_index("s")
    wid = s * NC + c
    pltpu.sync_copy(idxm.at[pl.ds(wid * NCHUNK, NCHUNK)], idx_v)

    bufs = (buf0, buf1)
    gsems = (gsem0, gsem1)
    ssems = (ssem0, ssem1)

    def start_gather(g):
        b = g & 1
        return pltpu.async_copy(table.at[idx_v.at[g]], bufs[b], gsems[b])

    def start_scatter(g):
        b = g & 1
        base = wid * BPW + g * CH
        return pltpu.async_copy(bufs[b], out.at[pl.ds(base, CH)], ssems[b])

    gcopies = [start_gather(0), start_gather(1)]
    scopies = [None, None]
    for g in range(NCHUNK):
        b = g & 1
        gcopies[b].wait()
        scopies[b] = start_scatter(g)
        if g + 2 < NCHUNK:
            scopies[b].wait()
            gcopies[b] = start_gather(g + 2)
    scopies[0].wait()
    scopies[1].wait()


def _gather_call(table, idxm):
    mesh = plsc.VectorSubcoreMesh(core_axis_name="c", subcore_axis_name="s",
                                  num_cores=NC, num_subcores=NS)
    run = pl.kernel(
        _gather_body,
        out_type=jax.ShapeDtypeStruct((NIDX, PDIM), jnp.float32),
        mesh=mesh,
        scratch_types=[
            pltpu.VMEM((NCHUNK, CH), jnp.int32),
            pltpu.VMEM((CH, PDIM), jnp.float32),
            pltpu.VMEM((CH, PDIM), jnp.float32),
            pltpu.SemaphoreType.DMA,
            pltpu.SemaphoreType.DMA,
            pltpu.SemaphoreType.DMA,
            pltpu.SemaphoreType.DMA,
        ],
    )
    return run(table, idxm)


def kernel(x_embed, prompt, prompt_key):
    sim, idx, acc = _sim_call(x_embed, prompt_key)
    idxm = idx.reshape(NW * NCHUNK, CH)
    table = prompt.reshape(POOL, PDIM)
    rows = _gather_call(table, idxm)
    batched_prompt = rows.reshape(BATCH, TOPK, PDIM)
    reduce_sim = acc[0, 0] / BATCH
    return batched_prompt, sim, idx, reduce_sim

# --- scband reference (transcript-rebuilt; emitter-appended) ---
"""Pipeline reference for scband-prompt-31679678775553 (READ-ONLY COPY).

The authoritative reference and input builder live on the scoring server;
editing this copy changes nothing except your own understanding.
"""

import jax, jax.numpy as jnp
import numpy as np

POOL_SIZE = 1000
LENGTH = 1
EMBED_DIM = 768
PROMPT_SIZE = 3
TOP_K = 2
KEY_DIM = 5 * EMBED_DIM          # 3840
PROMPT_DIM = PROMPT_SIZE * 6 * EMBED_DIM  # 13824
BATCH = 1024
N_TOK = 4


def setup_inputs(seed: int = 0) -> dict:
    key = jax.random.key(seed)
    k1, k2, k3 = jax.random.split(key, 3)
    x_embed = jax.random.normal(k1, (BATCH, N_TOK, KEY_DIM), dtype=jnp.float32)
    # prompt pool parameter: uniform(-1, 1) init per prompt_init='uniform'
    prompt = jax.random.uniform(k2, (POOL_SIZE, LENGTH, PROMPT_DIM), minval=-1.0, maxval=1.0, dtype=jnp.float32)
    # prompt key parameter: uniform(-0.5, 0.5) init (plus a constant offset in the
    # original; offset omitted -- structurally identical random keys)
    prompt_key = jax.random.uniform(k3, (POOL_SIZE, KEY_DIM), minval=-0.5, maxval=0.5, dtype=jnp.float32)
    return {"x_embed": x_embed, "prompt": prompt, "prompt_key": prompt_key}


def _l2_normalize(x, axis):
    sq = jnp.sum(jnp.square(x), axis=axis, keepdims=True)
    return x * jax.lax.rsqrt(jnp.maximum(sq, 1e-12))


def reference(x_embed, prompt, prompt_key):
    # L2P-style prompt-pool retrieval forward
    B = x_embed.shape[0]
    # embedding_key == 'mean'
    x_embed_mean = jnp.mean(x_embed, axis=1)                     # [B, KEY_DIM]
    prompt_norm = _l2_normalize(prompt_key, axis=1)              # [P, KEY_DIM]
    x_embed_norm = _l2_normalize(x_embed_mean, axis=1)           # [B, KEY_DIM]
    similarity = x_embed_norm @ prompt_norm.T                    # [B, P]
    _, idx = jax.lax.top_k(similarity, TOP_K)                    # [B, top_k]
    # gather selected prompts: [B, top_k, LENGTH, PROMPT_DIM] -> [B, top_k*LENGTH, PROMPT_DIM]
    batched_prompt_raw = jnp.take(prompt, idx, axis=0)
    batched_prompt = batched_prompt_raw.reshape(B, TOP_K * LENGTH, PROMPT_DIM)
    # pull-constraint similarity term
    batched_key_norm = jnp.take(prompt_norm, idx, axis=0)        # [B, top_k, KEY_DIM]
    sim_sel = batched_key_norm * x_embed_norm[:, None, :]
    reduce_sim = jnp.sum(sim_sel) / B
    return batched_prompt, similarity, idx, reduce_sim

if __name__ == "__main__":
    import jax
    _d = setup_inputs()
    print(jax.jit(kernel)(*tuple(_d.values())))

</pallas_src>

<mosaic_0001>
#map = affine_map<(d0, d1) -> (0, 0)>
module attributes {stable_mosaic.version = 14 : i64} {
  func.func @_gather_body(%arg0: i32, %arg1: i32, %arg2: memref<1000x13824xf32, #tpu.memory_space<hbm>>, %arg3: memref<512x4xi32, #tpu.memory_space<hbm>>, %arg4: memref<2048x13824xf32, #tpu.memory_space<hbm>>, %arg5: memref<16x4xi32, #tpu.memory_space<vmem>>, %arg6: memref<4x13824xf32, #tpu.memory_space<vmem>>, %arg7: memref<4x13824xf32, #tpu.memory_space<vmem>>, %arg8: memref<!tpu.dma_semaphore, #tpu.memory_space<semaphore_mem>>, %arg9: memref<!tpu.dma_semaphore, #tpu.memory_space<semaphore_mem>>, %arg10: memref<!tpu.dma_semaphore, #tpu.memory_space<semaphore_mem>>, %arg11: memref<!tpu.dma_semaphore, #tpu.memory_space<semaphore_mem>>) attributes {dimension_semantics = [#tpu.dimension_semantics<core_parallel>, #tpu.dimension_semantics<subcore_parallel>], iteration_bounds = array<i64: 2, 16>, scalar_prefetch = 0 : i64, scratch_operands = 7 : i64, tpu.core_type = #tpu.core_type<sc_vector_subcore>, window_params = [{transform_indices = #map}, {transform_indices = #map}, {transform_indices = #map}]} {
    %mul3A = arith.constant 2 : i32
    %mul3A_0 = arith.muli %arg1, %mul3A : i32
    %add3A = arith.addi %mul3A_0, %arg0 : i32
    %mul3A_1 = arith.constant 16 : i32
    %mul3A_2 = arith.muli %add3A, %mul3A_1 : i32
    "tpu.region"() ({
      %run_scoped3A = tpu.sem_alloc : memref<!tpu.dma_semaphore, #tpu.memory_space<semaphore_mem>>
      %dma_start3A_417 = arith.constant 0 : i32
      %dma_start3A_418 = tpu.memref_slice %arg3[%mul3A_2, %dma_start3A_417] : memref<512x4xi32, #tpu.memory_space<hbm>> -> memref<16x4xi32, #tpu.memory_space<hbm>>
      %dma_start3A_419 = arith.constant 0 : i32
      %dma_start3A_420 = tpu.memref_slice %arg3[%mul3A_2, %dma_start3A_419] : memref<512x4xi32, #tpu.memory_space<hbm>> -> memref<16x4xi32, #tpu.memory_space<hbm>>
      tpu.enqueue_dma source(%dma_start3A_420 : memref<16x4xi32, #tpu.memory_space<hbm>>) target(%arg5 : memref<16x4xi32, #tpu.memory_space<vmem>>) target_semaphore(%run_scoped3A : memref<!tpu.dma_semaphore, #tpu.memory_space<semaphore_mem>>)
      %dma_wait3A_421 = arith.constant 0 : i32
      %dma_wait3A_422 = tpu.memref_slice %arg3[%mul3A_2, %dma_wait3A_421] : memref<512x4xi32, #tpu.memory_space<hbm>> -> memref<16x4xi32, #tpu.memory_space<hbm>>
      %dma_wait3A_423 = arith.constant 0 : i32
      %dma_wait3A_424 = tpu.memref_slice %arg3[%mul3A_2, %dma_wait3A_423] : memref<512x4xi32, #tpu.memory_space<hbm>> -> memref<16x4xi32, #tpu.memory_space<hbm>>
      tpu.wait_dma2 semaphore(%run_scoped3A : memref<!tpu.dma_semaphore, #tpu.memory_space<semaphore_mem>>) src(%dma_wait3A_424 : memref<16x4xi32, #tpu.memory_space<hbm>>) dst(%arg5 : memref<16x4xi32, #tpu.memory_space<vmem>>)
      tpu.yield
    }) : () -> ()
    %dma_start3A = arith.constant 0 : i32
    %dma_start3A_3 = arith.constant 0 : i32
    %dma_start3A_4 = tpu.memref_slice %arg5[%dma_start3A, %dma_start3A_3] : memref<16x4xi32, #tpu.memory_space<vmem>> -> memref<1x4xi32, #tpu.memory_space<vmem>>
    %dma_start3A_5 = tpu.memref_squeeze %dma_start3A_4 : memref<1x4xi32, #tpu.memory_space<vmem>> -> memref<4xi32, #tpu.memory_space<vmem>>
    %dma_start3A_6 = arith.constant 0 : i32
    %dma_start3A_7 = arith.constant 0 : i32
    %dma_start3A_8 = tpu.memref_slice %arg2[%dma_start3A_6, %dma_start3A_7] : memref<1000x13824xf32, #tpu.memory_space<hbm>> -> memref<1000x13824xf32, #tpu.memory_space<hbm>>
    tpu.enqueue_indirect_dma source(%dma_start3A_8 : memref<1000x13824xf32, #tpu.memory_space<hbm>>) target(%arg6 : memref<4x13824xf32, #tpu.memory_space<vmem>>) offsets(%dma_start3A_5 : memref<4xi32, #tpu.memory_space<vmem>>) semaphore(%arg8 : memref<!tpu.dma_semaphore, #tpu.memory_space<semaphore_mem>>)
    %dma_start3A_9 = arith.constant 1 : i32
    %dma_start3A_10 = arith.constant 0 : i32
    %dma_start3A_11 = tpu.memref_slice %arg5[%dma_start3A_9, %dma_start3A_10] : memref<16x4xi32, #tpu.memory_space<vmem>> -> memref<1x4xi32, #tpu.memory_space<vmem>>
    %dma_start3A_12 = tpu.memref_squeeze %dma_start3A_11 : memref<1x4xi32, #tpu.memory_space<vmem>> -> memref<4xi32, #tpu.memory_space<vmem>>
    %dma_start3A_13 = arith.constant 0 : i32
    %dma_start3A_14 = arith.constant 0 : i32
    %dma_start3A_15 = tpu.memref_slice %arg2[%dma_start3A_13, %dma_start3A_14] : memref<1000x13824xf32, #tpu.memory_space<hbm>> -> memref<1000x13824xf32, #tpu.memory_space<hbm>>
    tpu.enqueue_indirect_dma source(%dma_start3A_15 : memref<1000x13824xf32, #tpu.memory_space<hbm>>) target(%arg7 : memref<4x13824xf32, #tpu.memory_space<vmem>>) offsets(%dma_start3A_12 : memref<4xi32, #tpu.memory_space<vmem>>) semaphore(%arg9 : memref<!tpu.dma_semaphore, #tpu.memory_space<semaphore_mem>>)
    %dma_wait3A = arith.constant 0 : i32
    %dma_wait3A_16 = arith.constant 0 : i32
    %dma_wait3A_17 = tpu.memref_slice %arg5[%dma_wait3A, %dma_wait3A_16] : memref<16x4xi32, #tpu.memory_space<vmem>> -> memref<1x4xi32, #tpu.memory_space<vmem>>
    %dma_wait3A_18 = tpu.memref_squeeze %dma_wait3A_17 : memref<1x4xi32, #tpu.memory_space<vmem>> -> memref<4xi32, #tpu.memory_space<vmem>>
    %dma_wait3A_19 = arith.constant 0 : i32
    %dma_wait3A_20 = arith.constant 0 : i32
    %dma_wait3A_21 = tpu.memref_slice %arg2[%dma_wait3A_19, %dma_wait3A_20] : memref<1000x13824xf32, #tpu.memory_space<hbm>> -> memref<1000x13824xf32, #tpu.memory_space<hbm>>
    tpu.wait_indirect_dma semaphore(%arg8 : memref<!tpu.dma_semaphore, #tpu.memory_space<semaphore_mem>>) src(%dma_wait3A_21 : memref<1000x13824xf32, #tpu.memory_space<hbm>>) dst(%arg6 : memref<4x13824xf32, #tpu.memory_space<vmem>>)
    %mul3A_22 = arith.constant 64 : i32
    %mul3A_23 = arith.muli %add3A, %mul3A_22 : i32
    %add3A_24 = arith.constant 0 : i32
    %add3A_25 = arith.addi %mul3A_23, %add3A_24 : i32
    %dma_start3A_26 = arith.constant 0 : i32
    %dma_start3A_27 = tpu.memref_slice %arg4[%add3A_25, %dma_start3A_26] : memref<2048x13824xf32, #tpu.memory_space<hbm>> -> memref<4x13824xf32, #tpu.memory_space<hbm>>
    %dma_start3A_28 = arith.constant 0 : i32
    %dma_start3A_29 = tpu.memref_slice %arg4[%add3A_25, %dma_start3A_28] : memref<2048x13824xf32, #tpu.memory_space<hbm>> -> memref<4x13824xf32, #tpu.memory_space<hbm>>
    tpu.enqueue_dma source(%arg6 : memref<4x13824xf32, #tpu.memory_space<vmem>>) target(%dma_start3A_29 : memref<4x13824xf32, #tpu.memory_space<hbm>>) target_semaphore(%arg10 : memref<!tpu.dma_semaphore, #tpu.memory_space<semaphore_mem>>)
    %dma_wait3A_30 = arith.constant 0 : i32
    %dma_wait3A_31 = tpu.memref_slice %arg4[%add3A_25, %dma_wait3A_30] : memref<2048x13824xf32, #tpu.memory_space<hbm>> -> memref<4x13824xf32, #tpu.memory_space<hbm>>
    %dma_wait3A_32 = arith.constant 0 : i32
    %dma_wait3A_33 = tpu.memref_slice %arg4[%add3A_25, %dma_wait3A_32] : memref<2048x13824xf32, #tpu.memory_space<hbm>> -> memref<4x13824xf32, #tpu.memory_space<hbm>>
    tpu.wait_dma2 semaphore(%arg10 : memref<!tpu.dma_semaphore, #tpu.memory_space<semaphore_mem>>) src(%arg6 : memref<4x13824xf32, #tpu.memory_space<vmem>>) dst(%dma_wait3A_33 : memref<4x13824xf32, #tpu.memory_space<hbm>>)
    %dma_start3A_34 = arith.constant 2 : i32
    %dma_start3A_35 = arith.constant 0 : i32
    %dma_start3A_36 = tpu.memref_slice %arg5[%dma_start3A_34, %dma_start3A_35] : memref<16x4xi32, #tpu.memory_space<vmem>> -> memref<1x4xi32, #tpu.memory_space<vmem>>
    %dma_start3A_37 = tpu.memref_squeeze %dma_start3A_36 : memref<1x4xi32, #tpu.memory_space<vmem>> -> memref<4xi32, #tpu.memory_space<vmem>>
    %dma_start3A_38 = arith.constant 0 : i32
    %dma_start3A_39 = arith.constant 0 : i32
    %dma_start3A_40 = tpu.memref_slice %arg2[%dma_start3A_38, %dma_start3A_39] : memref<1000x13824xf32, #tpu.memory_space<hbm>> -> memref<1000x13824xf32, #tpu.memory_space<hbm>>
    tpu.enqueue_indirect_dma source(%dma_start3A_40 : memref<1000x13824xf32, #tpu.memory_space<hbm>>) target(%arg6 : memref<4x13824xf32, #tpu.memory_space<vmem>>) offsets(%dma_start3A_37 : memref<4xi32, #tpu.memory_space<vmem>>) semaphore(%arg8 : memref<!tpu.dma_semaphore, #tpu.memory_space<semaphore_mem>>)
    %dma_wait3A_41 = arith.constant 1 : i32
    %dma_wait3A_42 = arith.constant 0 : i32
    %dma_wait3A_43 = tpu.memref_slice %arg5[%dma_wait3A_41, %dma_wait3A_42] : memref<16x4xi32, #tpu.memory_space<vmem>> -> memref<1x4xi32, #tpu.memory_space<vmem>>
    %dma_wait3A_44 = tpu.memref_squeeze %dma_wait3A_43 : memref<1x4xi32, #tpu.memory_space<vmem>> -> memref<4xi32, #tpu.memory_space<vmem>>
    %dma_wait3A_45 = arith.constant 0 : i32
    %dma_wait3A_46 = arith.constant 0 : i32
    %dma_wait3A_47 = tpu.memref_slice %arg2[%dma_wait3A_45, %dma_wait3A_46] : memref<1000x13824xf32, #tpu.memory_space<hbm>> -> memref<1000x13824xf32, #tpu.memory_space<hbm>>
    tpu.wait_indirect_dma semaphore(%arg9 : memref<!tpu.dma_semaphore, #tpu.memory_space<semaphore_mem>>) src(%dma_wait3A_47 : memref<1000x13824xf32, #tpu.memory_space<hbm>>) dst(%arg7 : memref<4x13824xf32, #tpu.memory_space<vmem>>)
    %mul3A_48 = arith.constant 64 : i32
    %mul3A_49 = arith.muli %add3A, %mul3A_48 : i32
    %add3A_50 = arith.constant 4 : i32
    %add3A_51 = arith.addi %mul3A_49, %add3A_50 : i32
    %dma_start3A_52 = arith.constant 0 : i32
    %dma_start3A_53 = tpu.memref_slice %arg4[%add3A_51, %dma_start3A_52] : memref<2048x13824xf32, #tpu.memory_space<hbm>> -> memref<4x13824xf32, #tpu.memory_space<hbm>>
    %dma_start3A_54 = arith.constant 0 : i32
    %dma_start3A_55 = tpu.memref_slice %arg4[%add3A_51, %dma_start3A_54] : memref<2048x13824xf32, #tpu.memory_space<hbm>> -> memref<4x13824xf32, #tpu.memory_space<hbm>>
    tpu.enqueue_dma source(%arg7 : memref<4x13824xf32, #tpu.memory_space<vmem>>) target(%dma_start3A_55 : memref<4x13824xf32, #tpu.memory_space<hbm>>) target_semaphore(%arg11 : memref<!tpu.dma_semaphore, #tpu.memory_space<semaphore_mem>>)
    %dma_wait3A_56 = arith.constant 0 : i32
    %dma_wait3A_57 = tpu.memref_slice %arg4[%add3A_51, %dma_wait3A_56] : memref<2048x13824xf32, #tpu.memory_space<hbm>> -> memref<4x13824xf32, #tpu.memory_space<hbm>>
    %dma_wait3A_58 = arith.constant 0 : i32
    %dma_wait3A_59 = tpu.memref_slice %arg4[%add3A_51, %dma_wait3A_58] : memref<2048x13824xf32, #tpu.memory_space<hbm>> -> memref<4x13824xf32, #tpu.memory_space<hbm>>
    tpu.wait_dma2 semaphore(%arg11 : memref<!tpu.dma_semaphore, #tpu.memory_space<semaphore_mem>>) src(%arg7 : memref<4x13824xf32, #tpu.memory_space<vmem>>) dst(%dma_wait3A_59 : memref<4x13824xf32, #tpu.memory_space<hbm>>)
    %dma_start3A_60 = arith.constant 3 : i32
    %dma_start3A_61 = arith.constant 0 : i32
    %dma_start3A_62 = tpu.memref_slice %arg5[%dma_start3A_60, %dma_start3A_61] : memref<16x4xi32, #tpu.memory_space<vmem>> -> memref<1x4xi32, #tpu.memory_space<vmem>>
    %dma_start3A_63 = tpu.memref_squeeze %dma_start3A_62 : memref<1x4xi32, #tpu.memory_space<vmem>> -> memref<4xi32, #tpu.memory_space<vmem>>
    %dma_start3A_64 = arith.constant 0 : i32
    %dma_start3A_65 = arith.constant 0 : i32
    %dma_start3A_66 = tpu.memref_slice %arg2[%dma_start3A_64, %dma_start3A_65] : memref<1000x13824xf32, #tpu.memory_space<hbm>> -> memref<1000x13824xf32, #tpu.memory_space<hbm>>
    tpu.enqueue_indirect_dma source(%dma_start3A_66 : memref<1000x13824xf32, #tpu.memory_space<hbm>>) target(%arg7 : memref<4x13824xf32, #tpu.memory_space<vmem>>) offsets(%dma_start3A_63 : memref<4xi32, #tpu.memory_space<vmem>>) semaphore(%arg9 : memref<!tpu.dma_semaphore, #tpu.memory_space<semaphore_mem>>)
    %dma_wait3A_67 = arith.constant 2 : i32
    %dma_wait3A_68 = arith.constant 0 : i32
    %dma_wait3A_69 = tpu.memref_slice %arg5[%dma_wait3A_67, %dma_wait3A_68] : memref<16x4xi32, #tpu.memory_space<vmem>> -> memref<1x4xi32, #tpu.memory_space<vmem>>
    %dma_wait3A_70 = tpu.memref_squeeze %dma_wait3A_69 : memref<1x4xi32, #tpu.memory_space<vmem>> -> memref<4xi32, #tpu.memory_space<vmem>>
    %dma_wait3A_71 = arith.constant 0 : i32
    %dma_wait3A_72 = arith.constant 0 : i32
    %dma_wait3A_73 = tpu.memref_slice %arg2[%dma_wait3A_71, %dma_wait3A_72] : memref<1000x13824xf32, #tpu.memory_space<hbm>> -> memref<1000x13824xf32, #tpu.memory_space<hbm>>
    tpu.wait_indirect_dma semaphore(%arg8 : memref<!tpu.dma_semaphore, #tpu.memory_space<semaphore_mem>>) src(%dma_wait3A_73 : memref<1000x13824xf32, #tpu.memory_space<hbm>>) dst(%arg6 : memref<4x13824xf32, #tpu.memory_space<vmem>>)
    %mul3A_74 = arith.constant 64 : i32
    %mul3A_75 = arith.muli %add3A, %mul3A_74 : i32
    %add3A_76 = arith.constant 8 : i32
    %add3A_77 = arith.addi %mul3A_75, %add3A_76 : i32
    %dma_start3A_78 = arith.constant 0 : i32
    %dma_start3A_79 = tpu.memref_slice %arg4[%add3A_77, %dma_start3A_78] : memref<2048x13824xf32, #tpu.memory_space<hbm>> -> memref<4x13824xf32, #tpu.memory_space<hbm>>
    %dma_start3A_80 = arith.constant 0 : i32
    %dma_start3A_81 = tpu.memref_slice %arg4[%add3A_77, %dma_start3A_80] : memref<2048x13824xf32, #tpu.memory_space<hbm>> -> memref<4x13824xf32, #tpu.memory_space<hbm>>
    tpu.enqueue_dma source(%arg6 : memref<4x13824xf32, #tpu.memory_space<vmem>>) target(%dma_start3A_81 : memref<4x13824xf32, #tpu.memory_space<hbm>>) target_semaphore(%arg10 : memref<!tpu.dma_semaphore, #tpu.memory_space<semaphore_mem>>)
    %dma_wait3A_82 = arith.constant 0 : i32
    %dma_wait3A_83 = tpu.memref_slice %arg4[%add3A_77, %dma_wait3A_82] : memref<2048x13824xf32, #tpu.memory_space<hbm>> -> memref<4x13824xf32, #tpu.memory_space<hbm>>
    %dma_wait3A_84 = arith.constant 0 : i32
    %dma_wait3A_85 = tpu.memref_slice %arg4[%add3A_77, %dma_wait3A_84] : memref<2048x13824xf32, #tpu.memory_space<hbm>> -> memref<4x13824xf32, #tpu.memory_space<hbm>>
    tpu.wait_dma2 semaphore(%arg10 : memref<!tpu.dma_semaphore, #tpu.memory_space<semaphore_mem>>) src(%arg6 : memref<4x13824xf32, #tpu.memory_space<vmem>>) dst(%dma_wait3A_85 : memref<4x13824xf32, #tpu.memory_space<hbm>>)
    %dma_start3A_86 = arith.constant 4 : i32
    %dma_start3A_87 = arith.constant 0 : i32
    %dma_start3A_88 = tpu.memref_slice %arg5[%dma_start3A_86, %dma_start3A_87] : memref<16x4xi32, #tpu.memory_space<vmem>> -> memref<1x4xi32, #tpu.memory_space<vmem>>
    %dma_start3A_89 = tpu.memref_squeeze %dma_start3A_88 : memref<1x4xi32, #tpu.memory_space<vmem>> -> memref<4xi32, #tpu.memory_space<vmem>>
    %dma_start3A_90 = arith.constant 0 : i32
    %dma_start3A_91 = arith.constant 0 : i32
    %dma_start3A_92 = tpu.memref_slice %arg2[%dma_start3A_90, %dma_start3A_91] : memref<1000x13824xf32, #tpu.memory_space<hbm>> -> memref<1000x13824xf32, #tpu.memory_space<hbm>>
    tpu.enqueue_indirect_dma source(%dma_start3A_92 : memref<1000x13824xf32, #tpu.memory_space<hbm>>) target(%arg6 : memref<4x13824xf32, #tpu.memory_space<vmem>>) offsets(%dma_start3A_89 : memref<4xi32, #tpu.memory_space<vmem>>) semaphore(%arg8 : memref<!tpu.dma_semaphore, #tpu.memory_space<semaphore_mem>>)
    %dma_wait3A_93 = arith.constant 3 : i32
    %dma_wait3A_94 = arith.constant 0 : i32
    %dma_wait3A_95 = tpu.memref_slice %arg5[%dma_wait3A_93, %dma_wait3A_94] : memref<16x4xi32, #tpu.memory_space<vmem>> -> memref<1x4xi32, #tpu.memory_space<vmem>>
    %dma_wait3A_96 = tpu.memref_squeeze %dma_wait3A_95 : memref<1x4xi32, #tpu.memory_space<vmem>> -> memref<4xi32, #tpu.memory_space<vmem>>
    %dma_wait3A_97 = arith.constant 0 : i32
    %dma_wait3A_98 = arith.constant 0 : i32
    %dma_wait3A_99 = tpu.memref_slice %arg2[%dma_wait3A_97, %dma_wait3A_98] : memref<1000x13824xf32, #tpu.memory_space<hbm>> -> memref<1000x13824xf32, #tpu.memory_space<hbm>>
    tpu.wait_indirect_dma semaphore(%arg9 : memref<!tpu.dma_semaphore, #tpu.memory_space<semaphore_mem>>) src(%dma_wait3A_99 : memref<1000x13824xf32, #tpu.memory_space<hbm>>) dst(%arg7 : memref<4x13824xf32, #tpu.memory_space<vmem>>)
    %mul3A_100 = arith.constant 64 : i32
    %mul3A_101 = arith.muli %add3A, %mul3A_100 : i32
    %add3A_102 = arith.constant 12 : i32
    %add3A_103 = arith.addi %mul3A_101, %add3A_102 : i32
    %dma_start3A_104 = arith.constant 0 : i32
    %dma_start3A_105 = tpu.memref_slice %arg4[%add3A_103, %dma_start3A_104] : memref<2048x13824xf32, #tpu.memory_space<hbm>> -> memref<4x13824xf32, #tpu.memory_space<hbm>>
    %dma_start3A_106 = arith.constant 0 : i32
    %dma_start3A_107 = tpu.memref_slice %arg4[%add3A_103, %dma_start3A_106] : memref<2048x13824xf32, #tpu.memory_space<hbm>> -> memref<4x13824xf32, #tpu.memory_space<hbm>>
    tpu.enqueue_dma source(%arg7 : memref<4x13824xf32, #tpu.memory_space<vmem>>) target(%dma_start3A_107 : memref<4x13824xf32, #tpu.memory_space<hbm>>) target_semaphore(%arg11 : memref<!tpu.dma_semaphore, #tpu.memory_space<semaphore_mem>>)
    %dma_wait3A_108 = arith.constant 0 : i32
    %dma_wait3A_109 = tpu.memref_slice %arg4[%add3A_103, %dma_wait3A_108] : memref<2048x13824xf32, #tpu.memory_space<hbm>> -> memref<4x13824xf32, #tpu.memory_space<hbm>>
    %dma_wait3A_110 = arith.constant 0 : i32
    %dma_wait3A_111 = tpu.memref_slice %arg4[%add3A_103, %dma_wait3A_110] : memref<2048x13824xf32, #tpu.memory_space<hbm>> -> memref<4x13824xf32, #tpu.memory_space<hbm>>
    tpu.wait_dma2 semaphore(%arg11 : memref<!tpu.dma_semaphore, #tpu.memory_space<semaphore_mem>>) src(%arg7 : memref<4x13824xf32, #tpu.memory_space<vmem>>) dst(%dma_wait3A_111 : memref<4x13824xf32, #tpu.memory_space<hbm>>)
    %dma_start3A_112 = arith.constant 5 : i32
    %dma_start3A_113 = arith.constant 0 : i32
    %dma_start3A_114 = tpu.memref_slice %arg5[%dma_start3A_112, %dma_start3A_113] : memref<16x4xi32, #tpu.memory_space<vmem>> -> memref<1x4xi32, #tpu.memory_space<vmem>>
    %dma_start3A_115 = tpu.memref_squeeze %dma_start3A_114 : memref<1x4xi32, #tpu.memory_space<vmem>> -> memref<4xi32, #tpu.memory_space<vmem>>
    %dma_start3A_116 = arith.constant 0 : i32
    %dma_start3A_117 = arith.constant 0 : i32
    %dma_start3A_118 = tpu.memref_slice %arg2[%dma_start3A_116, %dma_start3A_117] : memref<1000x13824xf32, #tpu.memory_space<hbm>> -> memref<1000x13824xf32, #tpu.memory_space<hbm>>
    tpu.enqueue_indirect_dma source(%dma_start3A_118 : memref<1000x13824xf32, #tpu.memory_space<hbm>>) target(%arg7 : memref<4x13824xf32, #tpu.memory_space<vmem>>) offsets(%dma_start3A_115 : memref<4xi32, #tpu.memory_space<vmem>>) semaphore(%arg9 : memref<!tpu.dma_semaphore, #tpu.memory_space<semaphore_mem>>)
    %dma_wait3A_119 = arith.constant 4 : i32
    %dma_wait3A_120 = arith.constant 0 : i32
    %dma_wait3A_121 = tpu.memref_slice %arg5[%dma_wait3A_119, %dma_wait3A_120] : memref<16x4xi32, #tpu.memory_space<vmem>> -> memref<1x4xi32, #tpu.memory_space<vmem>>
    %dma_wait3A_122 = tpu.memref_squeeze %dma_wait3A_121 : memref<1x4xi32, #tpu.memory_space<vmem>> -> memref<4xi32, #tpu.memory_space<vmem>>
    %dma_wait3A_123 = arith.constant 0 : i32
    %dma_wait3A_124 = arith.constant 0 : i32
    %dma_wait3A_125 = tpu.memref_slice %arg2[%dma_wait3A_123, %dma_wait3A_124] : memref<1000x13824xf32, #tpu.memory_space<hbm>> -> memref<1000x13824xf32, #tpu.memory_space<hbm>>
    tpu.wait_indirect_dma semaphore(%arg8 : memref<!tpu.dma_semaphore, #tpu.memory_space<semaphore_mem>>) src(%dma_wait3A_125 : memref<1000x13824xf32, #tpu.memory_space<hbm>>) dst(%arg6 : memref<4x13824xf32, #tpu.memory_space<vmem>>)
    %mul3A_126 = arith.constant 64 : i32
    %mul3A_127 = arith.muli %add3A, %mul3A_126 : i32
    %add3A_128 = arith.constant 16 : i32
    %add3A_129 = arith.addi %mul3A_127, %add3A_128 : i32
    %dma_start3A_130 = arith.constant 0 : i32
    %dma_start3A_131 = tpu.memref_slice %arg4[%add3A_129, %dma_start3A_130] : memref<2048x13824xf32, #tpu.memory_space<hbm>> -> memref<4x13824xf32, #tpu.memory_space<hbm>>
    %dma_start3A_132 = arith.constant 0 : i32
    %dma_start3A_133 = tpu.memref_slice %arg4[%add3A_129, %dma_start3A_132] : memref<2048x13824xf32, #tpu.memory_space<hbm>> -> memref<4x13824xf32, #tpu.memory_space<hbm>>
    tpu.enqueue_dma source(%arg6 : memref<4x13824xf32, #tpu.memory_space<vmem>>) target(%dma_start3A_133 : memref<4x13824xf32, #tpu.memory_space<hbm>>) target_semaphore(%arg10 : memref<!tpu.dma_semaphore, #tpu.memory_space<semaphore_mem>>)
    %dma_wait3A_134 = arith.constant 0 : i32
    %dma_wait3A_135 = tpu.memref_slice %arg4[%add3A_129, %dma_wait3A_134] : memref<2048x13824xf32, #tpu.memory_space<hbm>> -> memref<4x13824xf32, #tpu.memory_space<hbm>>
    %dma_wait3A_136 = arith.constant 0 : i32
    %dma_wait3A_137 = tpu.memref_slice %arg4[%add3A_129, %dma_wait3A_136] : memref<2048x13824xf32, #tpu.memory_space<hbm>> -> memref<4x13824xf32, #tpu.memory_space<hbm>>
    tpu.wait_dma2 semaphore(%arg10 : memref<!tpu.dma_semaphore, #tpu.memory_space<semaphore_mem>>) src(%arg6 : memref<4x13824xf32, #tpu.memory_space<vmem>>) dst(%dma_wait3A_137 : memref<4x13824xf32, #tpu.memory_space<hbm>>)
    %dma_start3A_138 = arith.constant 6 : i32
    %dma_start3A_139 = arith.constant 0 : i32
    %dma_start3A_140 = tpu.memref_slice %arg5[%dma_start3A_138, %dma_start3A_139] : memref<16x4xi32, #tpu.memory_space<vmem>> -> memref<1x4xi32, #tpu.memory_space<vmem>>
    %dma_start3A_141 = tpu.memref_squeeze %dma_start3A_140 : memref<1x4xi32, #tpu.memory_space<vmem>> -> memref<4xi32, #tpu.memory_space<vmem>>
    %dma_start3A_142 = arith.constant 0 : i32
    %dma_start3A_143 = arith.constant 0 : i32
    %dma_start3A_144 = tpu.memref_slice %arg2[%dma_start3A_142, %dma_start3A_143] : memref<1000x13824xf32, #tpu.memory_space<hbm>> -> memref<1000x13824xf32, #tpu.memory_space<hbm>>
    tpu.enqueue_indirect_dma source(%dma_start3A_144 : memref<1000x13824xf32, #tpu.memory_space<hbm>>) target(%arg6 : memref<4x13824xf32, #tpu.memory_space<vmem>>) offsets(%dma_start3A_141 : memref<4xi32, #tpu.memory_space<vmem>>) semaphore(%arg8 : memref<!tpu.dma_semaphore, #tpu.memory_space<semaphore_mem>>)
    %dma_wait3A_145 = arith.constant 5 : i32
    %dma_wait3A_146 = arith.constant 0 : i32
    %dma_wait3A_147 = tpu.memref_slice %arg5[%dma_wait3A_145, %dma_wait3A_146] : memref<16x4xi32, #tpu.memory_space<vmem>> -> memref<1x4xi32, #tpu.memory_space<vmem>>
    %dma_wait3A_148 = tpu.memref_squeeze %dma_wait3A_147 : memref<1x4xi32, #tpu.memory_space<vmem>> -> memref<4xi32, #tpu.memory_space<vmem>>
    %dma_wait3A_149 = arith.constant 0 : i32
    %dma_wait3A_150 = arith.constant 0 : i32
    %dma_wait3A_151 = tpu.memref_slice %arg2[%dma_wait3A_149, %dma_wait3A_150] : memref<1000x13824xf32, #tpu.memory_space<hbm>> -> memref<1000x13824xf32, #tpu.memory_space<hbm>>
    tpu.wait_indirect_dma semaphore(%arg9 : memref<!tpu.dma_semaphore, #tpu.memory_space<semaphore_mem>>) src(%dma_wait3A_151 : memref<1000x13824xf32, #tpu.memory_space<hbm>>) dst(%arg7 : memref<4x13824xf32, #tpu.memory_space<vmem>>)
    %mul3A_152 = arith.constant 64 : i32
    %mul3A_153 = arith.muli %add3A, %mul3A_152 : i32
    %add3A_154 = arith.constant 20 : i32
    %add3A_155 = arith.addi %mul3A_153, %add3A_154 : i32
    %dma_start3A_156 = arith.constant 0 : i32
    %dma_start3A_157 = tpu.memref_slice %arg4[%add3A_155, %dma_start3A_156] : memref<2048x13824xf32, #tpu.memory_space<hbm>> -> memref<4x13824xf32, #tpu.memory_space<hbm>>
    %dma_start3A_158 = arith.constant 0 : i32
    %dma_start3A_159 = tpu.memref_slice %arg4[%add3A_155, %dma_start3A_158] : memref<2048x13824xf32, #tpu.memory_space<hbm>> -> memref<4x13824xf32, #tpu.memory_space<hbm>>
    tpu.enqueue_dma source(%arg7 : memref<4x13824xf32, #tpu.memory_space<vmem>>) target(%dma_start3A_159 : memref<4x13824xf32, #tpu.memory_space<hbm>>) target_semaphore(%arg11 : memref<!tpu.dma_semaphore, #tpu.memory_space<semaphore_mem>>)
    %dma_wait3A_160 = arith.constant 0 : i32
    %dma_wait3A_161 = tpu.memref_slice %arg4[%add3A_155, %dma_wait3A_160] : memref<2048x13824xf32, #tpu.memory_space<hbm>> -> memref<4x13824xf32, #tpu.memory_space<hbm>>
    %dma_wait3A_162 = arith.constant 0 : i32
    %dma_wait3A_163 = tpu.memref_slice %arg4[%add3A_155, %dma_wait3A_162] : memref<2048x13824xf32, #tpu.memory_space<hbm>> -> memref<4x13824xf32, #tpu.memory_space<hbm>>
    tpu.wait_dma2 semaphore(%arg11 : memref<!tpu.dma_semaphore, #tpu.memory_space<semaphore_mem>>) src(%arg7 : memref<4x13824xf32, #tpu.memory_space<vmem>>) dst(%dma_wait3A_163 : memref<4x13824xf32, #tpu.memory_space<hbm>>)
    %dma_start3A_164 = arith.constant 7 : i32
    %dma_start3A_165 = arith.constant 0 : i32
    %dma_start3A_166 = tpu.memref_slice %arg5[%dma_start3A_164, %dma_start3A_165] : memref<16x4xi32, #tpu.memory_space<vmem>> -> memref<1x4xi32, #tpu.memory_space<vmem>>
    %dma_start3A_167 = tpu.memref_squeeze %dma_start3A_166 : memref<1x4xi32, #tpu.memory_space<vmem>> -> memref<4xi32, #tpu.memory_space<vmem>>
    %dma_start3A_168 = arith.constant 0 : i32
    %dma_start3A_169 = arith.constant 0 : i32
    %dma_start3A_170 = tpu.memref_slice %arg2[%dma_start3A_168, %dma_start3A_169] : memref<1000x13824xf32, #tpu.memory_space<hbm>> -> memref<1000x13824xf32, #tpu.memory_space<hbm>>
    tpu.enqueue_indirect_dma source(%dma_start3A_170 : memref<1000x13824xf32, #tpu.memory_space<hbm>>) target(%arg7 : memref<4x13824xf32, #tpu.memory_space<vmem>>) offsets(%dma_start3A_167 : memref<4xi32, #tpu.memory_space<vmem>>) semaphore(%arg9 : memref<!tpu.dma_semaphore, #tpu.memory_space<semaphore_mem>>)
    %dma_wait3A_171 = arith.constant 6 : i32
    %dma_wait3A_172 = arith.constant 0 : i32
    %dma_wait3A_173 = tpu.memref_slice %arg5[%dma_wait3A_171, %dma_wait3A_172] : memref<16x4xi32, #tpu.memory_space<vmem>> -> memref<1x4xi32, #tpu.memory_space<vmem>>
    %dma_wait3A_174 = tpu.memref_squeeze %dma_wait3A_173 : memref<1x4xi32, #tpu.memory_space<vmem>> -> memref<4xi32, #tpu.memory_space<vmem>>
    %dma_wait3A_175 = arith.constant 0 : i32
    %dma_wait3A_176 = arith.constant 0 : i32
    %dma_wait3A_177 = tpu.memref_slice %arg2[%dma_wait3A_175, %dma_wait3A_176] : memref<1000x13824xf32, #tpu.memory_space<hbm>> -> memref<1000x13824xf32, #tpu.memory_space<hbm>>
    tpu.wait_indirect_dma semaphore(%arg8 : memref<!tpu.dma_semaphore, #tpu.memory_space<semaphore_mem>>) src(%dma_wait3A_177 : memref<1000x13824xf32, #tpu.memory_space<hbm>>) dst(%arg6 : memref<4x13824xf32, #tpu.memory_space<vmem>>)
    %mul3A_178 = arith.constant 64 : i32
    %mul3A_179 = arith.muli %add3A, %mul3A_178 : i32
    %add3A_180 = arith.constant 24 : i32
    %add3A_181 = arith.addi %mul3A_179, %add3A_180 : i32
    %dma_start3A_182 = arith.constant 0 : i32
    %dma_start3A_183 = tpu.memref_slice %arg4[%add3A_181, %dma_start3A_182] : memref<2048x13824xf32, #tpu.memory_space<hbm>> -> memref<4x13824xf32, #tpu.memory_space<hbm>>
    %dma_start3A_184 = arith.constant 0 : i32
    %dma_start3A_185 = tpu.memref_slice %arg4[%add3A_181, %dma_start3A_184] : memref<2048x13824xf32, #tpu.memory_space<hbm>> -> memref<4x13824xf32, #tpu.memory_space<hbm>>
    tpu.enqueue_dma source(%arg6 : memref<4x13824xf32, #tpu.memory_space<vmem>>) target(%dma_start3A_185 : memref<4x13824xf32, #tpu.memory_space<hbm>>) target_semaphore(%arg10 : memref<!tpu.dma_semaphore, #tpu.memory_space<semaphore_mem>>)
    %dma_wait3A_186 = arith.constant 0 : i32
    %dma_wait3A_187 = tpu.memref_slice %arg4[%add3A_181, %dma_wait3A_186] : memref<2048x13824xf32, #tpu.memory_space<hbm>> -> memref<4x13824xf32, #tpu.memory_space<hbm>>
    %dma_wait3A_188 = arith.constant 0 : i32
    %dma_wait3A_189 = tpu.memref_slice %arg4[%add3A_181, %dma_wait3A_188] : memref<2048x13824xf32, #tpu.memory_space<hbm>> -> memref<4x13824xf32, #tpu.memory_space<hbm>>
    tpu.wait_dma2 semaphore(%arg10 : memref<!tpu.dma_semaphore, #tpu.memory_space<semaphore_mem>>) src(%arg6 : memref<4x13824xf32, #tpu.memory_space<vmem>>) dst(%dma_wait3A_189 : memref<4x13824xf32, #tpu.memory_space<hbm>>)
    %dma_start3A_190 = arith.constant 8 : i32
    %dma_start3A_191 = arith.constant 0 : i32
    %dma_start3A_192 = tpu.memref_slice %arg5[%dma_start3A_190, %dma_start3A_191] : memref<16x4xi32, #tpu.memory_space<vmem>> -> memref<1x4xi32, #tpu.memory_space<vmem>>
    %dma_start3A_193 = tpu.memref_squeeze %dma_start3A_192 : memref<1x4xi32, #tpu.memory_space<vmem>> -> memref<4xi32, #tpu.memory_space<vmem>>
    %dma_start3A_194 = arith.constant 0 : i32
    %dma_start3A_195 = arith.constant 0 : i32
    %dma_start3A_196 = tpu.memref_slice %arg2[%dma_start3A_194, %dma_start3A_195] : memref<1000x13824xf32, #tpu.memory_space<hbm>> -> memref<1000x13824xf32, #tpu.memory_space<hbm>>
    tpu.enqueue_indirect_dma source(%dma_start3A_196 : memref<1000x13824xf32, #tpu.memory_space<hbm>>) target(%arg6 : memref<4x13824xf32, #tpu.memory_space<vmem>>) offsets(%dma_start3A_193 : memref<4xi32, #tpu.memory_space<vmem>>) semaphore(%arg8 : memref<!tpu.dma_semaphore, #tpu.memory_space<semaphore_mem>>)
    %dma_wait3A_197 = arith.constant 7 : i32
    %dma_wait3A_198 = arith.constant 0 : i32
    %dma_wait3A_199 = tpu.memref_slice %arg5[%dma_wait3A_197, %dma_wait3A_198] : memref<16x4xi32, #tpu.memory_space<vmem>> -> memref<1x4xi32, #tpu.memory_space<vmem>>
    %dma_wait3A_200 = tpu.memref_squeeze %dma_wait3A_199 : memref<1x4xi32, #tpu.memory_space<vmem>> -> memref<4xi32, #tpu.memory_space<vmem>>
    %dma_wait3A_201 = arith.constant 0 : i32
    %dma_wait3A_202 = arith.constant 0 : i32
    %dma_wait3A_203 = tpu.memref_slice %arg2[%dma_wait3A_201, %dma_wait3A_202] : memref<1000x13824xf32, #tpu.memory_space<hbm>> -> memref<1000x13824xf32, #tpu.memory_space<hbm>>
    tpu.wait_indirect_dma semaphore(%arg9 : memref<!tpu.dma_semaphore, #tpu.memory_space<semaphore_mem>>) src(%dma_wait3A_203 : memref<1000x13824xf32, #tpu.memory_space<hbm>>) dst(%arg7 : memref<4x13824xf32, #tpu.memory_space<vmem>>)
    %mul3A_204 = arith.constant 64 : i32
    %mul3A_205 = arith.muli %add3A, %mul3A_204 : i32
    %add3A_206 = arith.constant 28 : i32
    %add3A_207 = arith.addi %mul3A_205, %add3A_206 : i32
    %dma_start3A_208 = arith.constant 0 : i32
    %dma_start3A_209 = tpu.memref_slice %arg4[%add3A_207, %dma_start3A_208] : memref<2048x13824xf32, #tpu.memory_space<hbm>> -> memref<4x13824xf32, #tpu.memory_space<hbm>>
    %dma_start3A_210 = arith.constant 0 : i32
    %dma_start3A_211 = tpu.memref_slice %arg4[%add3A_207, %dma_start3A_210] : memref<2048x13824xf32, #tpu.memory_space<hbm>> -> memref<4x13824xf32, #tpu.memory_space<hbm>>
    tpu.enqueue_dma source(%arg7 : memref<4x13824xf32, #tpu.memory_space<vmem>>) target(%dma_start3A_211 : memref<4x13824xf32, #tpu.memory_space<hbm>>) target_semaphore(%arg11 : memref<!tpu.dma_semaphore, #tpu.memory_space<semaphore_mem>>)
    %dma_wait3A_212 = arith.constant 0 : i32
    %dma_wait3A_213 = tpu.memref_slice %arg4[%add3A_207, %dma_wait3A_212] : memref<2048x13824xf32, #tpu.memory_space<hbm>> -> memref<4x13824xf32, #tpu.memory_space<hbm>>
    %dma_wait3A_214 = arith.constant 0 : i32
    %dma_wait3A_215 = tpu.memref_slice %arg4[%add3A_207, %dma_wait3A_214] : memref<2048x13824xf32, #tpu.memory_space<hbm>> -> memref<4x13824xf32, #tpu.memory_space<hbm>>
    tpu.wait_dma2 semaphore(%arg11 : memref<!tpu.dma_semaphore, #tpu.memory_space<semaphore_mem>>) src(%arg7 : memref<4x13824xf32, #tpu.memory_space<vmem>>) dst(%dma_wait3A_215 : memref<4x13824xf32, #tpu.memory_space<hbm>>)
    %dma_start3A_216 = arith.constant 9 : i32
    %dma_start3A_217 = arith.constant 0 : i32
    %dma_start3A_218 = tpu.memref_slice %arg5[%dma_start3A_216, %dma_start3A_217] : memref<16x4xi32, #tpu.memory_space<vmem>> -> memref<1x4xi32, #tpu.memory_space<vmem>>
    %dma_start3A_219 = tpu.memref_squeeze %dma_start3A_218 : memref<1x4xi32, #tpu.memory_space<vmem>> -> memref<4xi32, #tpu.memory_space<vmem>>
    %dma_start3A_220 = arith.constant 0 : i32
    %dma_start3A_221 = arith.constant 0 : i32
    %dma_start3A_222 = tpu.memref_slice %arg2[%dma_start3A_220, %dma_start3A_221] : memref<1000x13824xf32, #tpu.memory_space<hbm>> -> memref<1000x13824xf32, #tpu.memory_space<hbm>>
    tpu.enqueue_indirect_dma source(%dma_start3A_222 : memref<1000x13824xf32, #tpu.memory_space<hbm>>) target(%arg7 : memref<4x13824xf32, #tpu.memory_space<vmem>>) offsets(%dma_start3A_219 : memref<4xi32, #tpu.memory_space<vmem>>) semaphore(%arg9 : memref<!tpu.dma_semaphore, #tpu.memory_space<semaphore_mem>>)
    %dma_wait3A_223 = arith.constant 8 : i32
    %dma_wait3A_224 = arith.constant 0 : i32
    %dma_wait3A_225 = tpu.memref_slice %arg5[%dma_wait3A_223, %dma_wait3A_224] : memref<16x4xi32, #tpu.memory_space<vmem>> -> memref<1x4xi32, #tpu.memory_space<vmem>>
    %dma_wait3A_226 = tpu.memref_squeeze %dma_wait3A_225 : memref<1x4xi32, #tpu.memory_space<vmem>> -> memref<4xi32, #tpu.memory_space<vmem>>
    %dma_wait3A_227 = arith.constant 0 : i32
    %dma_wait3A_228 = arith.constant 0 : i32
    %dma_wait3A_229 = tpu.memref_slice %arg2[%dma_wait3A_227, %dma_wait3A_228] : memref<1000x13824xf32, #tpu.memory_space<hbm>> -> memref<1000x13824xf32, #tpu.memory_space<hbm>>
    tpu.wait_indirect_dma semaphore(%arg8 : memref<!tpu.dma_semaphore, #tpu.memory_space<semaphore_mem>>) src(%dma_wait3A_229 : memref<1000x13824xf32, #tpu.memory_space<hbm>>) dst(%arg6 : memref<4x13824xf32, #tpu.memory_space<vmem>>)
    %mul3A_230 = arith.constant 64 : i32
    %mul3A_231 = arith.muli %add3A, %mul3A_230 : i32
    %add3A_232 = arith.constant 32 : i32
    %add3A_233 = arith.addi %mul3A_231, %add3A_232 : i32
    %dma_start3A_234 = arith.constant 0 : i32
    %dma_start3A_235 = tpu.memref_slice %arg4[%add3A_233, %dma_start3A_234] : memref<2048x13824xf32, #tpu.memory_space<hbm>> -> memref<4x13824xf32, #tpu.memory_space<hbm>>
    %dma_start3A_236 = arith.constant 0 : i32
    %dma_start3A_237 = tpu.memref_slice %arg4[%add3A_233, %dma_start3A_236] : memref<2048x13824xf32, #tpu.memory_space<hbm>> -> memref<4x13824xf32, #tpu.memory_space<hbm>>
    tpu.enqueue_dma source(%arg6 : memref<4x13824xf32, #tpu.memory_space<vmem>>) target(%dma_start3A_237 : memref<4x13824xf32, #tpu.memory_space<hbm>>) target_semaphore(%arg10 : memref<!tpu.dma_semaphore, #tpu.memory_space<semaphore_mem>>)
    %dma_wait3A_238 = arith.constant 0 : i32
    %dma_wait3A_239 = tpu.memref_slice %arg4[%add3A_233, %dma_wait3A_238] : memref<2048x13824xf32, #tpu.memory_space<hbm>> -> memref<4x13824xf32, #tpu.memory_space<hbm>>
    %dma_wait3A_240 = arith.constant 0 : i32
    %dma_wait3A_241 = tpu.memref_slice %arg4[%add3A_233, %dma_wait3A_240] : memref<2048x13824xf32, #tpu.memory_space<hbm>> -> memref<4x13824xf32, #tpu.memory_space<hbm>>
    tpu.wait_dma2 semaphore(%arg10 : memref<!tpu.dma_semaphore, #tpu.memory_space<semaphore_mem>>) src(%arg6 : memref<4x13824xf32, #tpu.memory_space<vmem>>) dst(%dma_wait3A_241 : memref<4x13824xf32, #tpu.memory_space<hbm>>)
    %dma_start3A_242 = arith.constant 10 : i32
    %dma_start3A_243 = arith.constant 0 : i32
    %dma_start3A_244 = tpu.memref_slice %arg5[%dma_start3A_242, %dma_start3A_243] : memref<16x4xi32, #tpu.memory_space<vmem>> -> memref<1x4xi32, #tpu.memory_space<vmem>>
    %dma_start3A_245 = tpu.memref_squeeze %dma_start3A_244 : memref<1x4xi32, #tpu.memory_space<vmem>> -> memref<4xi32, #tpu.memory_space<vmem>>
    %dma_start3A_246 = arith.constant 0 : i32
    %dma_start3A_247 = arith.constant 0 : i32
    %dma_start3A_248 = tpu.memref_slice %arg2[%dma_start3A_246, %dma_start3A_247] : memref<1000x13824xf32, #tpu.memory_space<hbm>> -> memref<1000x13824xf32, #tpu.memory_space<hbm>>
    tpu.enqueue_indirect_dma source(%dma_start3A_248 : memref<1000x13824xf32, #tpu.memory_space<hbm>>) target(%arg6 : memref<4x13824xf32, #tpu.memory_space<vmem>>) offsets(%dma_start3A_245 : memref<4xi32, #tpu.memory_space<vmem>>) semaphore(%arg8 : memref<!tpu.dma_semaphore, #tpu.memory_space<semaphore_mem>>)
    %dma_wait3A_249 = arith.constant 9 : i32
    %dma_wait3A_250 = arith.constant 0 : i32
    %dma_wait3A_251 = tpu.memref_slice %arg5[%dma_wait3A_249, %dma_wait3A_250] : memref<16x4xi32, #tpu.memory_space<vmem>> -> memref<1x4xi32, #tpu.memory_space<vmem>>
    %dma_wait3A_252 = tpu.memref_squeeze %dma_wait3A_251 : memref<1x4xi32, #tpu.memory_space<vmem>> -> memref<4xi32, #tpu.memory_space<vmem>>
    %dma_wait3A_253 = arith.constant 0 : i32
    %dma_wait3A_254 = arith.constant 0 : i32
    %dma_wait3A_255 = tpu.memref_slice %arg2[%dma_wait3A_253, %dma_wait3A_254] : memref<1000x13824xf32, #tpu.memory_space<hbm>> -> memref<1000x13824xf32, #tpu.memory_space<hbm>>
    tpu.wait_indirect_dma semaphore(%arg9 : memref<!tpu.dma_semaphore, #tpu.memory_space<semaphore_mem>>) src(%dma_wait3A_255 : memref<1000x13824xf32, #tpu.memory_space<hbm>>) dst(%arg7 : memref<4x13824xf32, #tpu.memory_space<vmem>>)
    %mul3A_256 = arith.constant 64 : i32
    %mul3A_257 = arith.muli %add3A, %mul3A_256 : i32
    %add3A_258 = arith.constant 36 : i32
    %add3A_259 = arith.addi %mul3A_257, %add3A_258 : i32
    %dma_start3A_260 = arith.constant 0 : i32
    %dma_start3A_261 = tpu.memref_slice %arg4[%add3A_259, %dma_start3A_260] : memref<2048x13824xf32, #tpu.memory_space<hbm>> -> memref<4x13824xf32, #tpu.memory_space<hbm>>
    %dma_start3A_262 = arith.constant 0 : i32
    %dma_start3A_263 = tpu.memref_slice %arg4[%add3A_259, %dma_start3A_262] : memref<2048x13824xf32, #tpu.memory_space<hbm>> -> memref<4x13824xf32, #tpu.memory_space<hbm>>
    tpu.enqueue_dma source(%arg7 : memref<4x13824xf32, #tpu.memory_space<vmem>>) target(%dma_start3A_263 : memref<4x13824xf32, #tpu.memory_space<hbm>>) target_semaphore(%arg11 : memref<!tpu.dma_semaphore, #tpu.memory_space<semaphore_mem>>)
    %dma_wait3A_264 = arith.constant 0 : i32
    %dma_wait3A_265 = tpu.memref_slice %arg4[%add3A_259, %dma_wait3A_264] : memref<2048x13824xf32, #tpu.memory_space<hbm>> -> memref<4x13824xf32, #tpu.memory_space<hbm>>
    %dma_wait3A_266 = arith.constant 0 : i32
    %dma_wait3A_267 = tpu.memref_slice %arg4[%add3A_259, %dma_wait3A_266] : memref<2048x13824xf32, #tpu.memory_space<hbm>> -> memref<4x13824xf32, #tpu.memory_space<hbm>>
    tpu.wait_dma2 semaphore(%arg11 : memref<!tpu.dma_semaphore, #tpu.memory_space<semaphore_mem>>) src(%arg7 : memref<4x13824xf32, #tpu.memory_space<vmem>>) dst(%dma_wait3A_267 : memref<4x13824xf32, #tpu.memory_space<hbm>>)
    %dma_start3A_268 = arith.constant 11 : i32
    %dma_start3A_269 = arith.constant 0 : i32
    %dma_start3A_270 = tpu.memref_slice %arg5[%dma_start3A_268, %dma_start3A_269] : memref<16x4xi32, #tpu.memory_space<vmem>> -> memref<1x4xi32, #tpu.memory_space<vmem>>
    %dma_start3A_271 = tpu.memref_squeeze %dma_start3A_270 : memref<1x4xi32, #tpu.memory_space<vmem>> -> memref<4xi32, #tpu.memory_space<vmem>>
    %dma_start3A_272 = arith.constant 0 : i32
    %dma_start3A_273 = arith.constant 0 : i32
    %dma_start3A_274 = tpu.memref_slice %arg2[%dma_start3A_272, %dma_start3A_273] : memref<1000x13824xf32, #tpu.memory_space<hbm>> -> memref<1000x13824xf32, #tpu.memory_space<hbm>>
    tpu.enqueue_indirect_dma source(%dma_start3A_274 : memref<1000x13824xf32, #tpu.memory_space<hbm>>) target(%arg7 : memref<4x13824xf32, #tpu.memory_space<vmem>>) offsets(%dma_start3A_271 : memref<4xi32, #tpu.memory_space<vmem>>) semaphore(%arg9 : memref<!tpu.dma_semaphore, #tpu.memory_space<semaphore_mem>>)
    %dma_wait3A_275 = arith.constant 10 : i32
    %dma_wait3A_276 = arith.constant 0 : i32
    %dma_wait3A_277 = tpu.memref_slice %arg5[%dma_wait3A_275, %dma_wait3A_276] : memref<16x4xi32, #tpu.memory_space<vmem>> -> memref<1x4xi32, #tpu.memory_space<vmem>>
    %dma_wait3A_278 = tpu.memref_squeeze %dma_wait3A_277 : memref<1x4xi32, #tpu.memory_space<vmem>> -> memref<4xi32, #tpu.memory_space<vmem>>
    %dma_wait3A_279 = arith.constant 0 : i32
    %dma_wait3A_280 = arith.constant 0 : i32
    %dma_wait3A_281 = tpu.memref_slice %arg2[%dma_wait3A_279, %dma_wait3A_280] : memref<1000x13824xf32, #tpu.memory_space<hbm>> -> memref<1000x13824xf32, #tpu.memory_space<hbm>>
    tpu.wait_indirect_dma semaphore(%arg8 : memref<!tpu.dma_semaphore, #tpu.memory_space<semaphore_mem>>) src(%dma_wait3A_281 : memref<1000x13824xf32, #tpu.memory_space<hbm>>) dst(%arg6 : memref<4x13824xf32, #tpu.memory_space<vmem>>)
    %mul3A_282 = arith.constant 64 : i32
    %mul3A_283 = arith.muli %add3A, %mul3A_282 : i32
    %add3A_284 = arith.constant 40 : i32
    %add3A_285 = arith.addi %mul3A_283, %add3A_284 : i32
    %dma_start3A_286 = arith.constant 0 : i32
    %dma_start3A_287 = tpu.memref_slice %arg4[%add3A_285, %dma_start3A_286] : memref<2048x13824xf32, #tpu.memory_space<hbm>> -> memref<4x13824xf32, #tpu.memory_space<hbm>>
    %dma_start3A_288 = arith.constant 0 : i32
    %dma_start3A_289 = tpu.memref_slice %arg4[%add3A_285, %dma_start3A_288] : memref<2048x13824xf32, #tpu.memory_space<hbm>> -> memref<4x13824xf32, #tpu.memory_space<hbm>>
    tpu.enqueue_dma source(%arg6 : memref<4x13824xf32, #tpu.memory_space<vmem>>) target(%dma_start3A_289 : memref<4x13824xf32, #tpu.memory_space<hbm>>) target_semaphore(%arg10 : memref<!tpu.dma_semaphore, #tpu.memory_space<semaphore_mem>>)
    %dma_wait3A_290 = arith.constant 0 : i32
    %dma_wait3A_291 = tpu.memref_slice %arg4[%add3A_285, %dma_wait3A_290] : memref<2048x13824xf32, #tpu.memory_space<hbm>> -> memref<4x13824xf32, #tpu.memory_space<hbm>>
    %dma_wait3A_292 = arith.constant 0 : i32
    %dma_wait3A_293 = tpu.memref_slice %arg4[%add3A_285, %dma_wait3A_292] : memref<2048x13824xf32, #tpu.memory_space<hbm>> -> memref<4x13824xf32, #tpu.memory_space<hbm>>
    tpu.wait_dma2 semaphore(%arg10 : memref<!tpu.dma_semaphore, #tpu.memory_space<semaphore_mem>>) src(%arg6 : memref<4x13824xf32, #tpu.memory_space<vmem>>) dst(%dma_wait3A_293 : memref<4x13824xf32, #tpu.memory_space<hbm>>)
    %dma_start3A_294 = arith.constant 12 : i32
    %dma_start3A_295 = arith.constant 0 : i32
    %dma_start3A_296 = tpu.memref_slice %arg5[%dma_start3A_294, %dma_start3A_295] : memref<16x4xi32, #tpu.memory_space<vmem>> -> memref<1x4xi32, #tpu.memory_space<vmem>>
    %dma_start3A_297 = tpu.memref_squeeze %dma_start3A_296 : memref<1x4xi32, #tpu.memory_space<vmem>> -> memref<4xi32, #tpu.memory_space<vmem>>
    %dma_start3A_298 = arith.constant 0 : i32
    %dma_start3A_299 = arith.constant 0 : i32
    %dma_start3A_300 = tpu.memref_slice %arg2[%dma_start3A_298, %dma_start3A_299] : memref<1000x13824xf32, #tpu.memory_space<hbm>> -> memref<1000x13824xf32, #tpu.memory_space<hbm>>
    tpu.enqueue_indirect_dma source(%dma_start3A_300 : memref<1000x13824xf32, #tpu.memory_space<hbm>>) target(%arg6 : memref<4x13824xf32, #tpu.memory_space<vmem>>) offsets(%dma_start3A_297 : memref<4xi32, #tpu.memory_space<vmem>>) semaphore(%arg8 : memref<!tpu.dma_semaphore, #tpu.memory_space<semaphore_mem>>)
    %dma_wait3A_301 = arith.constant 11 : i32
    %dma_wait3A_302 = arith.constant 0 : i32
    %dma_wait3A_303 = tpu.memref_slice %arg5[%dma_wait3A_301, %dma_wait3A_302] : memref<16x4xi32, #tpu.memory_space<vmem>> -> memref<1x4xi32, #tpu.memory_space<vmem>>
    %dma_wait3A_304 = tpu.memref_squeeze %dma_wait3A_303 : memref<1x4xi32, #tpu.memory_space<vmem>> -> memref<4xi32, #tpu.memory_space<vmem>>
    %dma_wait3A_305 = arith.constant 0 : i32
    %dma_wait3A_306 = arith.constant 0 : i32
    %dma_wait3A_307 = tpu.memref_slice %arg2[%dma_wait3A_305, %dma_wait3A_306] : memref<1000x13824xf32, #tpu.memory_space<hbm>> -> memref<1000x13824xf32, #tpu.memory_space<hbm>>
    tpu.wait_indirect_dma semaphore(%arg9 : memref<!tpu.dma_semaphore, #tpu.memory_space<semaphore_mem>>) src(%dma_wait3A_307 : memref<1000x13824xf32, #tpu.memory_space<hbm>>) dst(%arg7 : memref<4x13824xf32, #tpu.memory_space<vmem>>)
    %mul3A_308 = arith.constant 64 : i32
    %mul3A_309 = arith.muli %add3A, %mul3A_308 : i32
    %add3A_310 = arith.constant 44 : i32
    %add3A_311 = arith.addi %mul3A_309, %add3A_310 : i32
    %dma_start3A_312 = arith.constant 0 : i32
    %dma_start3A_313 = tpu.memref_slice %arg4[%add3A_311, %dma_start3A_312] : memref<2048x13824xf32, #tpu.memory_space<hbm>> -> memref<4x13824xf32, #tpu.memory_space<hbm>>
    %dma_start3A_314 = arith.constant 0 : i32
    %dma_start3A_315 = tpu.memref_slice %arg4[%add3A_311, %dma_start3A_314] : memref<2048x13824xf32, #tpu.memory_space<hbm>> -> memref<4x13824xf32, #tpu.memory_space<hbm>>
    tpu.enqueue_dma source(%arg7 : memref<4x13824xf32, #tpu.memory_space<vmem>>) target(%dma_start3A_315 : memref<4x13824xf32, #tpu.memory_space<hbm>>) target_semaphore(%arg11 : memref<!tpu.dma_semaphore, #tpu.memory_space<semaphore_mem>>)
    %dma_wait3A_316 = arith.constant 0 : i32
    %dma_wait3A_317 = tpu.memref_slice %arg4[%add3A_311, %dma_wait3A_316] : memref<2048x13824xf32, #tpu.memory_space<hbm>> -> memref<4x13824xf32, #tpu.memory_space<hbm>>
    %dma_wait3A_318 = arith.constant 0 : i32
    %dma_wait3A_319 = tpu.memref_slice %arg4[%add3A_311, %dma_wait3A_318] : memref<2048x13824xf32, #tpu.memory_space<hbm>> -> memref<4x13824xf32, #tpu.memory_space<hbm>>
    tpu.wait_dma2 semaphore(%arg11 : memref<!tpu.dma_semaphore, #tpu.memory_space<semaphore_mem>>) src(%arg7 : memref<4x13824xf32, #tpu.memory_space<vmem>>) dst(%dma_wait3A_319 : memref<4x13824xf32, #tpu.memory_space<hbm>>)
    %dma_start3A_320 = arith.constant 13 : i32
    %dma_start3A_321 = arith.constant 0 : i32
    %dma_start3A_322 = tpu.memref_slice %arg5[%dma_start3A_320, %dma_start3A_321] : memref<16x4xi32, #tpu.memory_space<vmem>> -> memref<1x4xi32, #tpu.memory_space<vmem>>
    %dma_start3A_323 = tpu.memref_squeeze %dma_start3A_322 : memref<1x4xi32, #tpu.memory_space<vmem>> -> memref<4xi32, #tpu.memory_space<vmem>>
    %dma_start3A_324 = arith.constant 0 : i32
    %dma_start3A_325 = arith.constant 0 : i32
    %dma_start3A_326 = tpu.memref_slice %arg2[%dma_start3A_324, %dma_start3A_325] : memref<1000x13824xf32, #tpu.memory_space<hbm>> -> memref<1000x13824xf32, #tpu.memory_space<hbm>>
    tpu.enqueue_indirect_dma source(%dma_start3A_326 : memref<1000x13824xf32, #tpu.memory_space<hbm>>) target(%arg7 : memref<4x13824xf32, #tpu.memory_space<vmem>>) offsets(%dma_start3A_323 : memref<4xi32, #tpu.memory_space<vmem>>) semaphore(%arg9 : memref<!tpu.dma_semaphore, #tpu.memory_space<semaphore_mem>>)
    %dma_wait3A_327 = arith.constant 12 : i32
    %dma_wait3A_328 = arith.constant 0 : i32
    %dma_wait3A_329 = tpu.memref_slice %arg5[%dma_wait3A_327, %dma_wait3A_328] : memref<16x4xi32, #tpu.memory_space<vmem>> -> memref<1x4xi32, #tpu.memory_space<vmem>>
    %dma_wait3A_330 = tpu.memref_squeeze %dma_wait3A_329 : memref<1x4xi32, #tpu.memory_space<vmem>> -> memref<4xi32, #tpu.memory_space<vmem>>
    %dma_wait3A_331 = arith.constant 0 : i32
    %dma_wait3A_332 = arith.constant 0 : i32
    %dma_wait3A_333 = tpu.memref_slice %arg2[%dma_wait3A_331, %dma_wait3A_332] : memref<1000x13824xf32, #tpu.memory_space<hbm>> -> memref<1000x13824xf32, #tpu.memory_space<hbm>>
    tpu.wait_indirect_dma semaphore(%arg8 : memref<!tpu.dma_semaphore, #tpu.memory_space<semaphore_mem>>) src(%dma_wait3A_333 : memref<1000x13824xf32, #tpu.memory_space<hbm>>) dst(%arg6 : memref<4x13824xf32, #tpu.memory_space<vmem>>)
    %mul3A_334 = arith.constant 64 : i32
    %mul3A_335 = arith.muli %add3A, %mul3A_334 : i32
    %add3A_336 = arith.constant 48 : i32
    %add3A_337 = arith.addi %mul3A_335, %add3A_336 : i32
    %dma_start3A_338 = arith.constant 0 : i32
    %dma_start3A_339 = tpu.memref_slice %arg4[%add3A_337, %dma_start3A_338] : memref<2048x13824xf32, #tpu.memory_space<hbm>> -> memref<4x13824xf32, #tpu.memory_space<hbm>>
    %dma_start3A_340 = arith.constant 0 : i32
    %dma_start3A_341 = tpu.memref_slice %arg4[%add3A_337, %dma_start3A_340] : memref<2048x13824xf32, #tpu.memory_space<hbm>> -> memref<4x13824xf32, #tpu.memory_space<hbm>>
    tpu.enqueue_dma source(%arg6 : memref<4x13824xf32, #tpu.memory_space<vmem>>) target(%dma_start3A_341 : memref<4x13824xf32, #tpu.memory_space<hbm>>) target_semaphore(%arg10 : memref<!tpu.dma_semaphore, #tpu.memory_space<semaphore_mem>>)
    %dma_wait3A_342 = arith.constant 0 : i32
    %dma_wait3A_343 = tpu.memref_slice %arg4[%add3A_337, %dma_wait3A_342] : memref<2048x13824xf32, #tpu.memory_space<hbm>> -> memref<4x13824xf32, #tpu.memory_space<hbm>>
    %dma_wait3A_344 = arith.constant 0 : i32
    %dma_wait3A_345 = tpu.memref_slice %arg4[%add3A_337, %dma_wait3A_344] : memref<2048x13824xf32, #tpu.memory_space<hbm>> -> memref<4x13824xf32, #tpu.memory_space<hbm>>
    tpu.wait_dma2 semaphore(%arg10 : memref<!tpu.dma_semaphore, #tpu.memory_space<semaphore_mem>>) src(%arg6 : memref<4x13824xf32, #tpu.memory_space<vmem>>) dst(%dma_wait3A_345 : memref<4x13824xf32, #tpu.memory_space<hbm>>)
    %dma_start3A_346 = arith.constant 14 : i32
    %dma_start3A_347 = arith.constant 0 : i32
    %dma_start3A_348 = tpu.memref_slice %arg5[%dma_start3A_346, %dma_start3A_347] : memref<16x4xi32, #tpu.memory_space<vmem>> -> memref<1x4xi32, #tpu.memory_space<vmem>>
    %dma_start3A_349 = tpu.memref_squeeze %dma_start3A_348 : memref<1x4xi32, #tpu.memory_space<vmem>> -> memref<4xi32, #tpu.memory_space<vmem>>
    %dma_start3A_350 = arith.constant 0 : i32
    %dma_start3A_351 = arith.constant 0 : i32
    %dma_start3A_352 = tpu.memref_slice %arg2[%dma_start3A_350, %dma_start3A_351] : memref<1000x13824xf32, #tpu.memory_space<hbm>> -> memref<1000x13824xf32, #tpu.memory_space<hbm>>
    tpu.enqueue_indirect_dma source(%dma_start3A_352 : memref<1000x13824xf32, #tpu.memory_space<hbm>>) target(%arg6 : memref<4x13824xf32, #tpu.memory_space<vmem>>) offsets(%dma_start3A_349 : memref<4xi32, #tpu.memory_space<vmem>>) semaphore(%arg8 : memref<!tpu.dma_semaphore, #tpu.memory_space<semaphore_mem>>)
    %dma_wait3A_353 = arith.constant 13 : i32
    %dma_wait3A_354 = arith.constant 0 : i32
    %dma_wait3A_355 = tpu.memref_slice %arg5[%dma_wait3A_353, %dma_wait3A_354] : memref<16x4xi32, #tpu.memory_space<vmem>> -> memref<1x4xi32, #tpu.memory_space<vmem>>
    %dma_wait3A_356 = tpu.memref_squeeze %dma_wait3A_355 : memref<1x4xi32, #tpu.memory_space<vmem>> -> memref<4xi32, #tpu.memory_space<vmem>>
    %dma_wait3A_357 = arith.constant 0 : i32
    %dma_wait3A_358 = arith.constant 0 : i32
    %dma_wait3A_359 = tpu.memref_slice %arg2[%dma_wait3A_357, %dma_wait3A_358] : memref<1000x13824xf32, #tpu.memory_space<hbm>> -> memref<1000x13824xf32, #tpu.memory_space<hbm>>
    tpu.wait_indirect_dma semaphore(%arg9 : memref<!tpu.dma_semaphore, #tpu.memory_space<semaphore_mem>>) src(%dma_wait3A_359 : memref<1000x13824xf32, #tpu.memory_space<hbm>>) dst(%arg7 : memref<4x13824xf32, #tpu.memory_space<vmem>>)
    %mul3A_360 = arith.constant 64 : i32
    %mul3A_361 = arith.muli %add3A, %mul3A_360 : i32
    %add3A_362 = arith.constant 52 : i32
    %add3A_363 = arith.addi %mul3A_361, %add3A_362 : i32
    %dma_start3A_364 = arith.constant 0 : i32
    %dma_start3A_365 = tpu.memref_slice %arg4[%add3A_363, %dma_start3A_364] : memref<2048x13824xf32, #tpu.memory_space<hbm>> -> memref<4x13824xf32, #tpu.memory_space<hbm>>
    %dma_start3A_366 = arith.constant 0 : i32
    %dma_start3A_367 = tpu.memref_slice %arg4[%add3A_363, %dma_start3A_366] : memref<2048x13824xf32, #tpu.memory_space<hbm>> -> memref<4x13824xf32, #tpu.memory_space<hbm>>
    tpu.enqueue_dma source(%arg7 : memref<4x13824xf32, #tpu.memory_space<vmem>>) target(%dma_start3A_367 : memref<4x13824xf32, #tpu.memory_space<hbm>>) target_semaphore(%arg11 : memref<!tpu.dma_semaphore, #tpu.memory_space<semaphore_mem>>)
    %dma_wait3A_368 = arith.constant 0 : i32
    %dma_wait3A_369 = tpu.memref_slice %arg4[%add3A_363, %dma_wait3A_368] : memref<2048x13824xf32, #tpu.memory_space<hbm>> -> memref<4x13824xf32, #tpu.memory_space<hbm>>
    %dma_wait3A_370 = arith.constant 0 : i32
    %dma_wait3A_371 = tpu.memref_slice %arg4[%add3A_363, %dma_wait3A_370] : memref<2048x13824xf32, #tpu.memory_space<hbm>> -> memref<4x13824xf32, #tpu.memory_space<hbm>>
    tpu.wait_dma2 semaphore(%arg11 : memref<!tpu.dma_semaphore, #tpu.memory_space<semaphore_mem>>) src(%arg7 : memref<4x13824xf32, #tpu.memory_space<vmem>>) dst(%dma_wait3A_371 : memref<4x13824xf32, #tpu.memory_space<hbm>>)
    %dma_start3A_372 = arith.constant 15 : i32
    %dma_start3A_373 = arith.constant 0 : i32
    %dma_start3A_374 = tpu.memref_slice %arg5[%dma_start3A_372, %dma_start3A_373] : memref<16x4xi32, #tpu.memory_space<vmem>> -> memref<1x4xi32, #tpu.memory_space<vmem>>
    %dma_start3A_375 = tpu.memref_squeeze %dma_start3A_374 : memref<1x4xi32, #tpu.memory_space<vmem>> -> memref<4xi32, #tpu.memory_space<vmem>>
    %dma_start3A_376 = arith.constant 0 : i32
    %dma_start3A_377 = arith.constant 0 : i32
    %dma_start3A_378 = tpu.memref_slice %arg2[%dma_start3A_376, %dma_start3A_377] : memref<1000x13824xf32, #tpu.memory_space<hbm>> -> memref<1000x13824xf32, #tpu.memory_space<hbm>>
    tpu.enqueue_indirect_dma source(%dma_start3A_378 : memref<1000x13824xf32, #tpu.memory_space<hbm>>) target(%arg7 : memref<4x13824xf32, #tpu.memory_space<vmem>>) offsets(%dma_start3A_375 : memref<4xi32, #tpu.memory_space<vmem>>) semaphore(%arg9 : memref<!tpu.dma_semaphore, #tpu.memory_space<semaphore_mem>>)
    %dma_wait3A_379 = arith.constant 14 : i32
    %dma_wait3A_380 = arith.constant 0 : i32
    %dma_wait3A_381 = tpu.memref_slice %arg5[%dma_wait3A_379, %dma_wait3A_380] : memref<16x4xi32, #tpu.memory_space<vmem>> -> memref<1x4xi32, #tpu.memory_space<vmem>>
    %dma_wait3A_382 = tpu.memref_squeeze %dma_wait3A_381 : memref<1x4xi32, #tpu.memory_space<vmem>> -> memref<4xi32, #tpu.memory_space<vmem>>
    %dma_wait3A_383 = arith.constant 0 : i32
    %dma_wait3A_384 = arith.constant 0 : i32
    %dma_wait3A_385 = tpu.memref_slice %arg2[%dma_wait3A_383, %dma_wait3A_384] : memref<1000x13824xf32, #tpu.memory_space<hbm>> -> memref<1000x13824xf32, #tpu.memory_space<hbm>>
    tpu.wait_indirect_dma semaphore(%arg8 : memref<!tpu.dma_semaphore, #tpu.memory_space<semaphore_mem>>) src(%dma_wait3A_385 : memref<1000x13824xf32, #tpu.memory_space<hbm>>) dst(%arg6 : memref<4x13824xf32, #tpu.memory_space<vmem>>)
    %mul3A_386 = arith.constant 64 : i32
    %mul3A_387 = arith.muli %add3A, %mul3A_386 : i32
    %add3A_388 = arith.constant 56 : i32
    %add3A_389 = arith.addi %mul3A_387, %add3A_388 : i32
    %dma_start3A_390 = arith.constant 0 : i32
    %dma_start3A_391 = tpu.memref_slice %arg4[%add3A_389, %dma_start3A_390] : memref<2048x13824xf32, #tpu.memory_space<hbm>> -> memref<4x13824xf32, #tpu.memory_space<hbm>>
    %dma_start3A_392 = arith.constant 0 : i32
    %dma_start3A_393 = tpu.memref_slice %arg4[%add3A_389, %dma_start3A_392] : memref<2048x13824xf32, #tpu.memory_space<hbm>> -> memref<4x13824xf32, #tpu.memory_space<hbm>>
    tpu.enqueue_dma source(%arg6 : memref<4x13824xf32, #tpu.memory_space<vmem>>) target(%dma_start3A_393 : memref<4x13824xf32, #tpu.memory_space<hbm>>) target_semaphore(%arg10 : memref<!tpu.dma_semaphore, #tpu.memory_space<semaphore_mem>>)
    %dma_wait3A_394 = arith.constant 15 : i32
    %dma_wait3A_395 = arith.constant 0 : i32
    %dma_wait3A_396 = tpu.memref_slice %arg5[%dma_wait3A_394, %dma_wait3A_395] : memref<16x4xi32, #tpu.memory_space<vmem>> -> memref<1x4xi32, #tpu.memory_space<vmem>>
    %dma_wait3A_397 = tpu.memref_squeeze %dma_wait3A_396 : memref<1x4xi32, #tpu.memory_space<vmem>> -> memref<4xi32, #tpu.memory_space<vmem>>
    %dma_wait3A_398 = arith.constant 0 : i32
    %dma_wait3A_399 = arith.constant 0 : i32
    %dma_wait3A_400 = tpu.memref_slice %arg2[%dma_wait3A_398, %dma_wait3A_399] : memref<1000x13824xf32, #tpu.memory_space<hbm>> -> memref<1000x13824xf32, #tpu.memory_space<hbm>>
    tpu.wait_indirect_dma semaphore(%arg9 : memref<!tpu.dma_semaphore, #tpu.memory_space<semaphore_mem>>) src(%dma_wait3A_400 : memref<1000x13824xf32, #tpu.memory_space<hbm>>) dst(%arg7 : memref<4x13824xf32, #tpu.memory_space<vmem>>)
    %mul3A_401 = arith.constant 64 : i32
    %mul3A_402 = arith.muli %add3A, %mul3A_401 : i32
    %add3A_403 = arith.constant 60 : i32
    %add3A_404 = arith.addi %mul3A_402, %add3A_403 : i32
    %dma_start3A_405 = arith.constant 0 : i32
    %dma_start3A_406 = tpu.memref_slice %arg4[%add3A_404, %dma_start3A_405] : memref<2048x13824xf32, #tpu.memory_space<hbm>> -> memref<4x13824xf32, #tpu.memory_space<hbm>>
    %dma_start3A_407 = arith.constant 0 : i32
    %dma_start3A_408 = tpu.memref_slice %arg4[%add3A_404, %dma_start3A_407] : memref<2048x13824xf32, #tpu.memory_space<hbm>> -> memref<4x13824xf32, #tpu.memory_space<hbm>>
    tpu.enqueue_dma source(%arg7 : memref<4x13824xf32, #tpu.memory_space<vmem>>) target(%dma_start3A_408 : memref<4x13824xf32, #tpu.memory_space<hbm>>) target_semaphore(%arg11 : memref<!tpu.dma_semaphore, #tpu.memory_space<semaphore_mem>>)
    %dma_wait3A_409 = arith.constant 0 : i32
    %dma_wait3A_410 = tpu.memref_slice %arg4[%add3A_389, %dma_wait3A_409] : memref<2048x13824xf32, #tpu.memory_space<hbm>> -> memref<4x13824xf32, #tpu.memory_space<hbm>>
    %dma_wait3A_411 = arith.constant 0 : i32
    %dma_wait3A_412 = tpu.memref_slice %arg4[%add3A_389, %dma_wait3A_411] : memref<2048x13824xf32, #tpu.memory_space<hbm>> -> memref<4x13824xf32, #tpu.memory_space<hbm>>
    tpu.wait_dma2 semaphore(%arg10 : memref<!tpu.dma_semaphore, #tpu.memory_space<semaphore_mem>>) src(%arg6 : memref<4x13824xf32, #tpu.memory_space<vmem>>) dst(%dma_wait3A_412 : memref<4x13824xf32, #tpu.memory_space<hbm>>)
    %dma_wait3A_413 = arith.constant 0 : i32
    %dma_wait3A_414 = tpu.memref_slice %arg4[%add3A_404, %dma_wait3A_413] : memref<2048x13824xf32, #tpu.memory_space<hbm>> -> memref<4x13824xf32, #tpu.memory_space<hbm>>
    %dma_wait3A_415 = arith.constant 0 : i32
    %dma_wait3A_416 = tpu.memref_slice %arg4[%add3A_404, %dma_wait3A_415] : memref<2048x13824xf32, #tpu.memory_space<hbm>> -> memref<4x13824xf32, #tpu.memory_space<hbm>>
    tpu.wait_dma2 semaphore(%arg11 : memref<!tpu.dma_semaphore, #tpu.memory_space<semaphore_mem>>) src(%arg7 : memref<4x13824xf32, #tpu.memory_space<vmem>>) dst(%dma_wait3A_416 : memref<4x13824xf32, #tpu.memory_space<hbm>>)
    return
  }
}

module attributes {stable_mosaic.version = 14 : i64} {
  func.func @_sim_body(%arg0: i32, %arg1: memref<128x4x3840xf32, #tpu.memory_space<vmem>>, %arg2: memref<1000x3840xf32, #tpu.memory_space<vmem>>, %arg3: memref<128x1000xf32, #tpu.memory_space<vmem>>, %arg4: memref<128x2xi32, #tpu.memory_space<vmem>>, %arg5: memref<1x1xf32, #tpu.memory_space<smem>>) attributes {dimension_semantics = [#tpu.dimension_semantics<arbitrary>], iteration_bounds = array<i64: 8>, scalar_prefetch = 0 : i64, scratch_operands = 0 : i64, tpu.core_type = #tpu.core_type<tc>, window_params = [{transform_indices = @transform_0, window_bounds = array<i64: 128, 4, 3840>}, {pipeline_mode = #tpu.pipeline_mode<synchronous>, transform_indices = @transform_1, window_bounds = array<i64: 1000, 3840>}, {transform_indices = @transform_2, window_bounds = array<i64: 128, 1000>}, {transform_indices = @transform_3, window_bounds = array<i64: 128, 2>}, {transform_indices = @transform_4, window_bounds = array<i64: 1, 1>}]} {
    %get3A = arith.constant 0 : index
    %get3A_0 = arith.constant 0 : index
    %get3A_1 = arith.constant 0 : index
    %get3A_2 = vector.load %arg1[%get3A, %get3A_0, %get3A_1] : memref<128x4x3840xf32, #tpu.memory_space<vmem>>, vector<128x4x3840xf32>
    %slice3A = vector.extract_strided_slice %get3A_2 {offsets = [0, 0, 0], sizes = [128, 1, 3840], strides = [1, 1, 1]} : vector<128x4x3840xf32> to vector<128x1x3840xf32>
    %squeeze3A = vector.shape_cast %slice3A : vector<128x1x3840xf32> to vector<128x3840xf32>
    %slice3A_3 = vector.extract_strided_slice %get3A_2 {offsets = [0, 1, 0], sizes = [128, 1, 3840], strides = [1, 1, 1]} : vector<128x4x3840xf32> to vector<128x1x3840xf32>
    %squeeze3A_4 = vector.shape_cast %slice3A_3 : vector<128x1x3840xf32> to vector<128x3840xf32>
    %add3A = arith.addf %squeeze3A, %squeeze3A_4 : vector<128x3840xf32>
    %slice3A_5 = vector.extract_strided_slice %get3A_2 {offsets = [0, 2, 0], sizes = [128, 1, 3840], strides = [1, 1, 1]} : vector<128x4x3840xf32> to vector<128x1x3840xf32>
    %squeeze3A_6 = vector.shape_cast %slice3A_5 : vector<128x1x3840xf32> to vector<128x3840xf32>
    %add3A_7 = arith.addf %add3A, %squeeze3A_6 : vector<128x3840xf32>
    %slice3A_8 = vector.extract_strided_slice %get3A_2 {offsets = [0, 3, 0], sizes = [128, 1, 3840], strides = [1, 1, 1]} : vector<128x4x3840xf32> to vector<128x1x3840xf32>
    %squeeze3A_9 = vector.shape_cast %slice3A_8 : vector<128x1x3840xf32> to vector<128x3840xf32>
    %add3A_10 = arith.addf %add3A_7, %squeeze3A_9 : vector<128x3840xf32>
    %mul3A = arith.constant 2.500000e-01 : f32
    %mul3A_11 = vector.broadcast %mul3A : f32 to vector<128x3840xf32>
    %mul3A_12 = arith.mulf %add3A_10, %mul3A_11 : vector<128x3840xf32>
    %mul3A_13 = arith.mulf %mul3A_12, %mul3A_12 : vector<128x3840xf32>
    %reduce_sum3A = arith.constant dense<0.000000e+00> : vector<128xf32>
    %reduce_sum3A_14 = vector.multi_reduction <add>, %mul3A_13, %reduce_sum3A [1] : vector<128x3840xf32> to vector<128xf32>
    %broadcast_in_dim3A = vector.shape_cast %reduce_sum3A_14 : vector<128xf32> to vector<128x1xf32>
    %max3A = arith.constant 9.99999996E-13 : f32
    %max3A_15 = vector.broadcast %max3A : f32 to vector<128x1xf32>
    %max3A_16 = arith.maximumf %broadcast_in_dim3A, %max3A_15 : vector<128x1xf32>
    %rsqrt3A = math.rsqrt %max3A_16 : vector<128x1xf32>
    %mul3A_17 = vector.broadcast %rsqrt3A : vector<128x1xf32> to vector<128x3840xf32>
    %mul3A_18 = arith.mulf %mul3A_12, %mul3A_17 : vector<128x3840xf32>
    %get3A_19 = arith.constant 0 : index
    %get3A_20 = arith.constant 0 : index
    %get3A_21 = vector.load %arg2[%get3A_19, %get3A_20] : memref<1000x3840xf32, #tpu.memory_space<vmem>>, vector<1000x3840xf32>
    %mul3A_22 = arith.mulf %get3A_21, %get3A_21 : vector<1000x3840xf32>
    %reduce_sum3A_23 = arith.constant dense<0.000000e+00> : vector<1000xf32>
    %reduce_sum3A_24 = vector.multi_reduction <add>, %mul3A_22, %reduce_sum3A_23 [1] : vector<1000x3840xf32> to vector<1000xf32>
    %broadcast_in_dim3A_25 = vector.shape_cast %reduce_sum3A_24 : vector<1000xf32> to vector<1000x1xf32>
    %max3A_26 = arith.constant 9.99999996E-13 : f32
    %max3A_27 = vector.broadcast %max3A_26 : f32 to vector<1000x1xf32>
    %max3A_28 = arith.maximumf %broadcast_in_dim3A_25, %max3A_27 : vector<1000x1xf32>
    %rsqrt3A_29 = math.rsqrt %max3A_28 : vector<1000x1xf32>
    %mul3A_30 = vector.broadcast %rsqrt3A_29 : vector<1000x1xf32> to vector<1000x3840xf32>
    %mul3A_31 = arith.mulf %get3A_21, %mul3A_30 : vector<1000x3840xf32>
    %dot_general3A = arith.constant dense<0.000000e+00> : vector<128x1000xf32>
    %dot_general3A_32 = tpu.matmul %mul3A_18, %mul3A_31, %dot_general3A {dimension_numbers = #tpu.dot_dimension_numbers<[1], [1], [0], [0], [0, 0, 1, 0], [], []>, transpose_lhs_hint = false} : vector<128x3840xf32>, vector<1000x3840xf32>, vector<128x1000xf32> -> vector<128x1000xf32>
    %swap3A = arith.constant 0 : index
    %swap3A_33 = arith.constant 0 : index
    %swap3A_34 = vector.load %arg3[%swap3A, %swap3A_33] : memref<128x1000xf32, #tpu.memory_space<vmem>>, vector<128x1000xf32>
    tpu.vector_store %arg3[%swap3A, %swap3A_33], %dot_general3A_32 {strides = array<i32>} : memref<128x1000xf32, #tpu.memory_space<vmem>>, vector<128x1000xf32>,
    %iota3A = tpu.iota {dimensions = array<i32: 1>} : vector<128x1000xi32>
    %reduce_max3A = arith.constant dense<0xFF800000> : vector<128xf32>
    %reduce_max3A_35 = vector.multi_reduction <maximumf>, %dot_general3A_32, %reduce_max3A [1] : vector<128x1000xf32> to vector<128xf32>
    %broadcast_in_dim3A_36 = vector.shape_cast %reduce_max3A_35 : vector<128xf32> to vector<128x1xf32>
    %eq3A = vector.broadcast %broadcast_in_dim3A_36 : vector<128x1xf32> to vector<128x1000xf32>
    %eq3A_37 = arith.cmpf oeq, %dot_general3A_32, %eq3A : vector<128x1000xf32>
    %jit3A = arith.constant 1000 : i32
    %broadcast_in_dim3A_38 = vector.broadcast %jit3A : i32 to vector<128x1000xi32>
    %select_n3A = arith.select %eq3A_37, %iota3A, %broadcast_in_dim3A_38 : vector<128x1000xi1>, vector<128x1000xi32>
    %reduce_min3A = arith.constant dense<2147483647> : vector<128xi32>
    %reduce_min3A_39 = vector.multi_reduction <minsi>, %select_n3A, %reduce_min3A [1] : vector<128x1000xi32> to vector<128xi32>
    %broadcast_in_dim3A_40 = vector.shape_cast %reduce_min3A_39 : vector<128xi32> to vector<128x1xi32>
    %eq3A_41 = vector.broadcast %broadcast_in_dim3A_40 : vector<128x1xi32> to vector<128x1000xi32>
    %eq3A_42 = arith.cmpi eq, %iota3A, %eq3A_41 : vector<128x1000xi32>
    %jit3A_43 = arith.constant 0xFF800000 : f32
    %broadcast_in_dim3A_44 = vector.broadcast %jit3A_43 : f32 to vector<128x1000xf32>
    %select_n3A_45 = arith.select %eq3A_42, %broadcast_in_dim3A_44, %dot_general3A_32 : vector<128x1000xi1>, vector<128x1000xf32>
    %reduce_max3A_46 = arith.constant dense<0xFF800000> : vector<128xf32>
    %reduce_max3A_47 = vector.multi_reduction <maximumf>, %select_n3A_45, %reduce_max3A_46 [1] : vector<128x1000xf32> to vector<128xf32>
    %broadcast_in_dim3A_48 = vector.shape_cast %reduce_max3A_47 : vector<128xf32> to vector<128x1xf32>
    %eq3A_49 = vector.broadcast %broadcast_in_dim3A_48 : vector<128x1xf32> to vector<128x1000xf32>
    %eq3A_50 = arith.cmpf oeq, %select_n3A_45, %eq3A_49 : vector<128x1000xf32>
    %jit3A_51 = arith.constant 1000 : i32
    %broadcast_in_dim3A_52 = vector.broadcast %jit3A_51 : i32 to vector<128x1000xi32>
    %select_n3A_53 = arith.select %eq3A_50, %iota3A, %broadcast_in_dim3A_52 : vector<128x1000xi1>, vector<128x1000xi32>
    %reduce_min3A_54 = arith.constant dense<2147483647> : vector<128xi32>
    %reduce_min3A_55 = vector.multi_reduction <minsi>, %select_n3A_53, %reduce_min3A_54 [1] : vector<128x1000xi32> to vector<128xi32>
    %broadcast_in_dim3A_56 = vector.shape_cast %reduce_min3A_39 : vector<128xi32> to vector<128x1xi32>
    %broadcast_in_dim3A_57 = vector.shape_cast %reduce_min3A_55 : vector<128xi32> to vector<128x1xi32>
    %concatenate3A = tpu.concatenate %broadcast_in_dim3A_56, %broadcast_in_dim3A_57 in 1 : vector<128x1xi32>, vector<128x1xi32> -> vector<128x2xi32>
    %swap3A_58 = arith.constant 0 : index
    %swap3A_59 = arith.constant 0 : index
    %swap3A_60 = vector.load %arg4[%swap3A_58, %swap3A_59] : memref<128x2xi32, #tpu.memory_space<vmem>>, vector<128x2xi32>
    tpu.vector_store %arg4[%swap3A_58, %swap3A_59], %concatenate3A {strides = array<i32>} : memref<128x2xi32, #tpu.memory_space<vmem>>, vector<128x2xi32>,
    %eq3A_61 = arith.constant 0 : i32
    %eq3A_62 = arith.cmpi eq, %arg0, %eq3A_61 : i32
    %convert_element_type3A = arith.extui %eq3A_62 : i1 to i32
    %cond3A = arith.constant 0 : i32
    %cond3A_63 = arith.cmpi ne, %convert_element_type3A, %cond3A : i32
    scf.if %cond3A_63 {
      %swap3A_82 = arith.constant 0.000000e+00 : f32
      %swap3A_83 = arith.constant 0 : index
      %swap3A_84 = arith.constant 0 : index
      %swap3A_85 = memref.load %arg5[%swap3A_83, %swap3A_84] : memref<1x1xf32, #tpu.memory_space<smem>>
      memref.store %swap3A_82, %arg5[%swap3A_83, %swap3A_84] : memref<1x1xf32, #tpu.memory_space<smem>>
    } else {
    }
    %get3A_64 = arith.constant 0 : index
    %get3A_65 = arith.constant 0 : index
    %get3A_66 = memref.load %arg5[%get3A_64, %get3A_65] : memref<1x1xf32, #tpu.memory_space<smem>>
    %reduce_sum3A_67 = vector.shape_cast %reduce_max3A_35 : vector<128xf32> to vector<1x128xf32>
    %reduce_sum3A_68 = arith.constant dense<0.000000e+00> : vector<1xf32>
    %reduce_sum3A_69 = vector.multi_reduction <add>, %reduce_sum3A_67, %reduce_sum3A_68 [1] : vector<1x128xf32> to vector<1xf32>
    %reduce_sum3A_70 = vector.shape_cast %reduce_sum3A_69 : vector<1xf32> to vector<1x1xf32>
    %reduce_sum3A_71 = vector.extract %reduce_sum3A_70[0, 0] : f32 from vector<1x1xf32>
    %reduce_sum3A_72 = vector.shape_cast %reduce_max3A_47 : vector<128xf32> to vector<1x128xf32>
    %reduce_sum3A_73 = arith.constant dense<0.000000e+00> : vector<1xf32>
    %reduce_sum3A_74 = vector.multi_reduction <add>, %reduce_sum3A_72, %reduce_sum3A_73 [1] : vector<1x128xf32> to vector<1xf32>
    %reduce_sum3A_75 = vector.shape_cast %reduce_sum3A_74 : vector<1xf32> to vector<1x1xf32>
    %reduce_sum3A_76 = vector.extract %reduce_sum3A_75[0, 0] : f32 from vector<1x1xf32>
    %add3A_77 = arith.addf %reduce_sum3A_71, %reduce_sum3A_76 : f32
    %add3A_78 = arith.addf %get3A_66, %add3A_77 : f32
    %swap3A_79 = arith.constant 0 : index
    %swap3A_80 = arith.constant 0 : index
    %swap3A_81 = memref.load %arg5[%swap3A_79, %swap3A_80] : memref<1x1xf32, #tpu.memory_space<smem>>
    memref.store %add3A_78, %arg5[%swap3A_79, %swap3A_80] : memref<1x1xf32, #tpu.memory_space<smem>>
    return
  }
  func.func @transform_0(%arg0: i32) -> (i32, i32, i32) {
    %c0_i32 = arith.constant 0 : i32
    %c0_i32_0 = arith.constant 0 : i32
    %c0_i32_1 = arith.constant 0 : i32
    return %arg0, %c0_i32, %c0_i32_0 : i32, i32, i32
  }
  func.func @transform_1(%arg0: i32) -> (i32, i32) {
    %c0_i32 = arith.constant 0 : i32
    %c0_i32_0 = arith.constant 0 : i32
    %c0_i32_1 = arith.constant 0 : i32
    return %c0_i32, %c0_i32_0 : i32, i32
  }
  func.func @transform_2(%arg0: i32) -> (i32, i32) {
    %c0_i32 = arith.constant 0 : i32
    %c0_i32_0 = arith.constant 0 : i32
    return %arg0, %c0_i32 : i32, i32
  }
  func.func @transform_3(%arg0: i32) -> (i32, i32) {
    %c0_i32 = arith.constant 0 : i32
    %c0_i32_0 = arith.constant 0 : i32
    return %arg0, %c0_i32 : i32, i32
  }
  func.func @transform_4(%arg0: i32) -> (i32, i32) {
    %c0_i32 = arith.constant 0 : i32
    %c0_i32_0 = arith.constant 0 : i32
    %c0_i32_1 = arith.constant 0 : i32
    return %c0_i32, %c0_i32_0 : i32, i32
  }
}

</mosaic_0001>

<sc_bundles>
// kernel: kernel.4.cloned.1.call-start
scs
__scs_entry_jumppad:
0x0: {  	(pc) =	sbr.rel $0x88, $3  }
0x1: {  	(tag) =	ssettag $0x0;
	lr =	simm.s32 $0x1  }
0x2: {  	[smem:$0x3F9E] =	sst lr;
	_ =	strace $0xD0000000  }
0x3: {  	_ = 	snop  }
0x4: {  	_ = 	snop  }
0x5: {  	_ = 	snop  }
0x6: {  	_ = 	snop  }
0x7: {  	_ = 	snop  }
__scs_overlays_trampoline_lowered:
0x8: {  	[smem:$0x3FAD] =	sst s0  }
0x9: {  	[smem:$0x3FAE] =	sst s1  }
0xa: {  	[smem:$0x3FAF] =	sst s2  }
0xb: {  	[smem:$0x3FB0] =	sst s3  }
0xc: {  	[smem:$0x3FB1] =	sst s4  }
0xd: {  	[smem:$0x3FB2] =	sst s5  }
0xe: {  	[smem:$0x3FB3] =	sst s6  }
0xf: {  	[smem:$0x3FB4] =	sst s7  }
0x10: {  	[smem:$0x3FB5] =	sst s8  }
0x11: {  	[smem:$0x3FB6] =	sst s9;
	s0 =	simm.s32 @!p0 $0x0  }
0x12: {  	s1 =	sld [smem:$0x3F9C];
	s0 =	simm.s32 @p0 $0x1  }
0x13: {  	[smem:$0x3FB7] =	sst s0;
	s0 =	simm.s32 @!p1 $0x0  }
0x14: {  	s2 =	sld [smem:$0x3F9B];
	s0 =	simm.s32 @p1 $0x1  }
0x15: {  	[smem:$0x3FB8] =	sst s0;
	s0 =	simm.s32 @!p2 $0x0  }
0x16: {  	s3 =	sld [smem:$0x3FDB];
	s0 =	simm.s32 @p2 $0x1  }
0x17: {  	s4 =	simm.s32 $0x1BF5;
	[smem:$0x3FBA] =	sst s0  }
0x18: {  	s0 =	sld [smem:$0x3F9D];
	_ =	swait.ge [sflag:s4], $0x0  }
0x19: {  	s7 =	sld [smem:$0x3F9E]  }
0x1a: {  	s8 =	sadd.s32 $0xFFFFE003, lr  }
0x1b: {  	s9 =	sadd.s32 $0xFFFFFEF7, lr;
	s5 =	simm.s32 $0xFFFFFFFF;
	p2 =	slt.u32 s8, $0xFFFFF086  }
0x1c: {  	p1 =	slt.u32 s9, $0xF7A;
	s5 =	simm.s32 @!p2 $0x0  }
0x1d: {  	s5 =	simm.s32 @p1 $0x1;
	p0 =	seq.s32 s7, s2  }
0x1e: {  	s7 =	smul.u32 @!p0 $0xF7A, s2;
	p2 =	seq.s32 @!p0 s5, $0x0  }
0x1f: {  	s9 =	smul.u32 $0xF7A, s1;
	s8 =	simm.s32 @!p0 $0x1BF5;
	p2 =	por !p2, p0  }
0x20: {  	[sflag:s8] =	ssyncset.s32 @!p0 $0xFFFFF086;
	s6 =	sadd.s32 @!p0 s3, s7;
	s7 =	simm.s32 @!p0 $0x108  }
0x21: {  	s3 =	sadd.s32 s3, s9;
	s6 =	sadd.s32 @!p0 $0x88, s6;
	s7 =	simm.s32 @p2 $0x1082  }
0x22: {  	[simem:s7], [sflag:s8] =	dma.local @!p0 [hbm:s6], $0xF7A  }
0x23: {  	s9 =	sor.u32 $0xD0000000, s2;
	s6 =	simm.s32 $0x108;
	_ =	swait.ge @!p0 [sflag:s8], $0x0  }
0x24: {  	s3 =	sadd.s32 $0x88, s3;
	s6 =	simm.s32 @!p1 $0x1082;
	[sflag:s4] =	ssyncset.s32 $0xFFFFF086  }
0x25: {  	[simem:s6], [sflag:s4] =	dma.local [hbm:s3], $0xF7A  }
0x26: {  	[smem:$0x3F9E] =	sst s1;
	(tag) =	ssettag s2;
	_ =	strace s9  }
0x27: {  	s1 =	sld [smem:$0x3FAE]  }
0x28: {  	s2 =	sld [smem:$0x3FAF]  }
0x29: {  	s4 =	sld [smem:$0x3FB1]  }
0x2a: {  	p0 =	seq.s32 s5, $0x0;
	s5 =	sld [smem:$0x3FB2]  }
0x2b: {  	s6 =	sld [smem:$0x3FB3]  }
0x2c: {  	s7 =	sld [smem:$0x3FB4]  }
0x2d: {  	s3 =	simm.s32 $0x108;
	s8 =	sld [smem:$0x3FB5]  }
0x2e: {  	s3 =	simm.s32 @!p0 $0x1082;
	s9 =	sld [smem:$0x3FB6]  }
0x2f: {  	lr =	sadd.s32 s0, s3;
	s0 =	sld [smem:$0x3FAD]  }
0x30: {  	s3 =	sld [smem:$0x3FB0]  }
0x31: {  	[smem:$0x3FB9] =	sst s10  }
0x32: {  	s10 =	sld [smem:$0x3FB7];
	_ =	sdelay $0x3  }
0x33: {  	p0 =	seq.s32 s10, $0x1;
	s10 =	sld [smem:$0x3FB9];
	_ =	sdelay $0x3  }
0x34: {  	[smem:$0x3FB9] =	sst s10  }
0x35: {  	s10 =	sld [smem:$0x3FB8];
	_ =	sdelay $0x3  }
0x36: {  	p1 =	seq.s32 s10, $0x1;
	s10 =	sld [smem:$0x3FB9];
	_ =	sdelay $0x3  }
0x37: {  	[smem:$0x3FB9] =	sst s10  }
0x38: {  	s10 =	sld [smem:$0x3FBA]  }
0x39: {  	_ = 	snop;
	(pc) =	sbr.ind lr, $3  }
0x3a: {  	_ = 	snop  }
0x3b: {  	_ = 	snop  }
0x3c: {  	p2 =	seq.s32 s10, $0x1;
	s10 =	sld [smem:$0x3FB9]  }
0x3d: {  	_ =	shalt  }
0x3e: {  	_ =	shalt  }
0x3f: {  	_ =	shalt  }
0x40: {  	_ =	shalt  }
0x41: {  	_ =	shalt  }
0x42: {  	_ =	shalt  }
0x43: {  	_ =	shalt  }
0x44: {  	_ =	shalt  }
0x45: {  	_ =	shalt  }
0x46: {  	_ =	shalt  }
0x47: {  	_ =	shalt  }
0x48: {  	_ =	shalt  }
0x49: {  	_ =	shalt  }
0x4a: {  	_ =	shalt  }
0x4b: {  	_ =	shalt  }
0x4c: {  	_ =	shalt  }
0x4d: {  	_ =	shalt  }
0x4e: {  	_ =	shalt  }
0x4f: {  	_ =	shalt  }
0x50: {  	_ =	shalt  }
0x51: {  	_ =	shalt  }
0x52: {  	_ =	shalt  }
0x53: {  	_ =	shalt  }
0x54: {  	_ =	shalt  }
0x55: {  	_ =	shalt  }
0x56: {  	_ =	shalt  }
0x57: {  	_ =	shalt  }
0x58: {  	_ =	shalt  }
0x59: {  	_ =	shalt  }
0x5a: {  	_ =	shalt  }
0x5b: {  	_ =	shalt  }
0x5c: {  	_ =	shalt  }
0x5d: {  	_ =	shalt  }
0x5e: {  	_ =	shalt  }
0x5f: {  	_ =	shalt  }
0x60: {  	_ =	shalt  }
0x61: {  	_ =	shalt  }
0x62: {  	_ =	shalt  }
0x63: {  	_ =	shalt  }
0x64: {  	_ =	shalt  }
0x65: {  	_ =	shalt  }
0x66: {  	_ =	shalt  }
0x67: {  	_ =	shalt  }
0x68: {  	_ =	shalt  }
0x69: {  	_ =	shalt  }
0x6a: {  	_ =	shalt  }
0x6b: {  	_ =	shalt  }
0x6c: {  	_ =	shalt  }
0x6d: {  	_ =	shalt  }
0x6e: {  	_ =	shalt  }
0x6f: {  	_ =	shalt  }
0x70: {  	_ =	shalt  }
0x71: {  	_ =	shalt  }
0x72: {  	_ =	shalt  }
0x73: {  	_ =	shalt  }
0x74: {  	_ =	shalt  }
0x75: {  	_ =	shalt  }
0x76: {  	_ =	shalt  }
0x77: {  	_ =	shalt  }
0x78: {  	_ =	shalt  }
0x79: {  	_ =	shalt  }
0x7a: {  	_ =	shalt  }
0x7b: {  	_ =	shalt  }
0x7c: {  	_ =	shalt  }
0x7d: {  	_ =	shalt  }
0x7e: {  	_ =	shalt  }
0x7f: {  	_ =	shalt  }
0x80: {  	_ =	shalt  }
0x81: {  	_ =	shalt  }
0x82: {  	_ =	shalt  }
0x83: {  	_ =	shalt  }
0x84: {  	_ =	shalt  }
0x85: {  	_ =	shalt  }
0x86: {  	_ =	shalt  }
0x87: {  	_ =	shalt  }
.Lfunc_end0:
.L_simem_size_0:
called_computation.1_lowered:
.L_overlay_start_0:
0x88: {  	s2 =	sld [smem:$0x3FD9]  }
0x89: {  	s3 =	sld [smem:$0x3FFE];
	_ =	sdelay $0x1  }
0x8a: {  	s1 =	srdreg.scid  }
0x8b: {  	s0 =	sand.u32 $0x1, s1  }
0x8c: {  	s14 =	sshll.u32 s0, $0xA;
	s2 =	sadd.s32 s3, s2  }
0x8d: {  	s2 =	sadd.s32 s2, s14  }
0x8e: {  	[smem:$0x3FC5] =	sst s2  }
0x8f: {  	_ = 	snop  }
0x90: {  	s2 =	sld [smem:$0x3FD0];
	_ =	sdelay $0x2  }
0x91: {  	s15 =	simm.s32 $0xA;
	s4 =	simm.s32 $0x10  }
0x92: {  	[smem:s4], [sflag:s15] =	dma.local [hbm:s2], $0x1  }
0x93: {  	_ =	swait.eq [sflag:s15], $0x1  }
0x94: {  	[sflag:s15] =	ssyncset.done $0x0  }
0x95: {  	[sflag:s15] =	ssyncadd.s32 $0xFFFFFFFF  }
0x96: {  	s16 =	sld [smem:$0x10];
	(tm) =	ssettm $0x1  }
0x97: {  	s17 =	sld [smem:$0x3FFB];
	_ =	sdelay $0x3  }
0x98: {  	_ =	strace s17  }
0x99: {  	s3 =	sld [smem:$0x3FFC];
	_ =	sdelay $0x3  }
0x9a: {  	_ =	strace s3  }
0x9b: {  	s3 =	sld [smem:$0x3FFD];
	_ =	sdelay $0x3  }
0x9c: {  	_ =	strace s3  }
0x9d: {  	_ =	strace $0x8FFFFFFF  }
0x9e: {  	s18 =	sld [smem:$0x3FDB];
	_ =	sdelay $0x1  }
0x9f: {  	s19 =	simm.s32 $_scs_section_size  }
0xa0: {  	s5 =	simm.s32 $_size__tile_overlayer_lowered;
	s6 =	simm.s32 $_tile_overlayer_lowered  }
0xa1: {  	s22 =	simm.s32 $0x1BFF;
	s21 =	sshll.u32 s6, $0x1;
	s3 =	sadd.s32 s19, s18  }
0xa2: {  	s7 =	simm.s32 $0x0;
	s20 =	sshll.u32 s5, $0x1;
	s5 =	sadd.s32 s21, s3  }
0xa3: {  	[timem:s7], [sflag:s22] =	dma.local [hbm:s5], s20  }
0xa4: {  	_ =	swait.ge [sflag:s22], s20  }
0xa5: {  	s4 =	ssub.s32 $0x0, s20;
	[sflag:s22] =	ssyncset.done $0x0  }
0xa6: {  	[sflag:s22] =	ssyncadd.s32 s4;
	_ =	sdelay $0x1  }
0xa7: {  	s23 =	simm.s32 $0x1B8B  }
0xa8: {  	_ =	swait.ge [sflag:s23], $0x1  }
0xa9: {  	[sflag:s23] =	ssyncset.done $0x0  }
0xaa: {  	s25 =	simm.s32 $0x1B8E;
	s24 =	sld [smem:$0x3FFE];
	[sflag:s23] =	ssyncadd.s32 $0xFFFFFFFF  }
0xab: {  	s26 =	simm.s32 $execute0_lowered;
	[smem:$0x3FD2] =	sst s25  }
0xac: {  	s5 =	sshll.u32 s26, $0x1;
	_ =	strace $0x80000049;
	[dreg:$0x1] =	wrdreg $0xFFFFFFFF  }
0xad: {  	s28 =	simm.s32 $_size_execute0_lowered;
	s3 =	sadd.s32 s3, s5;
	[dreg:$0x0] =	wrdreg $0x0  }
0xae: {  	s5 =	sshll.u32 s28, $0x1;
	[dreg:$0x2] =	wrdreg s3  }
0xaf: {  	[dreg:$0x3] =	wrdreg s5  }
0xb0: {  	[dreg:$0x4] =	wrdreg $0xC0  }
0xb1: {  	_ =	task [dreg:s7], $0x5FFFF  }
0xb2: {  	[dreg:$0x1] =	wrdreg $0xFFFFFFFF  }
0xb3: {  	[dreg:$0x0] =	wrdreg $0x60  }
0xb4: {  	[dreg:$0x2] =	wrdreg s16  }
0xb5: {  	[dreg:$0x3] =	wrdreg s24  }
0xb6: {  	[dreg:$0x4] =	wrdreg $0x9  }
0xb7: {  	_ =	task.clear_ibuf [dreg:s7], $0x5FFFF;
	_ =	strace $0x90000049  }
0xb8: {  	s29 =	simm.s32 $0x9;
	_ =	strace $0x8000004B  }
0xb9: {  	_ =	swait.ge [sflag:s29], $0x1  }
0xba: {  	[sflag:s29] =	ssyncadd.s32 $0xFFFFFFFF  }
0xbb: {  	_ =	strace $0x9000004B  }
0xbc: {  	_ =	sfence  }
0xbd: {  	s30 =	sld [smem:$0x0];
	_ =	sdelay $0x2  }
0xbe: {  	s31 =	sshll.u32 s1, $0xD;
	s1 =	sshrl.u32 s1, $0x2  }
0xbf: {  	s3 =	sand.u32 $0x4000, s31;
	s1 =	sadd.s32 s1, s30  }
0xc0: {  	s0 =	sor.u32 s3, s0;
	s1 =	sshll.u32 s1, $0x11  }
0xc1: {  	s0 =	sor.u32 s1, s0  }
0xc2: {  	s0 =	sadd.s32 $0x8F2B, s0  }
0xc3: {  	[sflag:s0] =	ssyncadd.remote.s32 $0x1  }
0xc4: {  	_ =	sfence.sel $0xFFFF  }
0xc5: {  	[dreg:$0x0] =	wrdreg $0xFFFFFFFF;
	(pc) =	sbr.abs _section_cstart, $3  }
0xc6: {  	[dreg:$0x1] =	wrdreg $0xFFFFFFFF  }
0xc7: {  	_ =	task.clear_ibuf [dreg:s7], $0x2FFFF;
	_ =	strace $0x9FFFFFFF  }
0xc8: {  	(tm) =	ssettm $0x7FFFFFFF  }
0xc9: {  	_ =	shalt  }
tec
execute0_lowered:
.L_overlay_start_1:
0x0: {  	(tag) =	ssettag $0x1  }
0x1: {  	s25 =	rddreg [dreg:$0x0]  }
0x2: {  	s1 =	rddreg [dreg:$0x1];
	s3 =	simm.s32 $0x0  }
0x3: {  	[smem:$0x7FF] =	sst s3;
	s16 =	sadd.s32 $0x200, s25  }
0x4: {  	s17 =	sadd.s32 $0x400, s25;
	_ =	strace $0x8000004A;
	[dreg:$0x15] =	wrdreg s16  }
0x5: {  	s18 =	sadd.s32 $0x600, s25;
	[dreg:$0x16] =	wrdreg s17  }
0x6: {  	s19 =	sadd.s32 $0x800, s25;
	[dreg:$0x17] =	wrdreg s18  }
0x7: {  	s21 =	sadd.s32 $0xA00, s25;
	[dreg:$0x18] =	wrdreg s19  }
0x8: {  	s23 =	sadd.s32 $0xC00, s25;
	[dreg:$0x19] =	wrdreg s21  }
0x9: {  	s26 =	sadd.s32 $0xE00, s25;
	[dreg:$0x1a] =	wrdreg s23  }
0xa: {  	s29 =	sadd.s32 $0x1000, s25;
	[dreg:$0x1b] =	wrdreg s26  }
0xb: {  	s31 =	sadd.s32 $0x1200, s25;
	[dreg:$0x1c] =	wrdreg s29  }
0xc: {  	s0 =	srdreg.scid;
	s8 =	sadd.s32 $0x1600, s25;
	[dreg:$0x1d] =	wrdreg s31  }
0xd: {  	s2 =	stileid.u32;
	s10 =	sadd.s32 $0x1800, s25;
	[dreg:$0x1f] =	wrdreg s8  }
0xe: {  	s0 =	sand.u32 $0x1, s0;
	s12 =	sadd.s32 $0x1A00, s25;
	[smem:$0x7EF] =	sst s10  }
0xf: {  	s2 =	sshll.u32 s2, $0x1;
	s14 =	sadd.s32 $0x1C00, s25;
	[smem:$0x7F0] =	sst s12  }
0x10: {  	s2 =	sor.u32 s0, s2;
	[smem:$0x7F1] =	sst s14;
	s16 =	sadd.s32 $0x1E00, s25  }
0x11: {  	s0 =	ssub.s32 $0x2, s0;
	s18 =	sadd.s32 $0x2000, s25;
	[smem:$0x7F2] =	sst s16  }
0x12: {  	s21 =	sadd.s32 $0x2400, s25;
	s23 =	sadd.s32 $0x2800, s25;
	[smem:$0x7F3] =	sst s18  }
0x13: {  	s26 =	sadd.s32 $0x2C00, s25;
	s29 =	sadd.s32 $0x3000, s25;
	[smem:$0x7F5] =	sst s21  }
0x14: {  	s31 =	sadd.s32 $0x3400, s25;
	s4 =	sshll.u32 s2, $0x8;
	[smem:$0x7F7] =	sst s23  }
0x15: {  	s6 =	smul.u32 $0x1B000, s2;
	s5 =	sshrl.u32 s0, $0x1;
	[smem:$0x7F9] =	sst s26  }
0x16: {  	s2 =	smul.u32 $0xD8000, s2;
	[smem:$0x7FB] =	sst s29;
	s4 =	sadd.s32 s4, s1  }
0x17: {  	[smem:$0x7FD] =	sst s31;
	s1 =	sadd.s32 $0x23000, s1;
	s4 =	sadd.s32 $0x21000, s4  }
0x18: {  	s0 =	ssub.s32 s0, s5;
	s6 =	sadd.s32 s1, s6;
	[dreg:$0x3] =	wrdreg s4  }
0x19: {  	s2 =	sshrl.u32 s2, $0x3;
	s0 =	smax.u32 s0, $0x1;
	[dreg:$0x13] =	wrdreg s6  }
0x1a: {  	s6 =	sadd.s32 $0x40, s6;
	s1 =	sadd.s32 s1, s2;
	[dreg:$0x14] =	wrdreg s0  }
0x1b: {  	[dreg:$0x4] =	wrdreg s6;
	s20 =	sadd.s32 $0x3600, s1  }
0x1c: {  	s22 =	sadd.s32 $0x3640, s1;
	[dreg:$0x5] =	wrdreg s20  }
0x1d: {  	s24 =	sadd.s32 $0x6C00, s1;
	[dreg:$0x6] =	wrdreg s22  }
0x1e: {  	s28 =	sadd.s32 $0x6C40, s1;
	[dreg:$0x7] =	wrdreg s24  }
0x1f: {  	s30 =	sadd.s32 $0xA200, s1;
	[dreg:$0x8] =	wrdreg s28  }
0x20: {  	s6 =	sadd.s32 $0x1400, s25;
	[dreg:$0x9] =	wrdreg s30  }
0x21: {  	s5 =	sadd.s32 $0xA240, s1;
	[dreg:$0x1e] =	wrdreg s6  }
0x22: {  	s7 =	sadd.s32 $0xD800, s1;
	[dreg:$0xa] =	wrdreg s5  }
0x23: {  	s9 =	sadd.s32 $0xD840, s1;
	[dreg:$0xb] =	wrdreg s7  }
0x24: {  	s11 =	sadd.s32 $0x10E00, s1;
	[dreg:$0xc] =	wrdreg s9  }
0x25: {  	s13 =	sadd.s32 $0x10E40, s1;
	[dreg:$0xd] =	wrdreg s11  }
0x26: {  	s15 =	sadd.s32 $0x14400, s1;
	[dreg:$0xe] =	wrdreg s13  }
0x27: {  	s17 =	sadd.s32 $0x14440, s1;
	[dreg:$0xf] =	wrdreg s15  }
0x28: {  	s19 =	sadd.s32 $0x17A00, s1;
	[dreg:$0x10] =	wrdreg s17  }
0x29: {  	s1 =	sadd.s32 $0x17A40, s1;
	[dreg:$0x11] =	wrdreg s19  }
0x2a: {  	s20 =	sadd.s32 $0x2200, s25;
	[dreg:$0x12] =	wrdreg s1  }
0x2b: {  	s22 =	sadd.s32 $0x2600, s25;
	[smem:$0x7F4] =	sst s20  }
0x2c: {  	s24 =	sadd.s32 $0x2A00, s25;
	[smem:$0x7F6] =	sst s22  }
0x2d: {  	v0 =	vlaneseq.u32;
	s28 =	sadd.s32 $0x2E00, s25;
	[smem:$0x7F8] =	sst s24  }
0x2e: {  	v1 =	vshrl.u32 v0, $0x2;
	s30 =	sadd.s32 $0x3200, s25;
	[smem:$0x7FA] =	sst s28  }
0x2f: {  	vm0 =	vmmov $0xffff;
	v0 =	vand.u32 $0x3, v0;
	v1 =	vmul.u32 $0x8, v1;
	[smem:$0x7FC] =	sst s30  }
.LBB2_1:
0x30: {  	s25 =	rddreg [dreg:$0x3];
	s28 =	simm.s32 $0x5  }
0x31: {  	[tilespmem:s3], [sflag:$0x5] =	stream.linear.gather [hbm4b:s25+s3], $0x800, $0x38;
	[tilespmem:$0x1B800] =	vst v63  }
0x32: {  	_ =	swait.ge [sflag:s28], $0x800  }
0x33: {  	[sflag:s28] =	ssyncset.done $0x0  }
0x34: {  	[sflag:s28] =	ssyncadd.s32 $0xFFFFF800  }
0x35: {  	v2 =	vld.msk [tilespmem:$0x0], $0xf;
	_ =	sdelay $0x4  }
0x36: {  	v3 =	vshrl.u32 v2, $0x3  }
0x37: {  	v3 =	vmul.u32 $0x360, v3  }
0x38: {  	v2 =	vand.u32 $0x7, v2  }
0x39: {  	v2 =	vor.u32 v2, v3  }
0x3a: {  	v2 =	vperm.xlane v2, v0;
	_ =	sdelay $0x1  }
0x3b: {  	v2 =	vadd.s32 v1, v2;
	_ =	sdelay $0x3  }
0x3c: {  	s0 =	simm.s32 $0x800;
	s25 =	rddreg [dreg:$0x0]  }
0x3d: {  	[tilespmem:s0], [sflag:$0x1] =	stream.indirect_vreg.gather [hbm4b:s25+s3], $0x80, v2, vm0, $0xb8;
	[tilespmem:$0x1B800] =	vst v63  }
0x3e: {  	s29 =	simm.s32 $0x1000;
	s13 =	rddreg [dreg:$0x15]  }
0x3f: {  	[tilespmem:s29], [sflag:$0x1] =	stream.indirect_vreg.gather [hbm4b:s13+s3], $0x80, v2, vm0, $0xb8;
	[tilespmem:$0x1B800] =	vst v63  }
0x40: {  	s30 =	simm.s32 $0x1800;
	s21 =	rddreg [dreg:$0x16]  }
0x41: {  	[tilespmem:s30], [sflag:$0x1] =	stream.indirect_vreg.gather [hbm4b:s21+s3], $0x80, v2, vm0, $0xb8;
	[tilespmem:$0x1B800] =	vst v63  }
0x42: {  	s31 =	simm.s32 $0x2000;
	s1 =	rddreg [dreg:$0x17]  }
0x43: {  	[tilespmem:s31], [sflag:$0x1] =	stream.indirect_vreg.gather [hbm4b:s1+s3], $0x80, v2, vm0, $0xb8;
	[tilespmem:$0x1B800] =	vst v63  }
0x44: {  	s2 =	simm.s32 $0x2800;
	s28 =	rddreg [dreg:$0x18]  }
0x45: {  	[tilespmem:s2], [sflag:$0x1] =	stream.indirect_vreg.gather [hbm4b:s28+s3], $0x80, v2, vm0, $0xb8;
	[tilespmem:$0x1B800] =	vst v63  }
0x46: {  	s4 =	simm.s32 $0x3000;
	s29 =	rddreg [dreg:$0x19]  }
0x47: {  	[tilespmem:s4], [sflag:$0x1] =	stream.indirect_vreg.gather [hbm4b:s29+s3], $0x80, v2, vm0, $0xb8;
	[tilespmem:$0x1B800] =	vst v63  }
0x48: {  	s5 =	simm.s32 $0x3800;
	s30 =	rddreg [dreg:$0x1a]  }
0x49: {  	[tilespmem:s5], [sflag:$0x1] =	stream.indirect_vreg.gather [hbm4b:s30+s3], $0x80, v2, vm0, $0xb8;
	[tilespmem:$0x1B800] =	vst v63  }
0x4a: {  	s6 =	simm.s32 $0x4000;
	s7 =	rddreg [dreg:$0x1b]  }
0x4b: {  	[tilespmem:s6], [sflag:$0x1] =	stream.indirect_vreg.gather [hbm4b:s7+s3], $0x80, v2, vm0, $0xb8;
	[tilespmem:$0x1B800] =	vst v63  }
0x4c: {  	s8 =	simm.s32 $0x4800;
	s9 =	rddreg [dreg:$0x1c]  }
0x4d: {  	[tilespmem:s8], [sflag:$0x1] =	stream.indirect_vreg.gather [hbm4b:s9+s3], $0x80, v2, vm0, $0xb8;
	[tilespmem:$0x1B800] =	vst v63  }
0x4e: {  	s10 =	simm.s32 $0x5000;
	s11 =	rddreg [dreg:$0x1d]  }
0x4f: {  	[tilespmem:s10], [sflag:$0x1] =	stream.indirect_vreg.gather [hbm4b:s11+s3], $0x80, v2, vm0, $0xb8;
	[tilespmem:$0x1B800] =	vst v63  }
0x50: {  	s14 =	simm.s32 $0x5800;
	s15 =	rddreg [dreg:$0x1e]  }
0x51: {  	[tilespmem:s14], [sflag:$0x1] =	stream.indirect_vreg.gather [hbm4b:s15+s3], $0x80, v2, vm0, $0xb8;
	[tilespmem:$0x1B800] =	vst v63  }
0x52: {  	s16 =	simm.s32 $0x6000;
	s31 =	smov.u32 s1;
	s1 =	rddreg [dreg:$0x1f]  }
0x53: {  	[tilespmem:s16], [sflag:$0x1] =	stream.indirect_vreg.gather [hbm4b:s1+s3], $0x80, v2, vm0, $0xb8;
	[tilespmem:$0x1B800] =	vst v63  }
0x54: {  	s16 =	sld [smem:$0x7EF];
	_ =	sdelay $0x1  }
0x55: {  	s17 =	simm.s32 $0x6800  }
0x56: {  	[tilespmem:s17], [sflag:$0x1] =	stream.indirect_vreg.gather [hbm4b:s16+s3], $0x80, v2, vm0, $0xb8;
	[tilespmem:$0x1B800] =	vst v63  }
0x57: {  	s17 =	sld [smem:$0x7F0];
	_ =	sdelay $0x1  }
0x58: {  	s18 =	simm.s32 $0x7000  }
0x59: {  	[tilespmem:s18], [sflag:$0x1] =	stream.indirect_vreg.gather [hbm4b:s17+s3], $0x80, v2, vm0, $0xb8;
	[tilespmem:$0x1B800] =	vst v63  }
0x5a: {  	s18 =	sld [smem:$0x7F1];
	_ =	sdelay $0x1  }
0x5b: {  	s19 =	simm.s32 $0x7800;
	s6 =	sld [smem:$0x7F2]  }
0x5c: {  	[tilespmem:s19], [sflag:$0x1] =	stream.indirect_vreg.gather [hbm4b:s18+s3], $0x80, v2, vm0, $0xb8;
	[tilespmem:$0x1B800] =	vst v63  }
0x5d: {  	s20 =	simm.s32 $0x8000;
	s19 =	sld [smem:$0x7F3]  }
0x5e: {  	[tilespmem:s20], [sflag:$0x1] =	stream.indirect_vreg.gather [hbm4b:s6+s3], $0x80, v2, vm0, $0xb8;
	[tilespmem:$0x1B800] =	vst v63  }
0x5f: {  	s22 =	simm.s32 $0x8800;
	s2 =	sld [smem:$0x7F4]  }
0x60: {  	[tilespmem:s22], [sflag:$0x1] =	stream.indirect_vreg.gather [hbm4b:s19+s3], $0x80, v2, vm0, $0xb8;
	[tilespmem:$0x1B800] =	vst v63  }
0x61: {  	s23 =	simm.s32 $0x9000;
	s22 =	sld [smem:$0x7F5]  }
0x62: {  	[tilespmem:s23], [sflag:$0x1] =	stream.indirect_vreg.gather [hbm4b:s2+s3], $0x80, v2, vm0, $0xb8;
	[tilespmem:$0x1B800] =	vst v63  }
0x63: {  	s26 =	simm.s32 $0x9800;
	s8 =	sld [smem:$0x7F6]  }
0x64: {  	[tilespmem:s26], [sflag:$0x1] =	stream.indirect_vreg.gather [hbm4b:s22+s3], $0x80, v2, vm0, $0xb8;
	[tilespmem:$0x1B800] =	vst v63  }
0x65: {  	s4 =	simm.s32 $0xA000;
	s26 =	sld [smem:$0x7F7]  }
0x66: {  	[tilespmem:s4], [sflag:$0x1] =	stream.indirect_vreg.gather [hbm4b:s8+s3], $0x80, v2, vm0, $0xb8;
	[tilespmem:$0x1B800] =	vst v63  }
0x67: {  	s12 =	smov.u32 s9;
	s9 =	simm.s32 $0xA800;
	s4 =	sld [smem:$0x7F8]  }
0x68: {  	[tilespmem:s9], [sflag:$0x1] =	stream.indirect_vreg.gather [hbm4b:s26+s3], $0x80, v2, vm0, $0xb8;
	[tilespmem:$0x1B800] =	vst v63  }
0x69: {  	s10 =	simm.s32 $0xB000;
	s9 =	sld [smem:$0x7F9]  }
0x6a: {  	[tilespmem:s10], [sflag:$0x1] =	stream.indirect_vreg.gather [hbm4b:s4+s3], $0x80, v2, vm0, $0xb8;
	[tilespmem:$0x1B800] =	vst v63  }
0x6b: {  	s5 =	smov.u32 s11;
	s11 =	simm.s32 $0xB800;
	s10 =	sld [smem:$0x7FA]  }
0x6c: {  	[tilespmem:s11], [sflag:$0x1] =	stream.indirect_vreg.gather [hbm4b:s9+s3], $0x80, v2, vm0, $0xb8;
	[tilespmem:$0x1B800] =	vst v63  }
0x6d: {  	s14 =	simm.s32 $0xC000;
	s11 =	sld [smem:$0x7FB]  }
0x6e: {  	[tilespmem:s14], [sflag:$0x1] =	stream.indirect_vreg.gather [hbm4b:s10+s3], $0x80, v2, vm0, $0xb8;
	[tilespmem:$0x1B800] =	vst v63  }
0x6f: {  	s24 =	smov.u32 s7;
	s7 =	smov.u32 s15;
	s15 =	simm.s32 $0xC800  }
0x70: {  	[tilespmem:s15], [sflag:$0x1] =	stream.indirect_vreg.gather [hbm4b:s11+s3], $0x80, v2, vm0, $0xb8;
	[tilespmem:$0x1B800] =	vst v63  }
0x71: {  	s15 =	sld [smem:$0x7FC];
	_ =	sdelay $0x1  }
0x72: {  	s20 =	simm.s32 $0xD000  }
0x73: {  	[tilespmem:s20], [sflag:$0x1] =	stream.indirect_vreg.gather [hbm4b:s15+s3], $0x80, v2, vm0, $0xb8;
	[tilespmem:$0x1B800] =	vst v63  }
0x74: {  	s20 =	sld [smem:$0x7FD];
	_ =	sdelay $0x1  }
0x75: {  	s23 =	simm.s32 $0xD800  }
0x76: {  	[tilespmem:s23], [sflag:$0x1] =	stream.indirect_vreg.gather [hbm4b:s20+s3], $0x80, v2, vm0, $0xb8;
	[tilespmem:$0x1B800] =	vst v63  }
0x77: {  	v2 =	vld.msk [tilespmem:$0x80], $0xf;
	_ =	sdelay $0x4  }
0x78: {  	v3 =	vshrl.u32 v2, $0x3  }
0x79: {  	v3 =	vmul.u32 $0x360, v3  }
0x7a: {  	v2 =	vand.u32 $0x7, v2  }
0x7b: {  	v2 =	vor.u32 v2, v3  }
0x7c: {  	v2 =	vperm.xlane v2, v0;
	_ =	sdelay $0x1  }
0x7d: {  	v2 =	vadd.s32 v1, v2;
	_ =	sdelay $0x3  }
0x7e: {  	s14 =	simm.s32 $0xE000  }
0x7f: {  	[tilespmem:s14], [sflag:$0x2] =	stream.indirect_vreg.gather [hbm4b:s25+s3], $0x80, v2, vm0, $0xb8;
	[tilespmem:$0x1B800] =	vst v63  }
0x80: {  	s23 =	simm.s32 $0xE800  }
0x81: {  	[tilespmem:s23], [sflag:$0x2] =	stream.indirect_vreg.gather [hbm4b:s13+s3], $0x80, v2, vm0, $0xb8;
	[tilespmem:$0x1B800] =	vst v63  }
0x82: {  	s25 =	simm.s32 $0xF000  }
0x83: {  	[tilespmem:s25], [sflag:$0x2] =	stream.indirect_vreg.gather [hbm4b:s21+s3], $0x80, v2, vm0, $0xb8;
	[tilespmem:$0x1B800] =	vst v63  }
0x84: {  	s14 =	simm.s32 $0xF800  }
0x85: {  	[tilespmem:s14], [sflag:$0x2] =	stream.indirect_vreg.gather [hbm4b:s31+s3], $0x80, v2, vm0, $0xb8;
	[tilespmem:$0x1B800] =	vst v63  }
0x86: {  	s23 =	simm.s32 $0x10000  }
0x87: {  	[tilespmem:s23], [sflag:$0x2] =	stream.indirect_vreg.gather [hbm4b:s28+s3], $0x80, v2, vm0, $0xb8;
	[tilespmem:$0x1B800] =	vst v63  }
0x88: {  	s25 =	simm.s32 $0x10800  }
0x89: {  	[tilespmem:s25], [sflag:$0x2] =	stream.indirect_vreg.gather [hbm4b:s29+s3], $0x80, v2, vm0, $0xb8;
	[tilespmem:$0x1B800] =	vst v63  }
0x8a: {  	s31 =	simm.s32 $0x11000  }
0x8b: {  	[tilespmem:s31], [sflag:$0x2] =	stream.indirect_vreg.gather [hbm4b:s30+s3], $0x80, v2, vm0, $0xb8;
	[tilespmem:$0x1B800] =	vst v63  }
0x8c: {  	s14 =	simm.s32 $0x11800  }
0x8d: {  	[tilespmem:s14], [sflag:$0x2] =	stream.indirect_vreg.gather [hbm4b:s24+s3], $0x80, v2, vm0, $0xb8;
	[tilespmem:$0x1B800] =	vst v63  }
0x8e: {  	s23 =	simm.s32 $0x12000  }
0x8f: {  	[tilespmem:s23], [sflag:$0x2] =	stream.indirect_vreg.gather [hbm4b:s12+s3], $0x80, v2, vm0, $0xb8;
	[tilespmem:$0x1B800] =	vst v63  }
0x90: {  	s31 =	smov.u32 s24;
	s24 =	simm.s32 $0x12800  }
0x91: {  	[tilespmem:s24], [sflag:$0x2] =	stream.indirect_vreg.gather [hbm4b:s5+s3], $0x80, v2, vm0, $0xb8;
	[tilespmem:$0x1B800] =	vst v63  }
0x92: {  	s25 =	simm.s32 $0x13000  }
0x93: {  	[tilespmem:s25], [sflag:$0x2] =	stream.indirect_vreg.gather [hbm4b:s7+s3], $0x80, v2, vm0, $0xb8;
	[tilespmem:$0x1B800] =	vst v63  }
0x94: {  	s7 =	simm.s32 $0x13800  }
0x95: {  	[tilespmem:s7], [sflag:$0x2] =	stream.indirect_vreg.gather [hbm4b:s1+s3], $0x80, v2, vm0, $0xb8;
	[tilespmem:$0x1B800] =	vst v63  }
0x96: {  	s14 =	simm.s32 $0x14000  }
0x97: {  	[tilespmem:s14], [sflag:$0x2] =	stream.indirect_vreg.gather [hbm4b:s16+s3], $0x80, v2, vm0, $0xb8;
	[tilespmem:$0x1B800] =	vst v63  }
0x98: {  	s16 =	simm.s32 $0x14800  }
0x99: {  	[tilespmem:s16], [sflag:$0x2] =	stream.indirect_vreg.gather [hbm4b:s17+s3], $0x80, v2, vm0, $0xb8;
	[tilespmem:$0x1B800] =	vst v63  }
0x9a: {  	s17 =	simm.s32 $0x15000  }
0x9b: {  	[tilespmem:s17], [sflag:$0x2] =	stream.indirect_vreg.gather [hbm4b:s18+s3], $0x80, v2, vm0, $0xb8;
	[tilespmem:$0x1B800] =	vst v63  }
0x9c: {  	s23 =	simm.s32 $0x15800  }
0x9d: {  	[tilespmem:s23], [sflag:$0x2] =	stream.indirect_vreg.gather [hbm4b:s6+s3], $0x80, v2, vm0, $0xb8;
	[tilespmem:$0x1B800] =	vst v63  }
0x9e: {  	s24 =	simm.s32 $0x16000  }
0x9f: {  	[tilespmem:s24], [sflag:$0x2] =	stream.indirect_vreg.gather [hbm4b:s19+s3], $0x80, v2, vm0, $0xb8;
	[tilespmem:$0x1B800] =	vst v63  }
0xa0: {  	s25 =	simm.s32 $0x16800  }
0xa1: {  	[tilespmem:s25], [sflag:$0x2] =	stream.indirect_vreg.gather [hbm4b:s2+s3], $0x80, v2, vm0, $0xb8;
	[tilespmem:$0x1B800] =	vst v63  }
0xa2: {  	s1 =	smov.u32 s6;
	s6 =	simm.s32 $0x17000  }
0xa3: {  	[tilespmem:s6], [sflag:$0x2] =	stream.indirect_vreg.gather [hbm4b:s22+s3], $0x80, v2, vm0, $0xb8;
	[tilespmem:$0x1B800] =	vst v63  }
0xa4: {  	s14 =	simm.s32 $0x17800  }
0xa5: {  	[tilespmem:s14], [sflag:$0x2] =	stream.indirect_vreg.gather [hbm4b:s8+s3], $0x80, v2, vm0, $0xb8;
	[tilespmem:$0x1B800] =	vst v63  }
0xa6: {  	s16 =	simm.s32 $0x18000  }
0xa7: {  	[tilespmem:s16], [sflag:$0x2] =	stream.indirect_vreg.gather [hbm4b:s26+s3], $0x80, v2, vm0, $0xb8;
	[tilespmem:$0x1B800] =	vst v63  }
0xa8: {  	s17 =	simm.s32 $0x18800  }
0xa9: {  	[tilespmem:s17], [sflag:$0x2] =	stream.indirect_vreg.gather [hbm4b:s4+s3], $0x80, v2, vm0, $0xb8;
	[tilespmem:$0x1B800] =	vst v63  }
0xaa: {  	s7 =	smov.u32 s18;
	s18 =	simm.s32 $0x19000  }
0xab: {  	[tilespmem:s18], [sflag:$0x2] =	stream.indirect_vreg.gather [hbm4b:s9+s3], $0x80, v2, vm0, $0xb8;
	[tilespmem:$0x1B800] =	vst v63  }
0xac: {  	s23 =	simm.s32 $0x19800  }
0xad: {  	[tilespmem:s23], [sflag:$0x2] =	stream.indirect_vreg.gather [hbm4b:s10+s3], $0x80, v2, vm0, $0xb8;
	[tilespmem:$0x1B800] =	vst v63  }
0xae: {  	s24 =	simm.s32 $0x1A000  }
0xaf: {  	[tilespmem:s24], [sflag:$0x2] =	stream.indirect_vreg.gather [hbm4b:s11+s3], $0x80, v2, vm0, $0xb8;
	[tilespmem:$0x1B800] =	vst v63  }
0xb0: {  	s25 =	simm.s32 $0x1A800  }
0xb1: {  	[tilespmem:s25], [sflag:$0x2] =	stream.indirect_vreg.gather [hbm4b:s15+s3], $0x80, v2, vm0, $0xb8;
	[tilespmem:$0x1B800] =	vst v63  }
0xb2: {  	s2 =	simm.s32 $0x1B000;
	s22 =	smov.u32 s4;
	s4 =	simm.s32 $0x1  }
0xb3: {  	[tilespmem:s2], [sflag:$0x2] =	stream.indirect_vreg.gather [hbm4b:s20+s3], $0x80, v2, vm0, $0xb8;
	[tilespmem:$0x1B800] =	vst v63  }
0xb4: {  	s14 =	simm.s32 $0x200;
	_ =	swait.ge [sflag:s4], $0xD800  }
0xb5: {  	s16 =	simm.s32 $0x400;
	s17 =	simm.s32 $0x800;
	[sflag:s4] =	ssyncset.done $0x0  }
0xb6: {  	s18 =	simm.s32 $0x3;
	s6 =	rddreg [dreg:$0x13];
	[sflag:s4] =	ssyncadd.s32 $0xFFFF2800  }
0xb7: {  	[hbm4b:s6+s14] =	stream.strided.scatter [tilespmem:s17], [sflag:$0x3], $0xD800, s16, s14, $0x38;
	[tilespmem:$0x1B800] =	vst v63  }
0xb8: {  	_ =	swait.ge [sflag:s18], $0xD800  }
0xb9: {  	[sflag:s18] =	ssyncset.done $0x0  }
0xba: {  	[sflag:s18] =	ssyncadd.s32 $0xFFFF2800  }
0xbb: {  	v2 =	vld.msk [tilespmem:$0x100], $0xf;
	_ =	sdelay $0x4  }
0xbc: {  	v3 =	vshrl.u32 v2, $0x3  }
0xbd: {  	v3 =	vmul.u32 $0x360, v3  }
0xbe: {  	v2 =	vand.u32 $0x7, v2  }
0xbf: {  	v2 =	vor.u32 v2, v3  }
0xc0: {  	v2 =	vperm.xlane v2, v0;
	_ =	sdelay $0x1  }
0xc1: {  	v2 =	vadd.s32 v1, v2;
	_ =	sdelay $0x3  }
0xc2: {  	s14 =	rddreg [dreg:$0x0]  }
0xc3: {  	[tilespmem:s17], [sflag:$0x1] =	stream.indirect_vreg.gather [hbm4b:s14+s3], $0x80, v2, vm0, $0xb8;
	[tilespmem:$0x1B800] =	vst v63  }
0xc4: {  	s23 =	simm.s32 $0x1000  }
0xc5: {  	[tilespmem:s23], [sflag:$0x1] =	stream.indirect_vreg.gather [hbm4b:s13+s3], $0x80, v2, vm0, $0xb8;
	[tilespmem:$0x1B800] =	vst v63  }
0xc6: {  	s24 =	simm.s32 $0x1800  }
0xc7: {  	[tilespmem:s24], [sflag:$0x1] =	stream.indirect_vreg.gather [hbm4b:s21+s3], $0x80, v2, vm0, $0xb8;
	[tilespmem:$0x1B800] =	vst v63  }
0xc8: {  	s25 =	simm.s32 $0x2000;
	s24 =	rddreg [dreg:$0x17]  }
0xc9: {  	[tilespmem:s25], [sflag:$0x1] =	stream.indirect_vreg.gather [hbm4b:s24+s3], $0x80, v2, vm0, $0xb8;
	[tilespmem:$0x1B800] =	vst v63  }
0xca: {  	s0 =	simm.s32 $0x2800  }
0xcb: {  	[tilespmem:s0], [sflag:$0x1] =	stream.indirect_vreg.gather [hbm4b:s28+s3], $0x80, v2, vm0, $0xb8;
	[tilespmem:$0x1B800] =	vst v63  }
0xcc: {  	s4 =	simm.s32 $0x3000  }
0xcd: {  	[tilespmem:s4], [sflag:$0x1] =	stream.indirect_vreg.gather [hbm4b:s29+s3], $0x80, v2, vm0, $0xb8;
	[tilespmem:$0x1B800] =	vst v63  }
0xce: {  	s6 =	simm.s32 $0x3800  }
0xcf: {  	[tilespmem:s6], [sflag:$0x1] =	stream.indirect_vreg.gather [hbm4b:s30+s3], $0x80, v2, vm0, $0xb8;
	[tilespmem:$0x1B800] =	vst v63  }
0xd0: {  	s16 =	simm.s32 $0x4000  }
0xd1: {  	[tilespmem:s16], [sflag:$0x1] =	stream.indirect_vreg.gather [hbm4b:s31+s3], $0x80, v2, vm0, $0xb8;
	[tilespmem:$0x1B800] =	vst v63  }
0xd2: {  	s17 =	simm.s32 $0x4800  }
0xd3: {  	[tilespmem:s17], [sflag:$0x1] =	stream.indirect_vreg.gather [hbm4b:s12+s3], $0x80, v2, vm0, $0xb8;
	[tilespmem:$0x1B800] =	vst v63  }
0xd4: {  	s18 =	simm.s32 $0x5000  }
0xd5: {  	[tilespmem:s18], [sflag:$0x1] =	stream.indirect_vreg.gather [hbm4b:s5+s3], $0x80, v2, vm0, $0xb8;
	[tilespmem:$0x1B800] =	vst v63  }
0xd6: {  	s23 =	simm.s32 $0x5800;
	s4 =	smov.u32 s5;
	s5 =	rddreg [dreg:$0x1e]  }
0xd7: {  	[tilespmem:s23], [sflag:$0x1] =	stream.indirect_vreg.gather [hbm4b:s5+s3], $0x80, v2, vm0, $0xb8;
	[tilespmem:$0x1B800] =	vst v63  }
0xd8: {  	s16 =	rddreg [dreg:$0x1f]  }
0xd9: {  	s25 =	simm.s32 $0x6000;
	s17 =	sld [smem:$0x7EF]  }
0xda: {  	[tilespmem:s25], [sflag:$0x1] =	stream.indirect_vreg.gather [hbm4b:s16+s3], $0x80, v2, vm0, $0xb8;
	[tilespmem:$0x1B800] =	vst v63  }
0xdb: {  	s0 =	simm.s32 $0x6800;
	s18 =	sld [smem:$0x7F0]  }
0xdc: {  	[tilespmem:s0], [sflag:$0x1] =	stream.indirect_vreg.gather [hbm4b:s17+s3], $0x80, v2, vm0, $0xb8;
	[tilespmem:$0x1B800] =	vst v63  }
0xdd: {  	s6 =	simm.s32 $0x7000  }
0xde: {  	[tilespmem:s6], [sflag:$0x1] =	stream.indirect_vreg.gather [hbm4b:s18+s3], $0x80, v2, vm0, $0xb8;
	[tilespmem:$0x1B800] =	vst v63  }
0xdf: {  	s23 =	simm.s32 $0x7800  }
0xe0: {  	[tilespmem:s23], [sflag:$0x1] =	stream.indirect_vreg.gather [hbm4b:s7+s3], $0x80, v2, vm0, $0xb8;
	[tilespmem:$0x1B800] =	vst v63  }
0xe1: {  	s25 =	simm.s32 $0x8000  }
0xe2: {  	[tilespmem:s25], [sflag:$0x1] =	stream.indirect_vreg.gather [hbm4b:s1+s3], $0x80, v2, vm0, $0xb8;
	[tilespmem:$0x1B800] =	vst v63  }
0xe3: {  	s0 =	simm.s32 $0x8800;
	s7 =	sld [smem:$0x7F4]  }
0xe4: {  	[tilespmem:s0], [sflag:$0x1] =	stream.indirect_vreg.gather [hbm4b:s19+s3], $0x80, v2, vm0, $0xb8;
	[tilespmem:$0x1B800] =	vst v63  }
0xe5: {  	s6 =	simm.s32 $0x9000  }
0xe6: {  	[tilespmem:s6], [sflag:$0x1] =	stream.indirect_vreg.gather [hbm4b:s7+s3], $0x80, v2, vm0, $0xb8;
	[tilespmem:$0x1B800] =	vst v63  }
0xe7: {  	s6 =	sld [smem:$0x7F5];
	_ =	sdelay $0x1  }
0xe8: {  	s2 =	smov.u32 s19;
	s19 =	simm.s32 $0x9800  }
0xe9: {  	[tilespmem:s19], [sflag:$0x1] =	stream.indirect_vreg.gather [hbm4b:s6+s3], $0x80, v2, vm0, $0xb8;
	[tilespmem:$0x1B800] =	vst v63  }
0xea: {  	s25 =	simm.s32 $0xA000  }
0xeb: {  	[tilespmem:s25], [sflag:$0x1] =	stream.indirect_vreg.gather [hbm4b:s8+s3], $0x80, v2, vm0, $0xb8;
	[tilespmem:$0x1B800] =	vst v63  }
0xec: {  	s0 =	simm.s32 $0xA800  }
0xed: {  	[tilespmem:s0], [sflag:$0x1] =	stream.indirect_vreg.gather [hbm4b:s26+s3], $0x80, v2, vm0, $0xb8;
	[tilespmem:$0x1B800] =	vst v63  }
0xee: {  	s19 =	simm.s32 $0xB000  }
0xef: {  	[tilespmem:s19], [sflag:$0x1] =	stream.indirect_vreg.gather [hbm4b:s22+s3], $0x80, v2, vm0, $0xb8;
	[tilespmem:$0x1B800] =	vst v63  }
0xf0: {  	s25 =	simm.s32 $0xB800  }
0xf1: {  	[tilespmem:s25], [sflag:$0x1] =	stream.indirect_vreg.gather [hbm4b:s9+s3], $0x80, v2, vm0, $0xb8;
	[tilespmem:$0x1B800] =	vst v63  }
0xf2: {  	s0 =	simm.s32 $0xC000  }
0xf3: {  	[tilespmem:s0], [sflag:$0x1] =	stream.indirect_vreg.gather [hbm4b:s10+s3], $0x80, v2, vm0, $0xb8;
	[tilespmem:$0x1B800] =	vst v63  }
0xf4: {  	s19 =	simm.s32 $0xC800  }
0xf5: {  	[tilespmem:s19], [sflag:$0x1] =	stream.indirect_vreg.gather [hbm4b:s11+s3], $0x80, v2, vm0, $0xb8;
	[tilespmem:$0x1B800] =	vst v63  }
0xf6: {  	s25 =	simm.s32 $0xD000  }
0xf7: {  	[tilespmem:s25], [sflag:$0x1] =	stream.indirect_vreg.gather [hbm4b:s15+s3], $0x80, v2, vm0, $0xb8;
	[tilespmem:$0x1B800] =	vst v63  }
0xf8: {  	s0 =	simm.s32 $0xD800;
	s19 =	simm.s32 $0x2  }
0xf9: {  	[tilespmem:s0], [sflag:$0x1] =	stream.indirect_vreg.gather [hbm4b:s20+s3], $0x80, v2, vm0, $0xb8;
	[tilespmem:$0x1B800] =	vst v63  }
0xfa: {  	s23 =	smov.u32 s1;
	_ =	swait.ge [sflag:s19], $0xD800  }
0xfb: {  	s1 =	simm.s32 $0xE000;
	s0 =	simm.s32 $0x400;
	[sflag:s19] =	ssyncset.done $0x0  }
0xfc: {  	s25 =	rddreg [dreg:$0x4];
	[sflag:s19] =	ssyncadd.s32 $0xFFFF2800;
	s19 =	simm.s32 $0x200  }
0xfd: {  	[hbm4b:s25+s19] =	stream.strided.scatter [tilespmem:s1], [sflag:$0x4], $0xD800, s0, s19, $0x38;
	[tilespmem:$0x1B800] =	vst v63  }
0xfe: {  	s0 =	simm.s32 $0x4  }
0xff: {  	_ =	swait.ge [sflag:s0], $0xD800  }
0x100: {  	[sflag:s0] =	ssyncset.done $0x0  }
0x101: {  	[sflag:s0] =	ssyncadd.s32 $0xFFFF2800  }
0x102: {  	v2 =	vld.msk [tilespmem:$0x180], $0xf;
	_ =	sdelay $0x4  }
0x103: {  	v3 =	vshrl.u32 v2, $0x3  }
0x104: {  	v3 =	vmul.u32 $0x360, v3  }
0x105: {  	v2 =	vand.u32 $0x7, v2  }
0x106: {  	v2 =	vor.u32 v2, v3  }
0x107: {  	v2 =	vperm.xlane v2, v0;
	_ =	sdelay $0x1  }
0x108: {  	v2 =	vadd.s32 v1, v2;
	_ =	sdelay $0x4  }
0x109: {  	[tilespmem:s1], [sflag:$0x2] =	stream.indirect_vreg.gather [hbm4b:s14+s3], $0x80, v2, vm0, $0xb8;
	[tilespmem:$0x1B800] =	vst v63  }
0x10a: {  	s19 =	simm.s32 $0xE800  }
0x10b: {  	[tilespmem:s19], [sflag:$0x2] =	stream.indirect_vreg.gather [hbm4b:s13+s3], $0x80, v2, vm0, $0xb8;
	[tilespmem:$0x1B800] =	vst v63  }
0x10c: {  	s25 =	simm.s32 $0xF000  }
0x10d: {  	[tilespmem:s25], [sflag:$0x2] =	stream.indirect_vreg.gather [hbm4b:s21+s3], $0x80, v2, vm0, $0xb8;
	[tilespmem:$0x1B800] =	vst v63  }
0x10e: {  	s1 =	smov.u32 s14;
	s14 =	simm.s32 $0xF800  }
0x10f: {  	[tilespmem:s14], [sflag:$0x2] =	stream.indirect_vreg.gather [hbm4b:s24+s3], $0x80, v2, vm0, $0xb8;
	[tilespmem:$0x1B800] =	vst v63  }
0x110: {  	s19 =	simm.s32 $0x10000  }
0x111: {  	[tilespmem:s19], [sflag:$0x2] =	stream.indirect_vreg.gather [hbm4b:s28+s3], $0x80, v2, vm0, $0xb8;
	[tilespmem:$0x1B800] =	vst v63  }
0x112: {  	s25 =	simm.s32 $0x10800  }
0x113: {  	[tilespmem:s25], [sflag:$0x2] =	stream.indirect_vreg.gather [hbm4b:s29+s3], $0x80, v2, vm0, $0xb8;
	[tilespmem:$0x1B800] =	vst v63  }
0x114: {  	s14 =	simm.s32 $0x11000  }
0x115: {  	[tilespmem:s14], [sflag:$0x2] =	stream.indirect_vreg.gather [hbm4b:s30+s3], $0x80, v2, vm0, $0xb8;
	[tilespmem:$0x1B800] =	vst v63  }
0x116: {  	s19 =	simm.s32 $0x11800  }
0x117: {  	[tilespmem:s19], [sflag:$0x2] =	stream.indirect_vreg.gather [hbm4b:s31+s3], $0x80, v2, vm0, $0xb8;
	[tilespmem:$0x1B800] =	vst v63  }
0x118: {  	s25 =	simm.s32 $0x12000  }
0x119: {  	[tilespmem:s25], [sflag:$0x2] =	stream.indirect_vreg.gather [hbm4b:s12+s3], $0x80, v2, vm0, $0xb8;
	[tilespmem:$0x1B800] =	vst v63  }
0x11a: {  	s14 =	simm.s32 $0x12800  }
0x11b: {  	[tilespmem:s14], [sflag:$0x2] =	stream.indirect_vreg.gather [hbm4b:s4+s3], $0x80, v2, vm0, $0xb8;
	[tilespmem:$0x1B800] =	vst v63  }
0x11c: {  	s19 =	simm.s32 $0x13000  }
0x11d: {  	[tilespmem:s19], [sflag:$0x2] =	stream.indirect_vreg.gather [hbm4b:s5+s3], $0x80, v2, vm0, $0xb8;
	[tilespmem:$0x1B800] =	vst v63  }
0x11e: {  	s25 =	simm.s32 $0x13800  }
0x11f: {  	[tilespmem:s25], [sflag:$0x2] =	stream.indirect_vreg.gather [hbm4b:s16+s3], $0x80, v2, vm0, $0xb8;
	[tilespmem:$0x1B800] =	vst v63  }
0x120: {  	s14 =	smov.u32 s4;
	s4 =	simm.s32 $0x14000  }
0x121: {  	[tilespmem:s4], [sflag:$0x2] =	stream.indirect_vreg.gather [hbm4b:s17+s3], $0x80, v2, vm0, $0xb8;
	[tilespmem:$0x1B800] =	vst v63  }
0x122: {  	s19 =	simm.s32 $0x14800  }
0x123: {  	[tilespmem:s19], [sflag:$0x2] =	stream.indirect_vreg.gather [hbm4b:s18+s3], $0x80, v2, vm0, $0xb8;
	[tilespmem:$0x1B800] =	vst v63  }
0x124: {  	s19 =	sld [smem:$0x7F1];
	_ =	sdelay $0x1  }
0x125: {  	s25 =	simm.s32 $0x15000  }
0x126: {  	[tilespmem:s25], [sflag:$0x2] =	stream.indirect_vreg.gather [hbm4b:s19+s3], $0x80, v2, vm0, $0xb8;
	[tilespmem:$0x1B800] =	vst v63  }
0x127: {  	s4 =	simm.s32 $0x15800  }
0x128: {  	[tilespmem:s4], [sflag:$0x2] =	stream.indirect_vreg.gather [hbm4b:s23+s3], $0x80, v2, vm0, $0xb8;
	[tilespmem:$0x1B800] =	vst v63  }
0x129: {  	s25 =	simm.s32 $0x16000  }
0x12a: {  	[tilespmem:s25], [sflag:$0x2] =	stream.indirect_vreg.gather [hbm4b:s2+s3], $0x80, v2, vm0, $0xb8;
	[tilespmem:$0x1B800] =	vst v63  }
0x12b: {  	s4 =	simm.s32 $0x16800  }
0x12c: {  	[tilespmem:s4], [sflag:$0x2] =	stream.indirect_vreg.gather [hbm4b:s7+s3], $0x80, v2, vm0, $0xb8;
	[tilespmem:$0x1B800] =	vst v63  }
0x12d: {  	s7 =	simm.s32 $0x17000  }
0x12e: {  	[tilespmem:s7], [sflag:$0x2] =	stream.indirect_vreg.gather [hbm4b:s6+s3], $0x80, v2, vm0, $0xb8;
	[tilespmem:$0x1B800] =	vst v63  }
0x12f: {  	s25 =	simm.s32 $0x17800  }
0x130: {  	[tilespmem:s25], [sflag:$0x2] =	stream.indirect_vreg.gather [hbm4b:s8+s3], $0x80, v2, vm0, $0xb8;
	[tilespmem:$0x1B800] =	vst v63  }
0x131: {  	s4 =	simm.s32 $0x18000  }
0x132: {  	[tilespmem:s4], [sflag:$0x2] =	stream.indirect_vreg.gather [hbm4b:s26+s3], $0x80, v2, vm0, $0xb8;
	[tilespmem:$0x1B800] =	vst v63  }
0x133: {  	s7 =	simm.s32 $0x18800  }
0x134: {  	[tilespmem:s7], [sflag:$0x2] =	stream.indirect_vreg.gather [hbm4b:s22+s3], $0x80, v2, vm0, $0xb8;
	[tilespmem:$0x1B800] =	vst v63  }
0x135: {  	s25 =	simm.s32 $0x19000  }
0x136: {  	[tilespmem:s25], [sflag:$0x2] =	stream.indirect_vreg.gather [hbm4b:s9+s3], $0x80, v2, vm0, $0xb8;
	[tilespmem:$0x1B800] =	vst v63  }
0x137: {  	s7 =	simm.s32 $0x19800  }
0x138: {  	[tilespmem:s7], [sflag:$0x2] =	stream.indirect_vreg.gather [hbm4b:s10+s3], $0x80, v2, vm0, $0xb8;
	[tilespmem:$0x1B800] =	vst v63  }
0x139: {  	s4 =	smov.u32 s22;
	s22 =	simm.s32 $0x1A000  }
0x13a: {  	[tilespmem:s22], [sflag:$0x2] =	stream.indirect_vreg.gather [hbm4b:s11+s3], $0x80, v2, vm0, $0xb8;
	[tilespmem:$0x1B800] =	vst v63  }
0x13b: {  	s25 =	simm.s32 $0x1A800  }
0x13c: {  	[tilespmem:s25], [sflag:$0x2] =	stream.indirect_vreg.gather [hbm4b:s15+s3], $0x80, v2, vm0, $0xb8;
	[tilespmem:$0x1B800] =	vst v63  }
0x13d: {  	s7 =	simm.s32 $0x1B000;
	s22 =	simm.s32 $0x1  }
0x13e: {  	[tilespmem:s7], [sflag:$0x2] =	stream.indirect_vreg.gather [hbm4b:s20+s3], $0x80, v2, vm0, $0xb8;
	[tilespmem:$0x1B800] =	vst v63  }
0x13f: {  	_ =	swait.ge [sflag:s22], $0xD800  }
0x140: {  	s0 =	simm.s32 $0x800;
	s7 =	simm.s32 $0x400;
	[sflag:s22] =	ssyncset.done $0x0  }
0x141: {  	s25 =	rddreg [dreg:$0x5];
	[sflag:s22] =	ssyncadd.s32 $0xFFFF2800;
	s22 =	simm.s32 $0x200  }
0x142: {  	[hbm4b:s25+s22] =	stream.strided.scatter [tilespmem:s0], [sflag:$0x3], $0xD800, s7, s22, $0x38;
	[tilespmem:$0x1B800] =	vst v63  }
0x143: {  	s25 =	simm.s32 $0x3  }
0x144: {  	_ =	swait.ge [sflag:s25], $0xD800  }
0x145: {  	[sflag:s25] =	ssyncset.done $0x0  }
0x146: {  	[sflag:s25] =	ssyncadd.s32 $0xFFFF2800  }
0x147: {  	v2 =	vld.msk [tilespmem:$0x200], $0xf;
	_ =	sdelay $0x4  }
0x148: {  	v3 =	vshrl.u32 v2, $0x3  }
0x149: {  	v3 =	vmul.u32 $0x360, v3  }
0x14a: {  	v2 =	vand.u32 $0x7, v2  }
0x14b: {  	v2 =	vor.u32 v2, v3  }
0x14c: {  	v2 =	vperm.xlane v2, v0;
	_ =	sdelay $0x1  }
0x14d: {  	v2 =	vadd.s32 v1, v2;
	_ =	sdelay $0x4  }
0x14e: {  	[tilespmem:s0], [sflag:$0x1] =	stream.indirect_vreg.gather [hbm4b:s1+s3], $0x80, v2, vm0, $0xb8;
	[tilespmem:$0x1B800] =	vst v63  }
0x14f: {  	s1 =	simm.s32 $0x1000  }
0x150: {  	[tilespmem:s1], [sflag:$0x1] =	stream.indirect_vreg.gather [hbm4b:s13+s3], $0x80, v2, vm0, $0xb8;
	[tilespmem:$0x1B800] =	vst v63  }
0x151: {  	s7 =	simm.s32 $0x1800  }
0x152: {  	[tilespmem:s7], [sflag:$0x1] =	stream.indirect_vreg.gather [hbm4b:s21+s3], $0x80, v2, vm0, $0xb8;
	[tilespmem:$0x1B800] =	vst v63  }
0x153: {  	s22 =	simm.s32 $0x2000  }
0x154: {  	[tilespmem:s22], [sflag:$0x1] =	stream.indirect_vreg.gather [hbm4b:s24+s3], $0x80, v2, vm0, $0xb8;
	[tilespmem:$0x1B800] =	vst v63  }
0x155: {  	s25 =	simm.s32 $0x2800  }
0x156: {  	[tilespmem:s25], [sflag:$0x1] =	stream.indirect_vreg.gather [hbm4b:s28+s3], $0x80, v2, vm0, $0xb8;
	[tilespmem:$0x1B800] =	vst v63  }
0x157: {  	s1 =	simm.s32 $0x3000  }
0x158: {  	[tilespmem:s1], [sflag:$0x1] =	stream.indirect_vreg.gather [hbm4b:s29+s3], $0x80, v2, vm0, $0xb8;
	[tilespmem:$0x1B800] =	vst v63  }
0x159: {  	s7 =	simm.s32 $0x3800  }
0x15a: {  	[tilespmem:s7], [sflag:$0x1] =	stream.indirect_vreg.gather [hbm4b:s30+s3], $0x80, v2, vm0, $0xb8;
	[tilespmem:$0x1B800] =	vst v63  }
0x15b: {  	s22 =	simm.s32 $0x4000  }
0x15c: {  	[tilespmem:s22], [sflag:$0x1] =	stream.indirect_vreg.gather [hbm4b:s31+s3], $0x80, v2, vm0, $0xb8;
	[tilespmem:$0x1B800] =	vst v63  }
0x15d: {  	s25 =	simm.s32 $0x4800  }
0x15e: {  	[tilespmem:s25], [sflag:$0x1] =	stream.indirect_vreg.gather [hbm4b:s12+s3], $0x80, v2, vm0, $0xb8;
	[tilespmem:$0x1B800] =	vst v63  }
0x15f: {  	s1 =	simm.s32 $0x5000  }
0x160: {  	[tilespmem:s1], [sflag:$0x1] =	stream.indirect_vreg.gather [hbm4b:s14+s3], $0x80, v2, vm0, $0xb8;
	[tilespmem:$0x1B800] =	vst v63  }
0x161: {  	s7 =	simm.s32 $0x5800  }
0x162: {  	[tilespmem:s7], [sflag:$0x1] =	stream.indirect_vreg.gather [hbm4b:s5+s3], $0x80, v2, vm0, $0xb8;
	[tilespmem:$0x1B800] =	vst v63  }
0x163: {  	s22 =	simm.s32 $0x6000  }
0x164: {  	[tilespmem:s22], [sflag:$0x1] =	stream.indirect_vreg.gather [hbm4b:s16+s3], $0x80, v2, vm0, $0xb8;
	[tilespmem:$0x1B800] =	vst v63  }
0x165: {  	s25 =	simm.s32 $0x6800  }
0x166: {  	[tilespmem:s25], [sflag:$0x1] =	stream.indirect_vreg.gather [hbm4b:s17+s3], $0x80, v2, vm0, $0xb8;
	[tilespmem:$0x1B800] =	vst v63  }
0x167: {  	s1 =	simm.s32 $0x7000  }
0x168: {  	[tilespmem:s1], [sflag:$0x1] =	stream.indirect_vreg.gather [hbm4b:s18+s3], $0x80, v2, vm0, $0xb8;
	[tilespmem:$0x1B800] =	vst v63  }
0x169: {  	s7 =	smov.u32 s5;
	s5 =	simm.s32 $0x7800  }
0x16a: {  	[tilespmem:s5], [sflag:$0x1] =	stream.indirect_vreg.gather [hbm4b:s19+s3], $0x80, v2, vm0, $0xb8;
	[tilespmem:$0x1B800] =	vst v63  }
0x16b: {  	s22 =	simm.s32 $0x8000  }
0x16c: {  	[tilespmem:s22], [sflag:$0x1] =	stream.indirect_vreg.gather [hbm4b:s23+s3], $0x80, v2, vm0, $0xb8;
	[tilespmem:$0x1B800] =	vst v63  }
0x16d: {  	s25 =	simm.s32 $0x8800;
	s22 =	sld [smem:$0x7F4]  }
0x16e: {  	[tilespmem:s25], [sflag:$0x1] =	stream.indirect_vreg.gather [hbm4b:s2+s3], $0x80, v2, vm0, $0xb8;
	[tilespmem:$0x1B800] =	vst v63  }
0x16f: {  	s1 =	simm.s32 $0x9000  }
0x170: {  	[tilespmem:s1], [sflag:$0x1] =	stream.indirect_vreg.gather [hbm4b:s22+s3], $0x80, v2, vm0, $0xb8;
	[tilespmem:$0x1B800] =	vst v63  }
0x171: {  	s5 =	simm.s32 $0x9800  }
0x172: {  	[tilespmem:s5], [sflag:$0x1] =	stream.indirect_vreg.gather [hbm4b:s6+s3], $0x80, v2, vm0, $0xb8;
	[tilespmem:$0x1B800] =	vst v63  }
0x173: {  	s25 =	simm.s32 $0xA000  }
0x174: {  	[tilespmem:s25], [sflag:$0x1] =	stream.indirect_vreg.gather [hbm4b:s8+s3], $0x80, v2, vm0, $0xb8;
	[tilespmem:$0x1B800] =	vst v63  }
0x175: {  	s1 =	simm.s32 $0xA800  }
0x176: {  	[tilespmem:s1], [sflag:$0x1] =	stream.indirect_vreg.gather [hbm4b:s26+s3], $0x80, v2, vm0, $0xb8;
	[tilespmem:$0x1B800] =	vst v63  }
0x177: {  	s5 =	simm.s32 $0xB000  }
0x178: {  	[tilespmem:s5], [sflag:$0x1] =	stream.indirect_vreg.gather [hbm4b:s4+s3], $0x80, v2, vm0, $0xb8;
	[tilespmem:$0x1B800] =	vst v63  }
0x179: {  	s25 =	simm.s32 $0xB800  }
0x17a: {  	[tilespmem:s25], [sflag:$0x1] =	stream.indirect_vreg.gather [hbm4b:s9+s3], $0x80, v2, vm0, $0xb8;
	[tilespmem:$0x1B800] =	vst v63  }
0x17b: {  	s1 =	simm.s32 $0xC000  }
0x17c: {  	[tilespmem:s1], [sflag:$0x1] =	stream.indirect_vreg.gather [hbm4b:s10+s3], $0x80, v2, vm0, $0xb8;
	[tilespmem:$0x1B800] =	vst v63  }
0x17d: {  	s5 =	simm.s32 $0xC800  }
0x17e: {  	[tilespmem:s5], [sflag:$0x1] =	stream.indirect_vreg.gather [hbm4b:s11+s3], $0x80, v2, vm0, $0xb8;
	[tilespmem:$0x1B800] =	vst v63  }
0x17f: {  	s25 =	simm.s32 $0xD000  }
0x180: {  	[tilespmem:s25], [sflag:$0x1] =	stream.indirect_vreg.gather [hbm4b:s15+s3], $0x80, v2, vm0, $0xb8;
	[tilespmem:$0x1B800] =	vst v63  }
0x181: {  	s1 =	simm.s32 $0xD800;
	s5 =	simm.s32 $0x2  }
0x182: {  	[tilespmem:s1], [sflag:$0x1] =	stream.indirect_vreg.gather [hbm4b:s20+s3], $0x80, v2, vm0, $0xb8;
	[tilespmem:$0x1B800] =	vst v63  }
0x183: {  	_ =	swait.ge [sflag:s5], $0xD800  }
0x184: {  	s0 =	simm.s32 $0xE000;
	s1 =	simm.s32 $0x200;
	[sflag:s5] =	ssyncset.done $0x0  }
0x185: {  	s25 =	rddreg [dreg:$0x6];
	[sflag:s5] =	ssyncadd.s32 $0xFFFF2800;
	s5 =	simm.s32 $0x400  }
0x186: {  	[hbm4b:s25+s1] =	stream.strided.scatter [tilespmem:s0], [sflag:$0x4], $0xD800, s5, s1, $0x38;
	[tilespmem:$0x1B800] =	vst v63  }
0x187: {  	s25 =	simm.s32 $0x4  }
0x188: {  	_ =	swait.ge [sflag:s25], $0xD800  }
0x189: {  	[sflag:s25] =	ssyncset.done $0x0  }
0x18a: {  	[sflag:s25] =	ssyncadd.s32 $0xFFFF2800  }
0x18b: {  	v2 =	vld.msk [tilespmem:$0x280], $0xf;
	_ =	sdelay $0x4  }
0x18c: {  	v3 =	vshrl.u32 v2, $0x3  }
0x18d: {  	v3 =	vmul.u32 $0x360, v3  }
0x18e: {  	v2 =	vand.u32 $0x7, v2  }
0x18f: {  	v2 =	vor.u32 v2, v3  }
0x190: {  	v2 =	vperm.xlane v2, v0;
	_ =	sdelay $0x1  }
0x191: {  	v2 =	vadd.s32 v1, v2;
	_ =	sdelay $0x3  }
0x192: {  	s25 =	rddreg [dreg:$0x0]  }
0x193: {  	[tilespmem:s0], [sflag:$0x2] =	stream.indirect_vreg.gather [hbm4b:s25+s3], $0x80, v2, vm0, $0xb8;
	[tilespmem:$0x1B800] =	vst v63  }
0x194: {  	s25 =	simm.s32 $0xE800  }
0x195: {  	[tilespmem:s25], [sflag:$0x2] =	stream.indirect_vreg.gather [hbm4b:s13+s3], $0x80, v2, vm0, $0xb8;
	[tilespmem:$0x1B800] =	vst v63  }
0x196: {  	s25 =	simm.s32 $0xF000  }
0x197: {  	[tilespmem:s25], [sflag:$0x2] =	stream.indirect_vreg.gather [hbm4b:s21+s3], $0x80, v2, vm0, $0xb8;
	[tilespmem:$0x1B800] =	vst v63  }
0x198: {  	s25 =	simm.s32 $0xF800  }
0x199: {  	[tilespmem:s25], [sflag:$0x2] =	stream.indirect_vreg.gather [hbm4b:s24+s3], $0x80, v2, vm0, $0xb8;
	[tilespmem:$0x1B800] =	vst v63  }
0x19a: {  	s25 =	simm.s32 $0x10000  }
0x19b: {  	[tilespmem:s25], [sflag:$0x2] =	stream.indirect_vreg.gather [hbm4b:s28+s3], $0x80, v2, vm0, $0xb8;
	[tilespmem:$0x1B800] =	vst v63  }
0x19c: {  	s25 =	simm.s32 $0x10800  }
0x19d: {  	[tilespmem:s25], [sflag:$0x2] =	stream.indirect_vreg.gather [hbm4b:s29+s3], $0x80, v2, vm0, $0xb8;
	[tilespmem:$0x1B800] =	vst v63  }
0x19e: {  	s25 =	simm.s32 $0x11000  }
0x19f: {  	[tilespmem:s25], [sflag:$0x2] =	stream.indirect_vreg.gather [hbm4b:s30+s3], $0x80, v2, vm0, $0xb8;
	[tilespmem:$0x1B800] =	vst v63  }
0x1a0: {  	s25 =	simm.s32 $0x11800  }
0x1a1: {  	[tilespmem:s25], [sflag:$0x2] =	stream.indirect_vreg.gather [hbm4b:s31+s3], $0x80, v2, vm0, $0xb8;
	[tilespmem:$0x1B800] =	vst v63  }
0x1a2: {  	s25 =	simm.s32 $0x12000  }
0x1a3: {  	[tilespmem:s25], [sflag:$0x2] =	stream.indirect_vreg.gather [hbm4b:s12+s3], $0x80, v2, vm0, $0xb8;
	[tilespmem:$0x1B800] =	vst v63  }
0x1a4: {  	s25 =	simm.s32 $0x12800  }
0x1a5: {  	[tilespmem:s25], [sflag:$0x2] =	stream.indirect_vreg.gather [hbm4b:s14+s3], $0x80, v2, vm0, $0xb8;
	[tilespmem:$0x1B800] =	vst v63  }
0x1a6: {  	s25 =	simm.s32 $0x13000  }
0x1a7: {  	[tilespmem:s25], [sflag:$0x2] =	stream.indirect_vreg.gather [hbm4b:s7+s3], $0x80, v2, vm0, $0xb8;
	[tilespmem:$0x1B800] =	vst v63  }
0x1a8: {  	s25 =	simm.s32 $0x13800  }
0x1a9: {  	[tilespmem:s25], [sflag:$0x2] =	stream.indirect_vreg.gather [hbm4b:s16+s3], $0x80, v2, vm0, $0xb8;
	[tilespmem:$0x1B800] =	vst v63  }
0x1aa: {  	s25 =	simm.s32 $0x14000  }
0x1ab: {  	[tilespmem:s25], [sflag:$0x2] =	stream.indirect_vreg.gather [hbm4b:s17+s3], $0x80, v2, vm0, $0xb8;
	[tilespmem:$0x1B800] =	vst v63  }
0x1ac: {  	s25 =	simm.s32 $0x14800  }
0x1ad: {  	[tilespmem:s25], [sflag:$0x2] =	stream.indirect_vreg.gather [hbm4b:s18+s3], $0x80, v2, vm0, $0xb8;
	[tilespmem:$0x1B800] =	vst v63  }
0x1ae: {  	s25 =	simm.s32 $0x15000  }
0x1af: {  	[tilespmem:s25], [sflag:$0x2] =	stream.indirect_vreg.gather [hbm4b:s19+s3], $0x80, v2, vm0, $0xb8;
	[tilespmem:$0x1B800] =	vst v63  }
0x1b0: {  	s25 =	simm.s32 $0x15800  }
0x1b1: {  	[tilespmem:s25], [sflag:$0x2] =	stream.indirect_vreg.gather [hbm4b:s23+s3], $0x80, v2, vm0, $0xb8;
	[tilespmem:$0x1B800] =	vst v63  }
0x1b2: {  	s25 =	simm.s32 $0x16000  }
0x1b3: {  	[tilespmem:s25], [sflag:$0x2] =	stream.indirect_vreg.gather [hbm4b:s2+s3], $0x80, v2, vm0, $0xb8;
	[tilespmem:$0x1B800] =	vst v63  }
0x1b4: {  	s25 =	simm.s32 $0x16800  }
0x1b5: {  	[tilespmem:s25], [sflag:$0x2] =	stream.indirect_vreg.gather [hbm4b:s22+s3], $0x80, v2, vm0, $0xb8;
	[tilespmem:$0x1B800] =	vst v63  }
0x1b6: {  	s25 =	simm.s32 $0x17000  }
0x1b7: {  	[tilespmem:s25], [sflag:$0x2] =	stream.indirect_vreg.gather [hbm4b:s6+s3], $0x80, v2, vm0, $0xb8;
	[tilespmem:$0x1B800] =	vst v63  }
0x1b8: {  	s25 =	simm.s32 $0x17800  }
0x1b9: {  	[tilespmem:s25], [sflag:$0x2] =	stream.indirect_vreg.gather [hbm4b:s8+s3], $0x80, v2, vm0, $0xb8;
	[tilespmem:$0x1B800] =	vst v63  }
0x1ba: {  	s25 =	simm.s32 $0x18000  }
0x1bb: {  	[tilespmem:s25], [sflag:$0x2] =	stream.indirect_vreg.gather [hbm4b:s26+s3], $0x80, v2, vm0, $0xb8;
	[tilespmem:$0x1B800] =	vst v63  }
0x1bc: {  	s25 =	simm.s32 $0x18800  }
0x1bd: {  	[tilespmem:s25], [sflag:$0x2] =	stream.indirect_vreg.gather [hbm4b:s4+s3], $0x80, v2, vm0, $0xb8;
	[tilespmem:$0x1B800] =	vst v63  }
0x1be: {  	s25 =	simm.s32 $0x19000  }
0x1bf: {  	[tilespmem:s25], [sflag:$0x2] =	stream.indirect_vreg.gather [hbm4b:s9+s3], $0x80, v2, vm0, $0xb8;
	[tilespmem:$0x1B800] =	vst v63  }
0x1c0: {  	s25 =	simm.s32 $0x19800  }
0x1c1: {  	[tilespmem:s25], [sflag:$0x2] =	stream.indirect_vreg.gather [hbm4b:s10+s3], $0x80, v2, vm0, $0xb8;
	[tilespmem:$0x1B800] =	vst v63  }
0x1c2: {  	s25 =	simm.s32 $0x1A000  }
0x1c3: {  	[tilespmem:s25], [sflag:$0x2] =	stream.indirect_vreg.gather [hbm4b:s11+s3], $0x80, v2, vm0, $0xb8;
	[tilespmem:$0x1B800] =	vst v63  }
0x1c4: {  	s25 =	simm.s32 $0x1A800  }
0x1c5: {  	[tilespmem:s25], [sflag:$0x2] =	stream.indirect_vreg.gather [hbm4b:s15+s3], $0x80, v2, vm0, $0xb8;
	[tilespmem:$0x1B800] =	vst v63  }
0x1c6: {  	s0 =	simm.s32 $0x1;
	s25 =	simm.s32 $0x1B000  }
0x1c7: {  	[tilespmem:s25], [sflag:$0x2] =	stream.indirect_vreg.gather [hbm4b:s20+s3], $0x80, v2, vm0, $0xb8;
	[tilespmem:$0x1B800] =	vst v63  }
0x1c8: {  	_ =	swait.ge [sflag:s0], $0xD800  }
0x1c9: {  	s5 =	simm.s32 $0x400;
	s1 =	simm.s32 $0x200;
	[sflag:s0] =	ssyncset.done $0x0  }
0x1ca: {  	s25 =	rddreg [dreg:$0x7];
	[sflag:s0] =	ssyncadd.s32 $0xFFFF2800;
	s0 =	simm.s32 $0x800  }
0x1cb: {  	[hbm4b:s25+s1] =	stream.strided.scatter [tilespmem:s0], [sflag:$0x3], $0xD800, s5, s1, $0x38;
	[tilespmem:$0x1B800] =	vst v63  }
0x1cc: {  	s25 =	simm.s32 $0x3  }
0x1cd: {  	_ =	swait.ge [sflag:s25], $0xD800  }
0x1ce: {  	[sflag:s25] =	ssyncset.done $0x0  }
0x1cf: {  	[sflag:s25] =	ssyncadd.s32 $0xFFFF2800  }
0x1d0: {  	v2 =	vld.msk [tilespmem:$0x300], $0xf;
	_ =	sdelay $0x4  }
0x1d1: {  	v3 =	vshrl.u32 v2, $0x3  }
0x1d2: {  	v3 =	vmul.u32 $0x360, v3  }
0x1d3: {  	v2 =	vand.u32 $0x7, v2  }
0x1d4: {  	v2 =	vor.u32 v2, v3  }
0x1d5: {  	v2 =	vperm.xlane v2, v0;
	_ =	sdelay $0x1  }
0x1d6: {  	v2 =	vadd.s32 v1, v2;
	_ =	sdelay $0x3  }
0x1d7: {  	s5 =	rddreg [dreg:$0x0]  }
0x1d8: {  	[tilespmem:s0], [sflag:$0x1] =	stream.indirect_vreg.gather [hbm4b:s5+s3], $0x80, v2, vm0, $0xb8;
	[tilespmem:$0x1B800] =	vst v63  }
0x1d9: {  	s1 =	simm.s32 $0x1000  }
0x1da: {  	[tilespmem:s1], [sflag:$0x1] =	stream.indirect_vreg.gather [hbm4b:s13+s3], $0x80, v2, vm0, $0xb8;
	[tilespmem:$0x1B800] =	vst v63  }
0x1db: {  	s25 =	simm.s32 $0x1800  }
0x1dc: {  	[tilespmem:s25], [sflag:$0x1] =	stream.indirect_vreg.gather [hbm4b:s21+s3], $0x80, v2, vm0, $0xb8;
	[tilespmem:$0x1B800] =	vst v63  }
0x1dd: {  	s1 =	simm.s32 $0x2000  }
0x1de: {  	[tilespmem:s1], [sflag:$0x1] =	stream.indirect_vreg.gather [hbm4b:s24+s3], $0x80, v2, vm0, $0xb8;
	[tilespmem:$0x1B800] =	vst v63  }
0x1df: {  	s25 =	simm.s32 $0x2800  }
0x1e0: {  	[tilespmem:s25], [sflag:$0x1] =	stream.indirect_vreg.gather [hbm4b:s28+s3], $0x80, v2, vm0, $0xb8;
	[tilespmem:$0x1B800] =	vst v63  }
0x1e1: {  	s1 =	simm.s32 $0x3000  }
0x1e2: {  	[tilespmem:s1], [sflag:$0x1] =	stream.indirect_vreg.gather [hbm4b:s29+s3], $0x80, v2, vm0, $0xb8;
	[tilespmem:$0x1B800] =	vst v63  }
0x1e3: {  	s25 =	simm.s32 $0x3800  }
0x1e4: {  	[tilespmem:s25], [sflag:$0x1] =	stream.indirect_vreg.gather [hbm4b:s30+s3], $0x80, v2, vm0, $0xb8;
	[tilespmem:$0x1B800] =	vst v63  }
0x1e5: {  	s1 =	simm.s32 $0x4000  }
0x1e6: {  	[tilespmem:s1], [sflag:$0x1] =	stream.indirect_vreg.gather [hbm4b:s31+s3], $0x80, v2, vm0, $0xb8;
	[tilespmem:$0x1B800] =	vst v63  }
0x1e7: {  	s25 =	simm.s32 $0x4800  }
0x1e8: {  	[tilespmem:s25], [sflag:$0x1] =	stream.indirect_vreg.gather [hbm4b:s12+s3], $0x80, v2, vm0, $0xb8;
	[tilespmem:$0x1B800] =	vst v63  }
0x1e9: {  	s1 =	simm.s32 $0x5000  }
0x1ea: {  	[tilespmem:s1], [sflag:$0x1] =	stream.indirect_vreg.gather [hbm4b:s14+s3], $0x80, v2, vm0, $0xb8;
	[tilespmem:$0x1B800] =	vst v63  }
0x1eb: {  	s25 =	simm.s32 $0x5800  }
0x1ec: {  	[tilespmem:s25], [sflag:$0x1] =	stream.indirect_vreg.gather [hbm4b:s7+s3], $0x80, v2, vm0, $0xb8;
	[tilespmem:$0x1B800] =	vst v63  }
0x1ed: {  	s1 =	simm.s32 $0x6000  }
0x1ee: {  	[tilespmem:s1], [sflag:$0x1] =	stream.indirect_vreg.gather [hbm4b:s16+s3], $0x80, v2, vm0, $0xb8;
	[tilespmem:$0x1B800] =	vst v63  }
0x1ef: {  	s25 =	simm.s32 $0x6800  }
0x1f0: {  	[tilespmem:s25], [sflag:$0x1] =	stream.indirect_vreg.gather [hbm4b:s17+s3], $0x80, v2, vm0, $0xb8;
	[tilespmem:$0x1B800] =	vst v63  }
0x1f1: {  	s1 =	simm.s32 $0x7000  }
0x1f2: {  	[tilespmem:s1], [sflag:$0x1] =	stream.indirect_vreg.gather [hbm4b:s18+s3], $0x80, v2, vm0, $0xb8;
	[tilespmem:$0x1B800] =	vst v63  }
0x1f3: {  	s25 =	simm.s32 $0x7800  }
0x1f4: {  	[tilespmem:s25], [sflag:$0x1] =	stream.indirect_vreg.gather [hbm4b:s19+s3], $0x80, v2, vm0, $0xb8;
	[tilespmem:$0x1B800] =	vst v63  }
0x1f5: {  	s1 =	simm.s32 $0x8000  }
0x1f6: {  	[tilespmem:s1], [sflag:$0x1] =	stream.indirect_vreg.gather [hbm4b:s23+s3], $0x80, v2, vm0, $0xb8;
	[tilespmem:$0x1B800] =	vst v63  }
0x1f7: {  	s25 =	simm.s32 $0x8800  }
0x1f8: {  	[tilespmem:s25], [sflag:$0x1] =	stream.indirect_vreg.gather [hbm4b:s2+s3], $0x80, v2, vm0, $0xb8;
	[tilespmem:$0x1B800] =	vst v63  }
0x1f9: {  	s1 =	simm.s32 $0x9000  }
0x1fa: {  	[tilespmem:s1], [sflag:$0x1] =	stream.indirect_vreg.gather [hbm4b:s22+s3], $0x80, v2, vm0, $0xb8;
	[tilespmem:$0x1B800] =	vst v63  }
0x1fb: {  	s25 =	simm.s32 $0x9800  }
0x1fc: {  	[tilespmem:s25], [sflag:$0x1] =	stream.indirect_vreg.gather [hbm4b:s6+s3], $0x80, v2, vm0, $0xb8;
	[tilespmem:$0x1B800] =	vst v63  }
0x1fd: {  	s1 =	simm.s32 $0xA000  }
0x1fe: {  	[tilespmem:s1], [sflag:$0x1] =	stream.indirect_vreg.gather [hbm4b:s8+s3], $0x80, v2, vm0, $0xb8;
	[tilespmem:$0x1B800] =	vst v63  }
0x1ff: {  	s25 =	simm.s32 $0xA800  }
0x200: {  	[tilespmem:s25], [sflag:$0x1] =	stream.indirect_vreg.gather [hbm4b:s26+s3], $0x80, v2, vm0, $0xb8;
	[tilespmem:$0x1B800] =	vst v63  }
0x201: {  	s1 =	simm.s32 $0xB000  }
0x202: {  	[tilespmem:s1], [sflag:$0x1] =	stream.indirect_vreg.gather [hbm4b:s4+s3], $0x80, v2, vm0, $0xb8;
	[tilespmem:$0x1B800] =	vst v63  }
0x203: {  	s4 =	simm.s32 $0xB800  }
0x204: {  	[tilespmem:s4], [sflag:$0x1] =	stream.indirect_vreg.gather [hbm4b:s9+s3], $0x80, v2, vm0, $0xb8;
	[tilespmem:$0x1B800] =	vst v63  }
0x205: {  	s9 =	simm.s32 $0xC000  }
0x206: {  	[tilespmem:s9], [sflag:$0x1] =	stream.indirect_vreg.gather [hbm4b:s10+s3], $0x80, v2, vm0, $0xb8;
	[tilespmem:$0x1B800] =	vst v63  }
0x207: {  	s10 =	simm.s32 $0xC800  }
0x208: {  	[tilespmem:s10], [sflag:$0x1] =	stream.indirect_vreg.gather [hbm4b:s11+s3], $0x80, v2, vm0, $0xb8;
	[tilespmem:$0x1B800] =	vst v63  }
0x209: {  	s25 =	simm.s32 $0xD000  }
0x20a: {  	[tilespmem:s25], [sflag:$0x1] =	stream.indirect_vreg.gather [hbm4b:s15+s3], $0x80, v2, vm0, $0xb8;
	[tilespmem:$0x1B800] =	vst v63  }
0x20b: {  	s26 =	simm.s32 $0xD800;
	s1 =	simm.s32 $0x2  }
0x20c: {  	[tilespmem:s26], [sflag:$0x1] =	stream.indirect_vreg.gather [hbm4b:s20+s3], $0x80, v2, vm0, $0xb8;
	[tilespmem:$0x1B800] =	vst v63  }
0x20d: {  	s4 =	smov.u32 s15;
	_ =	swait.ge [sflag:s1], $0xD800  }
0x20e: {  	s10 =	simm.s32 $0x200;
	s11 =	simm.s32 $0xE000;
	[sflag:s1] =	ssyncset.done $0x0  }
0x20f: {  	s15 =	simm.s32 $0x400;
	s9 =	rddreg [dreg:$0x8];
	[sflag:s1] =	ssyncadd.s32 $0xFFFF2800  }
0x210: {  	[hbm4b:s9+s10] =	stream.strided.scatter [tilespmem:s11], [sflag:$0x4], $0xD800, s15, s10, $0x38;
	[tilespmem:$0x1B800] =	vst v63  }
0x211: {  	s9 =	simm.s32 $0x4  }
0x212: {  	_ =	swait.ge [sflag:s9], $0xD800  }
0x213: {  	[sflag:s9] =	ssyncset.done $0x0  }
0x214: {  	[sflag:s9] =	ssyncadd.s32 $0xFFFF2800  }
0x215: {  	v2 =	vld.msk [tilespmem:$0x380], $0xf;
	_ =	sdelay $0x4  }
0x216: {  	v3 =	vshrl.u32 v2, $0x3  }
0x217: {  	v3 =	vmul.u32 $0x360, v3  }
0x218: {  	v2 =	vand.u32 $0x7, v2  }
0x219: {  	v2 =	vor.u32 v2, v3  }
0x21a: {  	v2 =	vperm.xlane v2, v0;
	_ =	sdelay $0x1  }
0x21b: {  	v2 =	vadd.s32 v1, v2;
	_ =	sdelay $0x4  }
0x21c: {  	[tilespmem:s11], [sflag:$0x2] =	stream.indirect_vreg.gather [hbm4b:s5+s3], $0x80, v2, vm0, $0xb8;
	[tilespmem:$0x1B800] =	vst v63  }
0x21d: {  	s10 =	simm.s32 $0xE800  }
0x21e: {  	[tilespmem:s10], [sflag:$0x2] =	stream.indirect_vreg.gather [hbm4b:s13+s3], $0x80, v2, vm0, $0xb8;
	[tilespmem:$0x1B800] =	vst v63  }
0x21f: {  	s11 =	simm.s32 $0xF000  }
0x220: {  	[tilespmem:s11], [sflag:$0x2] =	stream.indirect_vreg.gather [hbm4b:s21+s3], $0x80, v2, vm0, $0xb8;
	[tilespmem:$0x1B800] =	vst v63  }
0x221: {  	s15 =	simm.s32 $0xF800  }
0x222: {  	[tilespmem:s15], [sflag:$0x2] =	stream.indirect_vreg.gather [hbm4b:s24+s3], $0x80, v2, vm0, $0xb8;
	[tilespmem:$0x1B800] =	vst v63  }
0x223: {  	s25 =	simm.s32 $0x10000  }
0x224: {  	[tilespmem:s25], [sflag:$0x2] =	stream.indirect_vreg.gather [hbm4b:s28+s3], $0x80, v2, vm0, $0xb8;
	[tilespmem:$0x1B800] =	vst v63  }
0x225: {  	s26 =	simm.s32 $0x10800  }
0x226: {  	[tilespmem:s26], [sflag:$0x2] =	stream.indirect_vreg.gather [hbm4b:s29+s3], $0x80, v2, vm0, $0xb8;
	[tilespmem:$0x1B800] =	vst v63  }
0x227: {  	s1 =	simm.s32 $0x11000  }
0x228: {  	[tilespmem:s1], [sflag:$0x2] =	stream.indirect_vreg.gather [hbm4b:s30+s3], $0x80, v2, vm0, $0xb8;
	[tilespmem:$0x1B800] =	vst v63  }
0x229: {  	s5 =	simm.s32 $0x11800  }
0x22a: {  	[tilespmem:s5], [sflag:$0x2] =	stream.indirect_vreg.gather [hbm4b:s31+s3], $0x80, v2, vm0, $0xb8;
	[tilespmem:$0x1B800] =	vst v63  }
0x22b: {  	s9 =	simm.s32 $0x12000  }
0x22c: {  	[tilespmem:s9], [sflag:$0x2] =	stream.indirect_vreg.gather [hbm4b:s12+s3], $0x80, v2, vm0, $0xb8;
	[tilespmem:$0x1B800] =	vst v63  }
0x22d: {  	s10 =	simm.s32 $0x12800  }
0x22e: {  	[tilespmem:s10], [sflag:$0x2] =	stream.indirect_vreg.gather [hbm4b:s14+s3], $0x80, v2, vm0, $0xb8;
	[tilespmem:$0x1B800] =	vst v63  }
0x22f: {  	s11 =	simm.s32 $0x13000  }
0x230: {  	[tilespmem:s11], [sflag:$0x2] =	stream.indirect_vreg.gather [hbm4b:s7+s3], $0x80, v2, vm0, $0xb8;
	[tilespmem:$0x1B800] =	vst v63  }
0x231: {  	s15 =	smov.u32 s12;
	s12 =	simm.s32 $0x13800  }
0x232: {  	[tilespmem:s12], [sflag:$0x2] =	stream.indirect_vreg.gather [hbm4b:s16+s3], $0x80, v2, vm0, $0xb8;
	[tilespmem:$0x1B800] =	vst v63  }
0x233: {  	s25 =	simm.s32 $0x14000  }
0x234: {  	[tilespmem:s25], [sflag:$0x2] =	stream.indirect_vreg.gather [hbm4b:s17+s3], $0x80, v2, vm0, $0xb8;
	[tilespmem:$0x1B800] =	vst v63  }
0x235: {  	s26 =	simm.s32 $0x14800  }
0x236: {  	[tilespmem:s26], [sflag:$0x2] =	stream.indirect_vreg.gather [hbm4b:s18+s3], $0x80, v2, vm0, $0xb8;
	[tilespmem:$0x1B800] =	vst v63  }
0x237: {  	s1 =	simm.s32 $0x15000  }
0x238: {  	[tilespmem:s1], [sflag:$0x2] =	stream.indirect_vreg.gather [hbm4b:s19+s3], $0x80, v2, vm0, $0xb8;
	[tilespmem:$0x1B800] =	vst v63  }
0x239: {  	s5 =	simm.s32 $0x15800  }
0x23a: {  	[tilespmem:s5], [sflag:$0x2] =	stream.indirect_vreg.gather [hbm4b:s23+s3], $0x80, v2, vm0, $0xb8;
	[tilespmem:$0x1B800] =	vst v63  }
0x23b: {  	s7 =	simm.s32 $0x16000  }
0x23c: {  	[tilespmem:s7], [sflag:$0x2] =	stream.indirect_vreg.gather [hbm4b:s2+s3], $0x80, v2, vm0, $0xb8;
	[tilespmem:$0x1B800] =	vst v63  }
0x23d: {  	s9 =	simm.s32 $0x16800  }
0x23e: {  	[tilespmem:s9], [sflag:$0x2] =	stream.indirect_vreg.gather [hbm4b:s22+s3], $0x80, v2, vm0, $0xb8;
	[tilespmem:$0x1B800] =	vst v63  }
0x23f: {  	s10 =	simm.s32 $0x17000  }
0x240: {  	[tilespmem:s10], [sflag:$0x2] =	stream.indirect_vreg.gather [hbm4b:s6+s3], $0x80, v2, vm0, $0xb8;
	[tilespmem:$0x1B800] =	vst v63  }
0x241: {  	s11 =	simm.s32 $0x17800;
	s26 =	sld [smem:$0x7F7]  }
0x242: {  	[tilespmem:s11], [sflag:$0x2] =	stream.indirect_vreg.gather [hbm4b:s8+s3], $0x80, v2, vm0, $0xb8;
	[tilespmem:$0x1B800] =	vst v63  }
0x243: {  	s12 =	simm.s32 $0x18000;
	s9 =	sld [smem:$0x7F8]  }
0x244: {  	[tilespmem:s12], [sflag:$0x2] =	stream.indirect_vreg.gather [hbm4b:s26+s3], $0x80, v2, vm0, $0xb8;
	[tilespmem:$0x1B800] =	vst v63  }
0x245: {  	s25 =	simm.s32 $0x18800;
	s10 =	sld [smem:$0x7F9]  }
0x246: {  	[tilespmem:s25], [sflag:$0x2] =	stream.indirect_vreg.gather [hbm4b:s9+s3], $0x80, v2, vm0, $0xb8;
	[tilespmem:$0x1B800] =	vst v63  }
0x247: {  	s1 =	smov.u32 s2;
	s2 =	simm.s32 $0x19000;
	s11 =	sld [smem:$0x7FA]  }
0x248: {  	[tilespmem:s2], [sflag:$0x2] =	stream.indirect_vreg.gather [hbm4b:s10+s3], $0x80, v2, vm0, $0xb8;
	[tilespmem:$0x1B800] =	vst v63  }
0x249: {  	s5 =	simm.s32 $0x19800;
	s12 =	sld [smem:$0x7FB]  }
0x24a: {  	[tilespmem:s5], [sflag:$0x2] =	stream.indirect_vreg.gather [hbm4b:s11+s3], $0x80, v2, vm0, $0xb8;
	[tilespmem:$0x1B800] =	vst v63  }
0x24b: {  	s7 =	simm.s32 $0x1A000  }
0x24c: {  	[tilespmem:s7], [sflag:$0x2] =	stream.indirect_vreg.gather [hbm4b:s12+s3], $0x80, v2, vm0, $0xb8;
	[tilespmem:$0x1B800] =	vst v63  }
0x24d: {  	s8 =	simm.s32 $0x1A800  }
0x24e: {  	[tilespmem:s8], [sflag:$0x2] =	stream.indirect_vreg.gather [hbm4b:s4+s3], $0x80, v2, vm0, $0xb8;
	[tilespmem:$0x1B800] =	vst v63  }
0x24f: {  	s25 =	simm.s32 $0x1B000;
	s2 =	simm.s32 $0x1;
	s5 =	smov.u32 s20  }
0x250: {  	[tilespmem:s25], [sflag:$0x2] =	stream.indirect_vreg.gather [hbm4b:s20+s3], $0x80, v2, vm0, $0xb8;
	[tilespmem:$0x1B800] =	vst v63  }
0x251: {  	s7 =	simm.s32 $0x200;
	s8 =	smov.u32 s4;
	_ =	swait.ge [sflag:s2], $0xD800  }
0x252: {  	s20 =	simm.s32 $0x400;
	s25 =	simm.s32 $0x3;
	[sflag:s2] =	ssyncset.done $0x0  }
0x253: {  	s4 =	rddreg [dreg:$0x9];
	[sflag:s2] =	ssyncadd.s32 $0xFFFF2800;
	s2 =	simm.s32 $0x800  }
0x254: {  	[hbm4b:s4+s7] =	stream.strided.scatter [tilespmem:s2], [sflag:$0x3], $0xD800, s20, s7, $0x38;
	[tilespmem:$0x1B800] =	vst v63  }
0x255: {  	_ =	swait.ge [sflag:s25], $0xD800  }
0x256: {  	[sflag:s25] =	ssyncset.done $0x0  }
0x257: {  	[sflag:s25] =	ssyncadd.s32 $0xFFFF2800  }
0x258: {  	v2 =	vld.msk [tilespmem:$0x400], $0xf;
	_ =	sdelay $0x4  }
0x259: {  	v3 =	vshrl.u32 v2, $0x3  }
0x25a: {  	v3 =	vmul.u32 $0x360, v3  }
0x25b: {  	v2 =	vand.u32 $0x7, v2  }
0x25c: {  	v2 =	vor.u32 v2, v3  }
0x25d: {  	v2 =	vperm.xlane v2, v0;
	_ =	sdelay $0x1  }
0x25e: {  	v2 =	vadd.s32 v1, v2;
	_ =	sdelay $0x3  }
0x25f: {  	s7 =	rddreg [dreg:$0x0]  }
0x260: {  	[tilespmem:s2], [sflag:$0x1] =	stream.indirect_vreg.gather [hbm4b:s7+s3], $0x80, v2, vm0, $0xb8;
	[tilespmem:$0x1B800] =	vst v63  }
0x261: {  	s4 =	simm.s32 $0x1000  }
0x262: {  	[tilespmem:s4], [sflag:$0x1] =	stream.indirect_vreg.gather [hbm4b:s13+s3], $0x80, v2, vm0, $0xb8;
	[tilespmem:$0x1B800] =	vst v63  }
0x263: {  	s25 =	simm.s32 $0x1800  }
0x264: {  	[tilespmem:s25], [sflag:$0x1] =	stream.indirect_vreg.gather [hbm4b:s21+s3], $0x80, v2, vm0, $0xb8;
	[tilespmem:$0x1B800] =	vst v63  }
0x265: {  	s0 =	simm.s32 $0x2000  }
0x266: {  	[tilespmem:s0], [sflag:$0x1] =	stream.indirect_vreg.gather [hbm4b:s24+s3], $0x80, v2, vm0, $0xb8;
	[tilespmem:$0x1B800] =	vst v63  }
0x267: {  	s4 =	simm.s32 $0x2800  }
0x268: {  	[tilespmem:s4], [sflag:$0x1] =	stream.indirect_vreg.gather [hbm4b:s28+s3], $0x80, v2, vm0, $0xb8;
	[tilespmem:$0x1B800] =	vst v63  }
0x269: {  	s20 =	smov.u32 s13;
	s13 =	simm.s32 $0x3000  }
0x26a: {  	[tilespmem:s13], [sflag:$0x1] =	stream.indirect_vreg.gather [hbm4b:s29+s3], $0x80, v2, vm0, $0xb8;
	[tilespmem:$0x1B800] =	vst v63  }
0x26b: {  	s25 =	simm.s32 $0x3800  }
0x26c: {  	[tilespmem:s25], [sflag:$0x1] =	stream.indirect_vreg.gather [hbm4b:s30+s3], $0x80, v2, vm0, $0xb8;
	[tilespmem:$0x1B800] =	vst v63  }
0x26d: {  	s0 =	simm.s32 $0x4000  }
0x26e: {  	[tilespmem:s0], [sflag:$0x1] =	stream.indirect_vreg.gather [hbm4b:s31+s3], $0x80, v2, vm0, $0xb8;
	[tilespmem:$0x1B800] =	vst v63  }
0x26f: {  	s4 =	simm.s32 $0x4800  }
0x270: {  	[tilespmem:s4], [sflag:$0x1] =	stream.indirect_vreg.gather [hbm4b:s15+s3], $0x80, v2, vm0, $0xb8;
	[tilespmem:$0x1B800] =	vst v63  }
0x271: {  	s25 =	simm.s32 $0x5000  }
0x272: {  	[tilespmem:s25], [sflag:$0x1] =	stream.indirect_vreg.gather [hbm4b:s14+s3], $0x80, v2, vm0, $0xb8;
	[tilespmem:$0x1B800] =	vst v63  }
0x273: {  	s13 =	smov.u32 s15;
	s0 =	simm.s32 $0x5800;
	s15 =	rddreg [dreg:$0x1e]  }
0x274: {  	[tilespmem:s0], [sflag:$0x1] =	stream.indirect_vreg.gather [hbm4b:s15+s3], $0x80, v2, vm0, $0xb8;
	[tilespmem:$0x1B800] =	vst v63  }
0x275: {  	s4 =	simm.s32 $0x6000  }
0x276: {  	[tilespmem:s4], [sflag:$0x1] =	stream.indirect_vreg.gather [hbm4b:s16+s3], $0x80, v2, vm0, $0xb8;
	[tilespmem:$0x1B800] =	vst v63  }
0x277: {  	s25 =	simm.s32 $0x6800  }
0x278: {  	[tilespmem:s25], [sflag:$0x1] =	stream.indirect_vreg.gather [hbm4b:s17+s3], $0x80, v2, vm0, $0xb8;
	[tilespmem:$0x1B800] =	vst v63  }
0x279: {  	s0 =	simm.s32 $0x7000  }
0x27a: {  	[tilespmem:s0], [sflag:$0x1] =	stream.indirect_vreg.gather [hbm4b:s18+s3], $0x80, v2, vm0, $0xb8;
	[tilespmem:$0x1B800] =	vst v63  }
0x27b: {  	s4 =	simm.s32 $0x7800  }
0x27c: {  	[tilespmem:s4], [sflag:$0x1] =	stream.indirect_vreg.gather [hbm4b:s19+s3], $0x80, v2, vm0, $0xb8;
	[tilespmem:$0x1B800] =	vst v63  }
0x27d: {  	s25 =	simm.s32 $0x8000  }
0x27e: {  	[tilespmem:s25], [sflag:$0x1] =	stream.indirect_vreg.gather [hbm4b:s23+s3], $0x80, v2, vm0, $0xb8;
	[tilespmem:$0x1B800] =	vst v63  }
0x27f: {  	s0 =	simm.s32 $0x8800  }
0x280: {  	[tilespmem:s0], [sflag:$0x1] =	stream.indirect_vreg.gather [hbm4b:s1+s3], $0x80, v2, vm0, $0xb8;
	[tilespmem:$0x1B800] =	vst v63  }
0x281: {  	s4 =	simm.s32 $0x9000  }
0x282: {  	[tilespmem:s4], [sflag:$0x1] =	stream.indirect_vreg.gather [hbm4b:s22+s3], $0x80, v2, vm0, $0xb8;
	[tilespmem:$0x1B800] =	vst v63  }
0x283: {  	s25 =	simm.s32 $0x9800  }
0x284: {  	[tilespmem:s25], [sflag:$0x1] =	stream.indirect_vreg.gather [hbm4b:s6+s3], $0x80, v2, vm0, $0xb8;
	[tilespmem:$0x1B800] =	vst v63  }
0x285: {  	s6 =	sld [smem:$0x7F6];
	_ =	sdelay $0x1  }
0x286: {  	s0 =	simm.s32 $0xA000  }
0x287: {  	[tilespmem:s0], [sflag:$0x1] =	stream.indirect_vreg.gather [hbm4b:s6+s3], $0x80, v2, vm0, $0xb8;
	[tilespmem:$0x1B800] =	vst v63  }
0x288: {  	s4 =	simm.s32 $0xA800  }
0x289: {  	[tilespmem:s4], [sflag:$0x1] =	stream.indirect_vreg.gather [hbm4b:s26+s3], $0x80, v2, vm0, $0xb8;
	[tilespmem:$0x1B800] =	vst v63  }
0x28a: {  	s25 =	simm.s32 $0xB000  }
0x28b: {  	[tilespmem:s25], [sflag:$0x1] =	stream.indirect_vreg.gather [hbm4b:s9+s3], $0x80, v2, vm0, $0xb8;
	[tilespmem:$0x1B800] =	vst v63  }
0x28c: {  	s0 =	simm.s32 $0xB800  }
0x28d: {  	[tilespmem:s0], [sflag:$0x1] =	stream.indirect_vreg.gather [hbm4b:s10+s3], $0x80, v2, vm0, $0xb8;
	[tilespmem:$0x1B800] =	vst v63  }
0x28e: {  	s4 =	simm.s32 $0xC000  }
0x28f: {  	[tilespmem:s4], [sflag:$0x1] =	stream.indirect_vreg.gather [hbm4b:s11+s3], $0x80, v2, vm0, $0xb8;
	[tilespmem:$0x1B800] =	vst v63  }
0x290: {  	s25 =	simm.s32 $0xC800  }
0x291: {  	[tilespmem:s25], [sflag:$0x1] =	stream.indirect_vreg.gather [hbm4b:s12+s3], $0x80, v2, vm0, $0xb8;
	[tilespmem:$0x1B800] =	vst v63  }
0x292: {  	s0 =	simm.s32 $0xD000  }
0x293: {  	[tilespmem:s0], [sflag:$0x1] =	stream.indirect_vreg.gather [hbm4b:s8+s3], $0x80, v2, vm0, $0xb8;
	[tilespmem:$0x1B800] =	vst v63  }
0x294: {  	s4 =	simm.s32 $0xD800  }
0x295: {  	[tilespmem:s4], [sflag:$0x1] =	stream.indirect_vreg.gather [hbm4b:s5+s3], $0x80, v2, vm0, $0xb8;
	[tilespmem:$0x1B800] =	vst v63  }
0x296: {  	s2 =	smov.u32 s5;
	s5 =	simm.s32 $0x2  }
0x297: {  	_ =	swait.ge [sflag:s5], $0xD800  }
0x298: {  	s0 =	simm.s32 $0x400;
	s4 =	simm.s32 $0x200;
	[sflag:s5] =	ssyncset.done $0x0  }
0x299: {  	s25 =	rddreg [dreg:$0xa];
	[sflag:s5] =	ssyncadd.s32 $0xFFFF2800;
	s5 =	simm.s32 $0xE000  }
0x29a: {  	[hbm4b:s25+s4] =	stream.strided.scatter [tilespmem:s5], [sflag:$0x4], $0xD800, s0, s4, $0x38;
	[tilespmem:$0x1B800] =	vst v63  }
0x29b: {  	s0 =	simm.s32 $0x4  }
0x29c: {  	_ =	swait.ge [sflag:s0], $0xD800  }
0x29d: {  	[sflag:s0] =	ssyncset.done $0x0  }
0x29e: {  	[sflag:s0] =	ssyncadd.s32 $0xFFFF2800  }
0x29f: {  	v2 =	vld.msk [tilespmem:$0x480], $0xf;
	_ =	sdelay $0x4  }
0x2a0: {  	v3 =	vshrl.u32 v2, $0x3  }
0x2a1: {  	v3 =	vmul.u32 $0x360, v3  }
0x2a2: {  	v2 =	vand.u32 $0x7, v2  }
0x2a3: {  	v2 =	vor.u32 v2, v3  }
0x2a4: {  	v2 =	vperm.xlane v2, v0;
	_ =	sdelay $0x1  }
0x2a5: {  	v2 =	vadd.s32 v1, v2;
	_ =	sdelay $0x4  }
0x2a6: {  	[tilespmem:s5], [sflag:$0x2] =	stream.indirect_vreg.gather [hbm4b:s7+s3], $0x80, v2, vm0, $0xb8;
	[tilespmem:$0x1B800] =	vst v63  }
0x2a7: {  	s5 =	simm.s32 $0xE800  }
0x2a8: {  	[tilespmem:s5], [sflag:$0x2] =	stream.indirect_vreg.gather [hbm4b:s20+s3], $0x80, v2, vm0, $0xb8;
	[tilespmem:$0x1B800] =	vst v63  }
0x2a9: {  	s7 =	simm.s32 $0xF000  }
0x2aa: {  	[tilespmem:s7], [sflag:$0x2] =	stream.indirect_vreg.gather [hbm4b:s21+s3], $0x80, v2, vm0, $0xb8;
	[tilespmem:$0x1B800] =	vst v63  }
0x2ab: {  	s25 =	simm.s32 $0xF800  }
0x2ac: {  	[tilespmem:s25], [sflag:$0x2] =	stream.indirect_vreg.gather [hbm4b:s24+s3], $0x80, v2, vm0, $0xb8;
	[tilespmem:$0x1B800] =	vst v63  }
0x2ad: {  	s5 =	simm.s32 $0x10000  }
0x2ae: {  	[tilespmem:s5], [sflag:$0x2] =	stream.indirect_vreg.gather [hbm4b:s28+s3], $0x80, v2, vm0, $0xb8;
	[tilespmem:$0x1B800] =	vst v63  }
0x2af: {  	s7 =	simm.s32 $0x10800  }
0x2b0: {  	[tilespmem:s7], [sflag:$0x2] =	stream.indirect_vreg.gather [hbm4b:s29+s3], $0x80, v2, vm0, $0xb8;
	[tilespmem:$0x1B800] =	vst v63  }
0x2b1: {  	s25 =	simm.s32 $0x11000  }
0x2b2: {  	[tilespmem:s25], [sflag:$0x2] =	stream.indirect_vreg.gather [hbm4b:s30+s3], $0x80, v2, vm0, $0xb8;
	[tilespmem:$0x1B800] =	vst v63  }
0x2b3: {  	s5 =	simm.s32 $0x11800  }
0x2b4: {  	[tilespmem:s5], [sflag:$0x2] =	stream.indirect_vreg.gather [hbm4b:s31+s3], $0x80, v2, vm0, $0xb8;
	[tilespmem:$0x1B800] =	vst v63  }
0x2b5: {  	s7 =	simm.s32 $0x12000  }
0x2b6: {  	[tilespmem:s7], [sflag:$0x2] =	stream.indirect_vreg.gather [hbm4b:s13+s3], $0x80, v2, vm0, $0xb8;
	[tilespmem:$0x1B800] =	vst v63  }
0x2b7: {  	s25 =	simm.s32 $0x12800  }
0x2b8: {  	[tilespmem:s25], [sflag:$0x2] =	stream.indirect_vreg.gather [hbm4b:s14+s3], $0x80, v2, vm0, $0xb8;
	[tilespmem:$0x1B800] =	vst v63  }
0x2b9: {  	s5 =	simm.s32 $0x13000  }
0x2ba: {  	[tilespmem:s5], [sflag:$0x2] =	stream.indirect_vreg.gather [hbm4b:s15+s3], $0x80, v2, vm0, $0xb8;
	[tilespmem:$0x1B800] =	vst v63  }
0x2bb: {  	s7 =	simm.s32 $0x13800  }
0x2bc: {  	[tilespmem:s7], [sflag:$0x2] =	stream.indirect_vreg.gather [hbm4b:s16+s3], $0x80, v2, vm0, $0xb8;
	[tilespmem:$0x1B800] =	vst v63  }
0x2bd: {  	s25 =	simm.s32 $0x14000  }
0x2be: {  	[tilespmem:s25], [sflag:$0x2] =	stream.indirect_vreg.gather [hbm4b:s17+s3], $0x80, v2, vm0, $0xb8;
	[tilespmem:$0x1B800] =	vst v63  }
0x2bf: {  	s5 =	simm.s32 $0x14800  }
0x2c0: {  	[tilespmem:s5], [sflag:$0x2] =	stream.indirect_vreg.gather [hbm4b:s18+s3], $0x80, v2, vm0, $0xb8;
	[tilespmem:$0x1B800] =	vst v63  }
0x2c1: {  	s7 =	simm.s32 $0x15000  }
0x2c2: {  	[tilespmem:s7], [sflag:$0x2] =	stream.indirect_vreg.gather [hbm4b:s19+s3], $0x80, v2, vm0, $0xb8;
	[tilespmem:$0x1B800] =	vst v63  }
0x2c3: {  	s25 =	simm.s32 $0x15800  }
0x2c4: {  	[tilespmem:s25], [sflag:$0x2] =	stream.indirect_vreg.gather [hbm4b:s23+s3], $0x80, v2, vm0, $0xb8;
	[tilespmem:$0x1B800] =	vst v63  }
0x2c5: {  	s5 =	simm.s32 $0x16000  }
0x2c6: {  	[tilespmem:s5], [sflag:$0x2] =	stream.indirect_vreg.gather [hbm4b:s1+s3], $0x80, v2, vm0, $0xb8;
	[tilespmem:$0x1B800] =	vst v63  }
0x2c7: {  	s7 =	simm.s32 $0x16800;
	s1 =	sld [smem:$0x7F5]  }
0x2c8: {  	[tilespmem:s7], [sflag:$0x2] =	stream.indirect_vreg.gather [hbm4b:s22+s3], $0x80, v2, vm0, $0xb8;
	[tilespmem:$0x1B800] =	vst v63  }
0x2c9: {  	s25 =	simm.s32 $0x17000  }
0x2ca: {  	[tilespmem:s25], [sflag:$0x2] =	stream.indirect_vreg.gather [hbm4b:s1+s3], $0x80, v2, vm0, $0xb8;
	[tilespmem:$0x1B800] =	vst v63  }
0x2cb: {  	s5 =	simm.s32 $0x17800  }
0x2cc: {  	[tilespmem:s5], [sflag:$0x2] =	stream.indirect_vreg.gather [hbm4b:s6+s3], $0x80, v2, vm0, $0xb8;
	[tilespmem:$0x1B800] =	vst v63  }
0x2cd: {  	s7 =	smov.u32 s6;
	s6 =	simm.s32 $0x18000  }
0x2ce: {  	[tilespmem:s6], [sflag:$0x2] =	stream.indirect_vreg.gather [hbm4b:s26+s3], $0x80, v2, vm0, $0xb8;
	[tilespmem:$0x1B800] =	vst v63  }
0x2cf: {  	s25 =	simm.s32 $0x18800  }
0x2d0: {  	[tilespmem:s25], [sflag:$0x2] =	stream.indirect_vreg.gather [hbm4b:s9+s3], $0x80, v2, vm0, $0xb8;
	[tilespmem:$0x1B800] =	vst v63  }
0x2d1: {  	s5 =	simm.s32 $0x19000  }
0x2d2: {  	[tilespmem:s5], [sflag:$0x2] =	stream.indirect_vreg.gather [hbm4b:s10+s3], $0x80, v2, vm0, $0xb8;
	[tilespmem:$0x1B800] =	vst v63  }
0x2d3: {  	s6 =	simm.s32 $0x19800  }
0x2d4: {  	[tilespmem:s6], [sflag:$0x2] =	stream.indirect_vreg.gather [hbm4b:s11+s3], $0x80, v2, vm0, $0xb8;
	[tilespmem:$0x1B800] =	vst v63  }
0x2d5: {  	s25 =	simm.s32 $0x1A000  }
0x2d6: {  	[tilespmem:s25], [sflag:$0x2] =	stream.indirect_vreg.gather [hbm4b:s12+s3], $0x80, v2, vm0, $0xb8;
	[tilespmem:$0x1B800] =	vst v63  }
0x2d7: {  	s5 =	simm.s32 $0x1A800  }
0x2d8: {  	[tilespmem:s5], [sflag:$0x2] =	stream.indirect_vreg.gather [hbm4b:s8+s3], $0x80, v2, vm0, $0xb8;
	[tilespmem:$0x1B800] =	vst v63  }
0x2d9: {  	s6 =	simm.s32 $0x1B000;
	s25 =	simm.s32 $0x1  }
0x2da: {  	[tilespmem:s6], [sflag:$0x2] =	stream.indirect_vreg.gather [hbm4b:s2+s3], $0x80, v2, vm0, $0xb8;
	[tilespmem:$0x1B800] =	vst v63  }
0x2db: {  	_ =	swait.ge [sflag:s25], $0xD800  }
0x2dc: {  	s5 =	simm.s32 $0x800;
	[sflag:s25] =	ssyncset.done $0x0  }
0x2dd: {  	s6 =	simm.s32 $0x400;
	s0 =	rddreg [dreg:$0xb];
	[sflag:s25] =	ssyncadd.s32 $0xFFFF2800  }
0x2de: {  	[hbm4b:s0+s4] =	stream.strided.scatter [tilespmem:s5], [sflag:$0x3], $0xD800, s6, s4, $0x38;
	[tilespmem:$0x1B800] =	vst v63  }
0x2df: {  	s4 =	simm.s32 $0x3  }
0x2e0: {  	_ =	swait.ge [sflag:s4], $0xD800  }
0x2e1: {  	[sflag:s4] =	ssyncset.done $0x0  }
0x2e2: {  	[sflag:s4] =	ssyncadd.s32 $0xFFFF2800  }
0x2e3: {  	v2 =	vld.msk [tilespmem:$0x500], $0xf;
	_ =	sdelay $0x4  }
0x2e4: {  	v3 =	vshrl.u32 v2, $0x3  }
0x2e5: {  	v3 =	vmul.u32 $0x360, v3  }
0x2e6: {  	v2 =	vand.u32 $0x7, v2  }
0x2e7: {  	v2 =	vor.u32 v2, v3  }
0x2e8: {  	v2 =	vperm.xlane v2, v0;
	_ =	sdelay $0x1  }
0x2e9: {  	v2 =	vadd.s32 v1, v2;
	_ =	sdelay $0x3  }
0x2ea: {  	s0 =	rddreg [dreg:$0x0]  }
0x2eb: {  	[tilespmem:s5], [sflag:$0x1] =	stream.indirect_vreg.gather [hbm4b:s0+s3], $0x80, v2, vm0, $0xb8;
	[tilespmem:$0x1B800] =	vst v63  }
0x2ec: {  	s6 =	simm.s32 $0x1000  }
0x2ed: {  	[tilespmem:s6], [sflag:$0x1] =	stream.indirect_vreg.gather [hbm4b:s20+s3], $0x80, v2, vm0, $0xb8;
	[tilespmem:$0x1B800] =	vst v63  }
0x2ee: {  	s25 =	simm.s32 $0x1800  }
0x2ef: {  	[tilespmem:s25], [sflag:$0x1] =	stream.indirect_vreg.gather [hbm4b:s21+s3], $0x80, v2, vm0, $0xb8;
	[tilespmem:$0x1B800] =	vst v63  }
0x2f0: {  	s4 =	simm.s32 $0x2000  }
0x2f1: {  	[tilespmem:s4], [sflag:$0x1] =	stream.indirect_vreg.gather [hbm4b:s24+s3], $0x80, v2, vm0, $0xb8;
	[tilespmem:$0x1B800] =	vst v63  }
0x2f2: {  	s5 =	simm.s32 $0x2800  }
0x2f3: {  	[tilespmem:s5], [sflag:$0x1] =	stream.indirect_vreg.gather [hbm4b:s28+s3], $0x80, v2, vm0, $0xb8;
	[tilespmem:$0x1B800] =	vst v63  }
0x2f4: {  	s6 =	simm.s32 $0x3000  }
0x2f5: {  	[tilespmem:s6], [sflag:$0x1] =	stream.indirect_vreg.gather [hbm4b:s29+s3], $0x80, v2, vm0, $0xb8;
	[tilespmem:$0x1B800] =	vst v63  }
0x2f6: {  	s25 =	simm.s32 $0x3800  }
0x2f7: {  	[tilespmem:s25], [sflag:$0x1] =	stream.indirect_vreg.gather [hbm4b:s30+s3], $0x80, v2, vm0, $0xb8;
	[tilespmem:$0x1B800] =	vst v63  }
0x2f8: {  	s4 =	simm.s32 $0x4000  }
0x2f9: {  	[tilespmem:s4], [sflag:$0x1] =	stream.indirect_vreg.gather [hbm4b:s31+s3], $0x80, v2, vm0, $0xb8;
	[tilespmem:$0x1B800] =	vst v63  }
0x2fa: {  	s5 =	simm.s32 $0x4800  }
0x2fb: {  	[tilespmem:s5], [sflag:$0x1] =	stream.indirect_vreg.gather [hbm4b:s13+s3], $0x80, v2, vm0, $0xb8;
	[tilespmem:$0x1B800] =	vst v63  }
0x2fc: {  	s6 =	simm.s32 $0x5000  }
0x2fd: {  	[tilespmem:s6], [sflag:$0x1] =	stream.indirect_vreg.gather [hbm4b:s14+s3], $0x80, v2, vm0, $0xb8;
	[tilespmem:$0x1B800] =	vst v63  }
0x2fe: {  	s25 =	simm.s32 $0x5800  }
0x2ff: {  	[tilespmem:s25], [sflag:$0x1] =	stream.indirect_vreg.gather [hbm4b:s15+s3], $0x80, v2, vm0, $0xb8;
	[tilespmem:$0x1B800] =	vst v63  }
0x300: {  	s4 =	simm.s32 $0x6000  }
0x301: {  	[tilespmem:s4], [sflag:$0x1] =	stream.indirect_vreg.gather [hbm4b:s16+s3], $0x80, v2, vm0, $0xb8;
	[tilespmem:$0x1B800] =	vst v63  }
0x302: {  	s5 =	simm.s32 $0x6800  }
0x303: {  	[tilespmem:s5], [sflag:$0x1] =	stream.indirect_vreg.gather [hbm4b:s17+s3], $0x80, v2, vm0, $0xb8;
	[tilespmem:$0x1B800] =	vst v63  }
0x304: {  	s6 =	simm.s32 $0x7000  }
0x305: {  	[tilespmem:s6], [sflag:$0x1] =	stream.indirect_vreg.gather [hbm4b:s18+s3], $0x80, v2, vm0, $0xb8;
	[tilespmem:$0x1B800] =	vst v63  }
0x306: {  	s25 =	simm.s32 $0x7800  }
0x307: {  	[tilespmem:s25], [sflag:$0x1] =	stream.indirect_vreg.gather [hbm4b:s19+s3], $0x80, v2, vm0, $0xb8;
	[tilespmem:$0x1B800] =	vst v63  }
0x308: {  	s4 =	simm.s32 $0x8000;
	s6 =	sld [smem:$0x7F3]  }
0x309: {  	[tilespmem:s4], [sflag:$0x1] =	stream.indirect_vreg.gather [hbm4b:s23+s3], $0x80, v2, vm0, $0xb8;
	[tilespmem:$0x1B800] =	vst v63  }
0x30a: {  	s5 =	simm.s32 $0x8800  }
0x30b: {  	[tilespmem:s5], [sflag:$0x1] =	stream.indirect_vreg.gather [hbm4b:s6+s3], $0x80, v2, vm0, $0xb8;
	[tilespmem:$0x1B800] =	vst v63  }
0x30c: {  	s25 =	simm.s32 $0x9000  }
0x30d: {  	[tilespmem:s25], [sflag:$0x1] =	stream.indirect_vreg.gather [hbm4b:s22+s3], $0x80, v2, vm0, $0xb8;
	[tilespmem:$0x1B800] =	vst v63  }
0x30e: {  	s4 =	simm.s32 $0x9800  }
0x30f: {  	[tilespmem:s4], [sflag:$0x1] =	stream.indirect_vreg.gather [hbm4b:s1+s3], $0x80, v2, vm0, $0xb8;
	[tilespmem:$0x1B800] =	vst v63  }
0x310: {  	s5 =	simm.s32 $0xA000  }
0x311: {  	[tilespmem:s5], [sflag:$0x1] =	stream.indirect_vreg.gather [hbm4b:s7+s3], $0x80, v2, vm0, $0xb8;
	[tilespmem:$0x1B800] =	vst v63  }
0x312: {  	s7 =	simm.s32 $0xA800  }
0x313: {  	[tilespmem:s7], [sflag:$0x1] =	stream.indirect_vreg.gather [hbm4b:s26+s3], $0x80, v2, vm0, $0xb8;
	[tilespmem:$0x1B800] =	vst v63  }
0x314: {  	s25 =	simm.s32 $0xB000  }
0x315: {  	[tilespmem:s25], [sflag:$0x1] =	stream.indirect_vreg.gather [hbm4b:s9+s3], $0x80, v2, vm0, $0xb8;
	[tilespmem:$0x1B800] =	vst v63  }
0x316: {  	s1 =	simm.s32 $0xB800  }
0x317: {  	[tilespmem:s1], [sflag:$0x1] =	stream.indirect_vreg.gather [hbm4b:s10+s3], $0x80, v2, vm0, $0xb8;
	[tilespmem:$0x1B800] =	vst v63  }
0x318: {  	s4 =	simm.s32 $0xC000  }
0x319: {  	[tilespmem:s4], [sflag:$0x1] =	stream.indirect_vreg.gather [hbm4b:s11+s3], $0x80, v2, vm0, $0xb8;
	[tilespmem:$0x1B800] =	vst v63  }
0x31a: {  	s5 =	simm.s32 $0xC800  }
0x31b: {  	[tilespmem:s5], [sflag:$0x1] =	stream.indirect_vreg.gather [hbm4b:s12+s3], $0x80, v2, vm0, $0xb8;
	[tilespmem:$0x1B800] =	vst v63  }
0x31c: {  	s7 =	simm.s32 $0xD000  }
0x31d: {  	[tilespmem:s7], [sflag:$0x1] =	stream.indirect_vreg.gather [hbm4b:s8+s3], $0x80, v2, vm0, $0xb8;
	[tilespmem:$0x1B800] =	vst v63  }
0x31e: {  	s0 =	smov.u32 s2;
	s25 =	simm.s32 $0xD800;
	s1 =	simm.s32 $0x2  }
0x31f: {  	[tilespmem:s25], [sflag:$0x1] =	stream.indirect_vreg.gather [hbm4b:s2+s3], $0x80, v2, vm0, $0xb8;
	[tilespmem:$0x1B800] =	vst v63  }
0x320: {  	s4 =	smov.u32 s8;
	s7 =	simm.s32 $0x200;
	_ =	swait.ge [sflag:s1], $0xD800  }
0x321: {  	s8 =	simm.s32 $0x400;
	s2 =	simm.s32 $0x4;
	[sflag:s1] =	ssyncset.done $0x0  }
0x322: {  	s5 =	rddreg [dreg:$0xc];
	[sflag:s1] =	ssyncadd.s32 $0xFFFF2800;
	s1 =	simm.s32 $0xE000  }
0x323: {  	[hbm4b:s5+s7] =	stream.strided.scatter [tilespmem:s1], [sflag:$0x4], $0xD800, s8, s7, $0x38;
	[tilespmem:$0x1B800] =	vst v63  }
0x324: {  	_ =	swait.ge [sflag:s2], $0xD800  }
0x325: {  	[sflag:s2] =	ssyncset.done $0x0  }
0x326: {  	[sflag:s2] =	ssyncadd.s32 $0xFFFF2800  }
0x327: {  	v2 =	vld.msk [tilespmem:$0x580], $0xf;
	_ =	sdelay $0x4  }
0x328: {  	v3 =	vshrl.u32 v2, $0x3  }
0x329: {  	v3 =	vmul.u32 $0x360, v3  }
0x32a: {  	v2 =	vand.u32 $0x7, v2  }
0x32b: {  	v2 =	vor.u32 v2, v3  }
0x32c: {  	v2 =	vperm.xlane v2, v0;
	_ =	sdelay $0x1  }
0x32d: {  	v2 =	vadd.s32 v1, v2;
	_ =	sdelay $0x3  }
0x32e: {  	s5 =	rddreg [dreg:$0x0]  }
0x32f: {  	[tilespmem:s1], [sflag:$0x2] =	stream.indirect_vreg.gather [hbm4b:s5+s3], $0x80, v2, vm0, $0xb8;
	[tilespmem:$0x1B800] =	vst v63  }
0x330: {  	s7 =	simm.s32 $0xE800  }
0x331: {  	[tilespmem:s7], [sflag:$0x2] =	stream.indirect_vreg.gather [hbm4b:s20+s3], $0x80, v2, vm0, $0xb8;
	[tilespmem:$0x1B800] =	vst v63  }
0x332: {  	s8 =	simm.s32 $0xF000  }
0x333: {  	[tilespmem:s8], [sflag:$0x2] =	stream.indirect_vreg.gather [hbm4b:s21+s3], $0x80, v2, vm0, $0xb8;
	[tilespmem:$0x1B800] =	vst v63  }
0x334: {  	s25 =	simm.s32 $0xF800  }
0x335: {  	[tilespmem:s25], [sflag:$0x2] =	stream.indirect_vreg.gather [hbm4b:s24+s3], $0x80, v2, vm0, $0xb8;
	[tilespmem:$0x1B800] =	vst v63  }
0x336: {  	s2 =	simm.s32 $0x10000  }
0x337: {  	[tilespmem:s2], [sflag:$0x2] =	stream.indirect_vreg.gather [hbm4b:s28+s3], $0x80, v2, vm0, $0xb8;
	[tilespmem:$0x1B800] =	vst v63  }
0x338: {  	s7 =	simm.s32 $0x10800  }
0x339: {  	[tilespmem:s7], [sflag:$0x2] =	stream.indirect_vreg.gather [hbm4b:s29+s3], $0x80, v2, vm0, $0xb8;
	[tilespmem:$0x1B800] =	vst v63  }
0x33a: {  	s8 =	simm.s32 $0x11000  }
0x33b: {  	[tilespmem:s8], [sflag:$0x2] =	stream.indirect_vreg.gather [hbm4b:s30+s3], $0x80, v2, vm0, $0xb8;
	[tilespmem:$0x1B800] =	vst v63  }
0x33c: {  	s25 =	simm.s32 $0x11800  }
0x33d: {  	[tilespmem:s25], [sflag:$0x2] =	stream.indirect_vreg.gather [hbm4b:s31+s3], $0x80, v2, vm0, $0xb8;
	[tilespmem:$0x1B800] =	vst v63  }
0x33e: {  	s2 =	simm.s32 $0x12000  }
0x33f: {  	[tilespmem:s2], [sflag:$0x2] =	stream.indirect_vreg.gather [hbm4b:s13+s3], $0x80, v2, vm0, $0xb8;
	[tilespmem:$0x1B800] =	vst v63  }
0x340: {  	s7 =	simm.s32 $0x12800  }
0x341: {  	[tilespmem:s7], [sflag:$0x2] =	stream.indirect_vreg.gather [hbm4b:s14+s3], $0x80, v2, vm0, $0xb8;
	[tilespmem:$0x1B800] =	vst v63  }
0x342: {  	s8 =	simm.s32 $0x13000  }
0x343: {  	[tilespmem:s8], [sflag:$0x2] =	stream.indirect_vreg.gather [hbm4b:s15+s3], $0x80, v2, vm0, $0xb8;
	[tilespmem:$0x1B800] =	vst v63  }
0x344: {  	s25 =	simm.s32 $0x13800  }
0x345: {  	[tilespmem:s25], [sflag:$0x2] =	stream.indirect_vreg.gather [hbm4b:s16+s3], $0x80, v2, vm0, $0xb8;
	[tilespmem:$0x1B800] =	vst v63  }
0x346: {  	s2 =	simm.s32 $0x14000  }
0x347: {  	[tilespmem:s2], [sflag:$0x2] =	stream.indirect_vreg.gather [hbm4b:s17+s3], $0x80, v2, vm0, $0xb8;
	[tilespmem:$0x1B800] =	vst v63  }
0x348: {  	s7 =	simm.s32 $0x14800  }
0x349: {  	[tilespmem:s7], [sflag:$0x2] =	stream.indirect_vreg.gather [hbm4b:s18+s3], $0x80, v2, vm0, $0xb8;
	[tilespmem:$0x1B800] =	vst v63  }
0x34a: {  	s8 =	simm.s32 $0x15000  }
0x34b: {  	[tilespmem:s8], [sflag:$0x2] =	stream.indirect_vreg.gather [hbm4b:s19+s3], $0x80, v2, vm0, $0xb8;
	[tilespmem:$0x1B800] =	vst v63  }
0x34c: {  	s25 =	simm.s32 $0x15800  }
0x34d: {  	[tilespmem:s25], [sflag:$0x2] =	stream.indirect_vreg.gather [hbm4b:s23+s3], $0x80, v2, vm0, $0xb8;
	[tilespmem:$0x1B800] =	vst v63  }
0x34e: {  	s2 =	simm.s32 $0x16000  }
0x34f: {  	[tilespmem:s2], [sflag:$0x2] =	stream.indirect_vreg.gather [hbm4b:s6+s3], $0x80, v2, vm0, $0xb8;
	[tilespmem:$0x1B800] =	vst v63  }
0x350: {  	s7 =	smov.u32 s6;
	s25 =	sld [smem:$0x7F5];
	s6 =	simm.s32 $0x16800  }
0x351: {  	[tilespmem:s6], [sflag:$0x2] =	stream.indirect_vreg.gather [hbm4b:s22+s3], $0x80, v2, vm0, $0xb8;
	[tilespmem:$0x1B800] =	vst v63  }
0x352: {  	s8 =	simm.s32 $0x17000  }
0x353: {  	[tilespmem:s8], [sflag:$0x2] =	stream.indirect_vreg.gather [hbm4b:s25+s3], $0x80, v2, vm0, $0xb8;
	[tilespmem:$0x1B800] =	vst v63  }
0x354: {  	s8 =	sld [smem:$0x7F6];
	_ =	sdelay $0x1  }
0x355: {  	s6 =	simm.s32 $0x17800  }
0x356: {  	[tilespmem:s6], [sflag:$0x2] =	stream.indirect_vreg.gather [hbm4b:s8+s3], $0x80, v2, vm0, $0xb8;
	[tilespmem:$0x1B800] =	vst v63  }
0x357: {  	s25 =	simm.s32 $0x18000  }
0x358: {  	[tilespmem:s25], [sflag:$0x2] =	stream.indirect_vreg.gather [hbm4b:s26+s3], $0x80, v2, vm0, $0xb8;
	[tilespmem:$0x1B800] =	vst v63  }
0x359: {  	s2 =	simm.s32 $0x18800  }
0x35a: {  	[tilespmem:s2], [sflag:$0x2] =	stream.indirect_vreg.gather [hbm4b:s9+s3], $0x80, v2, vm0, $0xb8;
	[tilespmem:$0x1B800] =	vst v63  }
0x35b: {  	s6 =	simm.s32 $0x19000  }
0x35c: {  	[tilespmem:s6], [sflag:$0x2] =	stream.indirect_vreg.gather [hbm4b:s10+s3], $0x80, v2, vm0, $0xb8;
	[tilespmem:$0x1B800] =	vst v63  }
0x35d: {  	s25 =	simm.s32 $0x19800  }
0x35e: {  	[tilespmem:s25], [sflag:$0x2] =	stream.indirect_vreg.gather [hbm4b:s11+s3], $0x80, v2, vm0, $0xb8;
	[tilespmem:$0x1B800] =	vst v63  }
0x35f: {  	s2 =	simm.s32 $0x1A000  }
0x360: {  	[tilespmem:s2], [sflag:$0x2] =	stream.indirect_vreg.gather [hbm4b:s12+s3], $0x80, v2, vm0, $0xb8;
	[tilespmem:$0x1B800] =	vst v63  }
0x361: {  	s6 =	simm.s32 $0x1A800  }
0x362: {  	[tilespmem:s6], [sflag:$0x2] =	stream.indirect_vreg.gather [hbm4b:s4+s3], $0x80, v2, vm0, $0xb8;
	[tilespmem:$0x1B800] =	vst v63  }
0x363: {  	s25 =	simm.s32 $0x1B000  }
0x364: {  	[tilespmem:s25], [sflag:$0x2] =	stream.indirect_vreg.gather [hbm4b:s0+s3], $0x80, v2, vm0, $0xb8;
	[tilespmem:$0x1B800] =	vst v63  }
0x365: {  	s1 =	smov.u32 s0;
	s0 =	simm.s32 $0x1  }
0x366: {  	_ =	swait.ge [sflag:s0], $0xD800  }
0x367: {  	s2 =	simm.s32 $0x400;
	s6 =	simm.s32 $0x200;
	[sflag:s0] =	ssyncset.done $0x0  }
0x368: {  	s25 =	rddreg [dreg:$0xd];
	[sflag:s0] =	ssyncadd.s32 $0xFFFF2800;
	s0 =	simm.s32 $0x800  }
0x369: {  	[hbm4b:s25+s6] =	stream.strided.scatter [tilespmem:s0], [sflag:$0x3], $0xD800, s2, s6, $0x38;
	[tilespmem:$0x1B800] =	vst v63  }
0x36a: {  	s6 =	simm.s32 $0x3  }
0x36b: {  	_ =	swait.ge [sflag:s6], $0xD800  }
0x36c: {  	[sflag:s6] =	ssyncset.done $0x0  }
0x36d: {  	[sflag:s6] =	ssyncadd.s32 $0xFFFF2800  }
0x36e: {  	v2 =	vld.msk [tilespmem:$0x600], $0xf;
	_ =	sdelay $0x4  }
0x36f: {  	v3 =	vshrl.u32 v2, $0x3  }
0x370: {  	v3 =	vmul.u32 $0x360, v3  }
0x371: {  	v2 =	vand.u32 $0x7, v2  }
0x372: {  	v2 =	vor.u32 v2, v3  }
0x373: {  	v2 =	vperm.xlane v2, v0;
	_ =	sdelay $0x1  }
0x374: {  	v2 =	vadd.s32 v1, v2;
	_ =	sdelay $0x4  }
0x375: {  	[tilespmem:s0], [sflag:$0x1] =	stream.indirect_vreg.gather [hbm4b:s5+s3], $0x80, v2, vm0, $0xb8;
	[tilespmem:$0x1B800] =	vst v63  }
0x376: {  	s25 =	simm.s32 $0x1000  }
0x377: {  	[tilespmem:s25], [sflag:$0x1] =	stream.indirect_vreg.gather [hbm4b:s20+s3], $0x80, v2, vm0, $0xb8;
	[tilespmem:$0x1B800] =	vst v63  }
0x378: {  	s6 =	simm.s32 $0x1800  }
0x379: {  	[tilespmem:s6], [sflag:$0x1] =	stream.indirect_vreg.gather [hbm4b:s21+s3], $0x80, v2, vm0, $0xb8;
	[tilespmem:$0x1B800] =	vst v63  }
0x37a: {  	s25 =	simm.s32 $0x2000  }
0x37b: {  	[tilespmem:s25], [sflag:$0x1] =	stream.indirect_vreg.gather [hbm4b:s24+s3], $0x80, v2, vm0, $0xb8;
	[tilespmem:$0x1B800] =	vst v63  }
0x37c: {  	s6 =	simm.s32 $0x2800  }
0x37d: {  	[tilespmem:s6], [sflag:$0x1] =	stream.indirect_vreg.gather [hbm4b:s28+s3], $0x80, v2, vm0, $0xb8;
	[tilespmem:$0x1B800] =	vst v63  }
0x37e: {  	s25 =	simm.s32 $0x3000  }
0x37f: {  	[tilespmem:s25], [sflag:$0x1] =	stream.indirect_vreg.gather [hbm4b:s29+s3], $0x80, v2, vm0, $0xb8;
	[tilespmem:$0x1B800] =	vst v63  }
0x380: {  	s6 =	simm.s32 $0x3800  }
0x381: {  	[tilespmem:s6], [sflag:$0x1] =	stream.indirect_vreg.gather [hbm4b:s30+s3], $0x80, v2, vm0, $0xb8;
	[tilespmem:$0x1B800] =	vst v63  }
0x382: {  	s25 =	simm.s32 $0x4000  }
0x383: {  	[tilespmem:s25], [sflag:$0x1] =	stream.indirect_vreg.gather [hbm4b:s31+s3], $0x80, v2, vm0, $0xb8;
	[tilespmem:$0x1B800] =	vst v63  }
0x384: {  	s6 =	simm.s32 $0x4800  }
0x385: {  	[tilespmem:s6], [sflag:$0x1] =	stream.indirect_vreg.gather [hbm4b:s13+s3], $0x80, v2, vm0, $0xb8;
	[tilespmem:$0x1B800] =	vst v63  }
0x386: {  	s25 =	simm.s32 $0x5000  }
0x387: {  	[tilespmem:s25], [sflag:$0x1] =	stream.indirect_vreg.gather [hbm4b:s14+s3], $0x80, v2, vm0, $0xb8;
	[tilespmem:$0x1B800] =	vst v63  }
0x388: {  	s6 =	simm.s32 $0x5800  }
0x389: {  	[tilespmem:s6], [sflag:$0x1] =	stream.indirect_vreg.gather [hbm4b:s15+s3], $0x80, v2, vm0, $0xb8;
	[tilespmem:$0x1B800] =	vst v63  }
0x38a: {  	s25 =	simm.s32 $0x6000  }
0x38b: {  	[tilespmem:s25], [sflag:$0x1] =	stream.indirect_vreg.gather [hbm4b:s16+s3], $0x80, v2, vm0, $0xb8;
	[tilespmem:$0x1B800] =	vst v63  }
0x38c: {  	s6 =	simm.s32 $0x6800  }
0x38d: {  	[tilespmem:s6], [sflag:$0x1] =	stream.indirect_vreg.gather [hbm4b:s17+s3], $0x80, v2, vm0, $0xb8;
	[tilespmem:$0x1B800] =	vst v63  }
0x38e: {  	s25 =	simm.s32 $0x7000  }
0x38f: {  	[tilespmem:s25], [sflag:$0x1] =	stream.indirect_vreg.gather [hbm4b:s18+s3], $0x80, v2, vm0, $0xb8;
	[tilespmem:$0x1B800] =	vst v63  }
0x390: {  	s6 =	simm.s32 $0x7800  }
0x391: {  	[tilespmem:s6], [sflag:$0x1] =	stream.indirect_vreg.gather [hbm4b:s19+s3], $0x80, v2, vm0, $0xb8;
	[tilespmem:$0x1B800] =	vst v63  }
0x392: {  	s25 =	simm.s32 $0x8000  }
0x393: {  	[tilespmem:s25], [sflag:$0x1] =	stream.indirect_vreg.gather [hbm4b:s23+s3], $0x80, v2, vm0, $0xb8;
	[tilespmem:$0x1B800] =	vst v63  }
0x394: {  	s25 =	simm.s32 $0x8800  }
0x395: {  	[tilespmem:s25], [sflag:$0x1] =	stream.indirect_vreg.gather [hbm4b:s7+s3], $0x80, v2, vm0, $0xb8;
	[tilespmem:$0x1B800] =	vst v63  }
0x396: {  	s6 =	smov.u32 s23;
	s23 =	simm.s32 $0x9000  }
0x397: {  	[tilespmem:s23], [sflag:$0x1] =	stream.indirect_vreg.gather [hbm4b:s22+s3], $0x80, v2, vm0, $0xb8;
	[tilespmem:$0x1B800] =	vst v63  }
0x398: {  	s23 =	sld [smem:$0x7F5];
	_ =	sdelay $0x1  }
0x399: {  	s25 =	simm.s32 $0x9800  }
0x39a: {  	[tilespmem:s25], [sflag:$0x1] =	stream.indirect_vreg.gather [hbm4b:s23+s3], $0x80, v2, vm0, $0xb8;
	[tilespmem:$0x1B800] =	vst v63  }
0x39b: {  	s7 =	simm.s32 $0xA000  }
0x39c: {  	[tilespmem:s7], [sflag:$0x1] =	stream.indirect_vreg.gather [hbm4b:s8+s3], $0x80, v2, vm0, $0xb8;
	[tilespmem:$0x1B800] =	vst v63  }
0x39d: {  	s25 =	simm.s32 $0xA800  }
0x39e: {  	[tilespmem:s25], [sflag:$0x1] =	stream.indirect_vreg.gather [hbm4b:s26+s3], $0x80, v2, vm0, $0xb8;
	[tilespmem:$0x1B800] =	vst v63  }
0x39f: {  	s7 =	simm.s32 $0xB000  }
0x3a0: {  	[tilespmem:s7], [sflag:$0x1] =	stream.indirect_vreg.gather [hbm4b:s9+s3], $0x80, v2, vm0, $0xb8;
	[tilespmem:$0x1B800] =	vst v63  }
0x3a1: {  	s25 =	simm.s32 $0xB800  }
0x3a2: {  	[tilespmem:s25], [sflag:$0x1] =	stream.indirect_vreg.gather [hbm4b:s10+s3], $0x80, v2, vm0, $0xb8;
	[tilespmem:$0x1B800] =	vst v63  }
0x3a3: {  	s7 =	simm.s32 $0xC000  }
0x3a4: {  	[tilespmem:s7], [sflag:$0x1] =	stream.indirect_vreg.gather [hbm4b:s11+s3], $0x80, v2, vm0, $0xb8;
	[tilespmem:$0x1B800] =	vst v63  }
0x3a5: {  	s25 =	simm.s32 $0xC800  }
0x3a6: {  	[tilespmem:s25], [sflag:$0x1] =	stream.indirect_vreg.gather [hbm4b:s12+s3], $0x80, v2, vm0, $0xb8;
	[tilespmem:$0x1B800] =	vst v63  }
0x3a7: {  	s7 =	simm.s32 $0xD000  }
0x3a8: {  	[tilespmem:s7], [sflag:$0x1] =	stream.indirect_vreg.gather [hbm4b:s4+s3], $0x80, v2, vm0, $0xb8;
	[tilespmem:$0x1B800] =	vst v63  }
0x3a9: {  	s25 =	simm.s32 $0xD800;
	s7 =	simm.s32 $0x2  }
0x3aa: {  	[tilespmem:s25], [sflag:$0x1] =	stream.indirect_vreg.gather [hbm4b:s1+s3], $0x80, v2, vm0, $0xb8;
	[tilespmem:$0x1B800] =	vst v63  }
0x3ab: {  	_ =	swait.ge [sflag:s7], $0xD800  }
0x3ac: {  	s0 =	simm.s32 $0xE000;
	[sflag:s7] =	ssyncset.done $0x0  }
0x3ad: {  	s25 =	rddreg [dreg:$0xe];
	[sflag:s7] =	ssyncadd.s32 $0xFFFF2800;
	s7 =	simm.s32 $0x200  }
0x3ae: {  	[hbm4b:s25+s7] =	stream.strided.scatter [tilespmem:s0], [sflag:$0x4], $0xD800, s2, s7, $0x38;
	[tilespmem:$0x1B800] =	vst v63  }
0x3af: {  	s7 =	simm.s32 $0x4  }
0x3b0: {  	_ =	swait.ge [sflag:s7], $0xD800  }
0x3b1: {  	[sflag:s7] =	ssyncset.done $0x0  }
0x3b2: {  	[sflag:s7] =	ssyncadd.s32 $0xFFFF2800  }
0x3b3: {  	v2 =	vld.msk [tilespmem:$0x680], $0xf;
	_ =	sdelay $0x4  }
0x3b4: {  	v3 =	vshrl.u32 v2, $0x3  }
0x3b5: {  	v3 =	vmul.u32 $0x360, v3  }
0x3b6: {  	v2 =	vand.u32 $0x7, v2  }
0x3b7: {  	v2 =	vor.u32 v2, v3  }
0x3b8: {  	v2 =	vperm.xlane v2, v0;
	_ =	sdelay $0x1  }
0x3b9: {  	v2 =	vadd.s32 v1, v2;
	_ =	sdelay $0x4  }
0x3ba: {  	[tilespmem:s0], [sflag:$0x2] =	stream.indirect_vreg.gather [hbm4b:s5+s3], $0x80, v2, vm0, $0xb8;
	[tilespmem:$0x1B800] =	vst v63  }
0x3bb: {  	s25 =	simm.s32 $0xE800  }
0x3bc: {  	[tilespmem:s25], [sflag:$0x2] =	stream.indirect_vreg.gather [hbm4b:s20+s3], $0x80, v2, vm0, $0xb8;
	[tilespmem:$0x1B800] =	vst v63  }
0x3bd: {  	s2 =	simm.s32 $0xF000  }
0x3be: {  	[tilespmem:s2], [sflag:$0x2] =	stream.indirect_vreg.gather [hbm4b:s21+s3], $0x80, v2, vm0, $0xb8;
	[tilespmem:$0x1B800] =	vst v63  }
0x3bf: {  	s5 =	simm.s32 $0xF800  }
0x3c0: {  	[tilespmem:s5], [sflag:$0x2] =	stream.indirect_vreg.gather [hbm4b:s24+s3], $0x80, v2, vm0, $0xb8;
	[tilespmem:$0x1B800] =	vst v63  }
0x3c1: {  	s7 =	simm.s32 $0x10000  }
0x3c2: {  	[tilespmem:s7], [sflag:$0x2] =	stream.indirect_vreg.gather [hbm4b:s28+s3], $0x80, v2, vm0, $0xb8;
	[tilespmem:$0x1B800] =	vst v63  }
0x3c3: {  	s25 =	simm.s32 $0x10800  }
0x3c4: {  	[tilespmem:s25], [sflag:$0x2] =	stream.indirect_vreg.gather [hbm4b:s29+s3], $0x80, v2, vm0, $0xb8;
	[tilespmem:$0x1B800] =	vst v63  }
0x3c5: {  	s2 =	simm.s32 $0x11000  }
0x3c6: {  	[tilespmem:s2], [sflag:$0x2] =	stream.indirect_vreg.gather [hbm4b:s30+s3], $0x80, v2, vm0, $0xb8;
	[tilespmem:$0x1B800] =	vst v63  }
0x3c7: {  	s5 =	simm.s32 $0x11800  }
0x3c8: {  	[tilespmem:s5], [sflag:$0x2] =	stream.indirect_vreg.gather [hbm4b:s31+s3], $0x80, v2, vm0, $0xb8;
	[tilespmem:$0x1B800] =	vst v63  }
0x3c9: {  	s7 =	simm.s32 $0x12000  }
0x3ca: {  	[tilespmem:s7], [sflag:$0x2] =	stream.indirect_vreg.gather [hbm4b:s13+s3], $0x80, v2, vm0, $0xb8;
	[tilespmem:$0x1B800] =	vst v63  }
0x3cb: {  	s25 =	simm.s32 $0x12800  }
0x3cc: {  	[tilespmem:s25], [sflag:$0x2] =	stream.indirect_vreg.gather [hbm4b:s14+s3], $0x80, v2, vm0, $0xb8;
	[tilespmem:$0x1B800] =	vst v63  }
0x3cd: {  	s2 =	simm.s32 $0x13000  }
0x3ce: {  	[tilespmem:s2], [sflag:$0x2] =	stream.indirect_vreg.gather [hbm4b:s15+s3], $0x80, v2, vm0, $0xb8;
	[tilespmem:$0x1B800] =	vst v63  }
0x3cf: {  	s5 =	simm.s32 $0x13800  }
0x3d0: {  	[tilespmem:s5], [sflag:$0x2] =	stream.indirect_vreg.gather [hbm4b:s16+s3], $0x80, v2, vm0, $0xb8;
	[tilespmem:$0x1B800] =	vst v63  }
0x3d1: {  	s7 =	simm.s32 $0x14000  }
0x3d2: {  	[tilespmem:s7], [sflag:$0x2] =	stream.indirect_vreg.gather [hbm4b:s17+s3], $0x80, v2, vm0, $0xb8;
	[tilespmem:$0x1B800] =	vst v63  }
0x3d3: {  	s25 =	simm.s32 $0x14800  }
0x3d4: {  	[tilespmem:s25], [sflag:$0x2] =	stream.indirect_vreg.gather [hbm4b:s18+s3], $0x80, v2, vm0, $0xb8;
	[tilespmem:$0x1B800] =	vst v63  }
0x3d5: {  	s0 =	simm.s32 $0x15000  }
0x3d6: {  	[tilespmem:s0], [sflag:$0x2] =	stream.indirect_vreg.gather [hbm4b:s19+s3], $0x80, v2, vm0, $0xb8;
	[tilespmem:$0x1B800] =	vst v63  }
0x3d7: {  	s5 =	simm.s32 $0x15800  }
0x3d8: {  	[tilespmem:s5], [sflag:$0x2] =	stream.indirect_vreg.gather [hbm4b:s6+s3], $0x80, v2, vm0, $0xb8;
	[tilespmem:$0x1B800] =	vst v63  }
0x3d9: {  	s5 =	sld [smem:$0x7F3];
	_ =	sdelay $0x1  }
0x3da: {  	s7 =	simm.s32 $0x16000  }
0x3db: {  	[tilespmem:s7], [sflag:$0x2] =	stream.indirect_vreg.gather [hbm4b:s5+s3], $0x80, v2, vm0, $0xb8;
	[tilespmem:$0x1B800] =	vst v63  }
0x3dc: {  	s25 =	simm.s32 $0x16800  }
0x3dd: {  	[tilespmem:s25], [sflag:$0x2] =	stream.indirect_vreg.gather [hbm4b:s22+s3], $0x80, v2, vm0, $0xb8;
	[tilespmem:$0x1B800] =	vst v63  }
0x3de: {  	s2 =	simm.s32 $0x17000  }
0x3df: {  	[tilespmem:s2], [sflag:$0x2] =	stream.indirect_vreg.gather [hbm4b:s23+s3], $0x80, v2, vm0, $0xb8;
	[tilespmem:$0x1B800] =	vst v63  }
0x3e0: {  	s7 =	simm.s32 $0x17800  }
0x3e1: {  	[tilespmem:s7], [sflag:$0x2] =	stream.indirect_vreg.gather [hbm4b:s8+s3], $0x80, v2, vm0, $0xb8;
	[tilespmem:$0x1B800] =	vst v63  }
0x3e2: {  	s25 =	simm.s32 $0x18000  }
0x3e3: {  	[tilespmem:s25], [sflag:$0x2] =	stream.indirect_vreg.gather [hbm4b:s26+s3], $0x80, v2, vm0, $0xb8;
	[tilespmem:$0x1B800] =	vst v63  }
0x3e4: {  	s2 =	simm.s32 $0x18800  }
0x3e5: {  	[tilespmem:s2], [sflag:$0x2] =	stream.indirect_vreg.gather [hbm4b:s9+s3], $0x80, v2, vm0, $0xb8;
	[tilespmem:$0x1B800] =	vst v63  }
0x3e6: {  	s7 =	simm.s32 $0x19000  }
0x3e7: {  	[tilespmem:s7], [sflag:$0x2] =	stream.indirect_vreg.gather [hbm4b:s10+s3], $0x80, v2, vm0, $0xb8;
	[tilespmem:$0x1B800] =	vst v63  }
0x3e8: {  	s25 =	simm.s32 $0x19800  }
0x3e9: {  	[tilespmem:s25], [sflag:$0x2] =	stream.indirect_vreg.gather [hbm4b:s11+s3], $0x80, v2, vm0, $0xb8;
	[tilespmem:$0x1B800] =	vst v63  }
0x3ea: {  	s2 =	simm.s32 $0x1A000  }
0x3eb: {  	[tilespmem:s2], [sflag:$0x2] =	stream.indirect_vreg.gather [hbm4b:s12+s3], $0x80, v2, vm0, $0xb8;
	[tilespmem:$0x1B800] =	vst v63  }
0x3ec: {  	s7 =	simm.s32 $0x1A800  }
0x3ed: {  	[tilespmem:s7], [sflag:$0x2] =	stream.indirect_vreg.gather [hbm4b:s4+s3], $0x80, v2, vm0, $0xb8;
	[tilespmem:$0x1B800] =	vst v63  }
0x3ee: {  	s25 =	simm.s32 $0x1B000;
	s2 =	simm.s32 $0x1  }
0x3ef: {  	[tilespmem:s25], [sflag:$0x2] =	stream.indirect_vreg.gather [hbm4b:s1+s3], $0x80, v2, vm0, $0xb8;
	[tilespmem:$0x1B800] =	vst v63  }
0x3f0: {  	s0 =	simm.s32 $0x400;
	_ =	swait.ge [sflag:s2], $0xD800  }
0x3f1: {  	s7 =	smov.u32 s1;
	s1 =	simm.s32 $0x800;
	[sflag:s2] =	ssyncset.done $0x0  }
0x3f2: {  	s25 =	rddreg [dreg:$0xf];
	[sflag:s2] =	ssyncadd.s32 $0xFFFF2800;
	s2 =	simm.s32 $0x200  }
0x3f3: {  	[hbm4b:s25+s2] =	stream.strided.scatter [tilespmem:s1], [sflag:$0x3], $0xD800, s0, s2, $0x38;
	[tilespmem:$0x1B800] =	vst v63  }
0x3f4: {  	s0 =	simm.s32 $0x3  }
0x3f5: {  	_ =	swait.ge [sflag:s0], $0xD800  }
0x3f6: {  	[sflag:s0] =	ssyncset.done $0x0  }
0x3f7: {  	[sflag:s0] =	ssyncadd.s32 $0xFFFF2800  }
0x3f8: {  	v2 =	vld.msk [tilespmem:$0x700], $0xf;
	_ =	sdelay $0x4  }
0x3f9: {  	v3 =	vshrl.u32 v2, $0x3  }
0x3fa: {  	v3 =	vmul.u32 $0x360, v3  }
0x3fb: {  	v2 =	vand.u32 $0x7, v2  }
0x3fc: {  	v2 =	vor.u32 v2, v3  }
0x3fd: {  	v2 =	vperm.xlane v2, v0;
	_ =	sdelay $0x1  }
0x3fe: {  	v2 =	vadd.s32 v1, v2;
	_ =	sdelay $0x3  }
0x3ff: {  	s2 =	rddreg [dreg:$0x0]  }
0x400: {  	[tilespmem:s1], [sflag:$0x1] =	stream.indirect_vreg.gather [hbm4b:s2+s3], $0x80, v2, vm0, $0xb8;
	[tilespmem:$0x1B800] =	vst v63  }
0x401: {  	s25 =	simm.s32 $0x1000  }
0x402: {  	[tilespmem:s25], [sflag:$0x1] =	stream.indirect_vreg.gather [hbm4b:s20+s3], $0x80, v2, vm0, $0xb8;
	[tilespmem:$0x1B800] =	vst v63  }
0x403: {  	s1 =	simm.s32 $0x1800  }
0x404: {  	[tilespmem:s1], [sflag:$0x1] =	stream.indirect_vreg.gather [hbm4b:s21+s3], $0x80, v2, vm0, $0xb8;
	[tilespmem:$0x1B800] =	vst v63  }
0x405: {  	s2 =	simm.s32 $0x2000  }
0x406: {  	[tilespmem:s2], [sflag:$0x1] =	stream.indirect_vreg.gather [hbm4b:s24+s3], $0x80, v2, vm0, $0xb8;
	[tilespmem:$0x1B800] =	vst v63  }
0x407: {  	s25 =	simm.s32 $0x2800  }
0x408: {  	[tilespmem:s25], [sflag:$0x1] =	stream.indirect_vreg.gather [hbm4b:s28+s3], $0x80, v2, vm0, $0xb8;
	[tilespmem:$0x1B800] =	vst v63  }
0x409: {  	s1 =	simm.s32 $0x3000  }
0x40a: {  	[tilespmem:s1], [sflag:$0x1] =	stream.indirect_vreg.gather [hbm4b:s29+s3], $0x80, v2, vm0, $0xb8;
	[tilespmem:$0x1B800] =	vst v63  }
0x40b: {  	s2 =	simm.s32 $0x3800  }
0x40c: {  	[tilespmem:s2], [sflag:$0x1] =	stream.indirect_vreg.gather [hbm4b:s30+s3], $0x80, v2, vm0, $0xb8;
	[tilespmem:$0x1B800] =	vst v63  }
0x40d: {  	s25 =	simm.s32 $0x4000  }
0x40e: {  	[tilespmem:s25], [sflag:$0x1] =	stream.indirect_vreg.gather [hbm4b:s31+s3], $0x80, v2, vm0, $0xb8;
	[tilespmem:$0x1B800] =	vst v63  }
0x40f: {  	s1 =	simm.s32 $0x4800  }
0x410: {  	[tilespmem:s1], [sflag:$0x1] =	stream.indirect_vreg.gather [hbm4b:s13+s3], $0x80, v2, vm0, $0xb8;
	[tilespmem:$0x1B800] =	vst v63  }
0x411: {  	s2 =	simm.s32 $0x5000  }
0x412: {  	[tilespmem:s2], [sflag:$0x1] =	stream.indirect_vreg.gather [hbm4b:s14+s3], $0x80, v2, vm0, $0xb8;
	[tilespmem:$0x1B800] =	vst v63  }
0x413: {  	s25 =	simm.s32 $0x5800  }
0x414: {  	[tilespmem:s25], [sflag:$0x1] =	stream.indirect_vreg.gather [hbm4b:s15+s3], $0x80, v2, vm0, $0xb8;
	[tilespmem:$0x1B800] =	vst v63  }
0x415: {  	s1 =	simm.s32 $0x6000  }
0x416: {  	[tilespmem:s1], [sflag:$0x1] =	stream.indirect_vreg.gather [hbm4b:s16+s3], $0x80, v2, vm0, $0xb8;
	[tilespmem:$0x1B800] =	vst v63  }
0x417: {  	s2 =	simm.s32 $0x6800  }
0x418: {  	[tilespmem:s2], [sflag:$0x1] =	stream.indirect_vreg.gather [hbm4b:s17+s3], $0x80, v2, vm0, $0xb8;
	[tilespmem:$0x1B800] =	vst v63  }
0x419: {  	s25 =	simm.s32 $0x7000  }
0x41a: {  	[tilespmem:s25], [sflag:$0x1] =	stream.indirect_vreg.gather [hbm4b:s18+s3], $0x80, v2, vm0, $0xb8;
	[tilespmem:$0x1B800] =	vst v63  }
0x41b: {  	s1 =	simm.s32 $0x7800  }
0x41c: {  	[tilespmem:s1], [sflag:$0x1] =	stream.indirect_vreg.gather [hbm4b:s19+s3], $0x80, v2, vm0, $0xb8;
	[tilespmem:$0x1B800] =	vst v63  }
0x41d: {  	s2 =	simm.s32 $0x8000  }
0x41e: {  	[tilespmem:s2], [sflag:$0x1] =	stream.indirect_vreg.gather [hbm4b:s6+s3], $0x80, v2, vm0, $0xb8;
	[tilespmem:$0x1B800] =	vst v63  }
0x41f: {  	s25 =	simm.s32 $0x8800  }
0x420: {  	[tilespmem:s25], [sflag:$0x1] =	stream.indirect_vreg.gather [hbm4b:s5+s3], $0x80, v2, vm0, $0xb8;
	[tilespmem:$0x1B800] =	vst v63  }
0x421: {  	s2 =	simm.s32 $0x9000  }
0x422: {  	[tilespmem:s2], [sflag:$0x1] =	stream.indirect_vreg.gather [hbm4b:s22+s3], $0x80, v2, vm0, $0xb8;
	[tilespmem:$0x1B800] =	vst v63  }
0x423: {  	s1 =	smov.u32 s6;
	s6 =	smov.u32 s5;
	s5 =	simm.s32 $0x9800  }
0x424: {  	[tilespmem:s5], [sflag:$0x1] =	stream.indirect_vreg.gather [hbm4b:s23+s3], $0x80, v2, vm0, $0xb8;
	[tilespmem:$0x1B800] =	vst v63  }
0x425: {  	s25 =	simm.s32 $0xA000  }
0x426: {  	[tilespmem:s25], [sflag:$0x1] =	stream.indirect_vreg.gather [hbm4b:s8+s3], $0x80, v2, vm0, $0xb8;
	[tilespmem:$0x1B800] =	vst v63  }
0x427: {  	s2 =	simm.s32 $0xA800  }
0x428: {  	[tilespmem:s2], [sflag:$0x1] =	stream.indirect_vreg.gather [hbm4b:s26+s3], $0x80, v2, vm0, $0xb8;
	[tilespmem:$0x1B800] =	vst v63  }
0x429: {  	s5 =	simm.s32 $0xB000  }
0x42a: {  	[tilespmem:s5], [sflag:$0x1] =	stream.indirect_vreg.gather [hbm4b:s9+s3], $0x80, v2, vm0, $0xb8;
	[tilespmem:$0x1B800] =	vst v63  }
0x42b: {  	s25 =	simm.s32 $0xB800  }
0x42c: {  	[tilespmem:s25], [sflag:$0x1] =	stream.indirect_vreg.gather [hbm4b:s10+s3], $0x80, v2, vm0, $0xb8;
	[tilespmem:$0x1B800] =	vst v63  }
0x42d: {  	s2 =	simm.s32 $0xC000  }
0x42e: {  	[tilespmem:s2], [sflag:$0x1] =	stream.indirect_vreg.gather [hbm4b:s11+s3], $0x80, v2, vm0, $0xb8;
	[tilespmem:$0x1B800] =	vst v63  }
0x42f: {  	s5 =	simm.s32 $0xC800  }
0x430: {  	[tilespmem:s5], [sflag:$0x1] =	stream.indirect_vreg.gather [hbm4b:s12+s3], $0x80, v2, vm0, $0xb8;
	[tilespmem:$0x1B800] =	vst v63  }
0x431: {  	s25 =	simm.s32 $0xD000  }
0x432: {  	[tilespmem:s25], [sflag:$0x1] =	stream.indirect_vreg.gather [hbm4b:s4+s3], $0x80, v2, vm0, $0xb8;
	[tilespmem:$0x1B800] =	vst v63  }
0x433: {  	s2 =	simm.s32 $0xD800;
	s5 =	simm.s32 $0x2  }
0x434: {  	[tilespmem:s2], [sflag:$0x1] =	stream.indirect_vreg.gather [hbm4b:s7+s3], $0x80, v2, vm0, $0xb8;
	[tilespmem:$0x1B800] =	vst v63  }
0x435: {  	_ =	swait.ge [sflag:s5], $0xD800  }
0x436: {  	s2 =	simm.s32 $0xE000;
	s7 =	simm.s32 $0x400;
	[sflag:s5] =	ssyncset.done $0x0  }
0x437: {  	s25 =	rddreg [dreg:$0x10];
	[sflag:s5] =	ssyncadd.s32 $0xFFFF2800;
	s5 =	simm.s32 $0x200  }
0x438: {  	[hbm4b:s25+s5] =	stream.strided.scatter [tilespmem:s2], [sflag:$0x4], $0xD800, s7, s5, $0x38;
	[tilespmem:$0x1B800] =	vst v63  }
0x439: {  	s7 =	simm.s32 $0x4  }
0x43a: {  	_ =	swait.ge [sflag:s7], $0xD800  }
0x43b: {  	[sflag:s7] =	ssyncset.done $0x0  }
0x43c: {  	[sflag:s7] =	ssyncadd.s32 $0xFFFF2800  }
0x43d: {  	v2 =	vld.msk [tilespmem:$0x780], $0xf;
	_ =	sdelay $0x4  }
0x43e: {  	v3 =	vshrl.u32 v2, $0x3  }
0x43f: {  	v3 =	vmul.u32 $0x360, v3  }
0x440: {  	v2 =	vand.u32 $0x7, v2  }
0x441: {  	v2 =	vor.u32 v2, v3  }
0x442: {  	v2 =	vperm.xlane v2, v0;
	_ =	sdelay $0x1  }
0x443: {  	v2 =	vadd.s32 v1, v2;
	_ =	sdelay $0x3  }
0x444: {  	s25 =	rddreg [dreg:$0x0]  }
0x445: {  	[tilespmem:s2], [sflag:$0x2] =	stream.indirect_vreg.gather [hbm4b:s25+s3], $0x80, v2, vm0, $0xb8;
	[tilespmem:$0x1B800] =	vst v63  }
0x446: {  	s7 =	simm.s32 $0xE800  }
0x447: {  	[tilespmem:s7], [sflag:$0x2] =	stream.indirect_vreg.gather [hbm4b:s20+s3], $0x80, v2, vm0, $0xb8;
	[tilespmem:$0x1B800] =	vst v63  }
0x448: {  	s7 =	simm.s32 $0xF000  }
0x449: {  	[tilespmem:s7], [sflag:$0x2] =	stream.indirect_vreg.gather [hbm4b:s21+s3], $0x80, v2, vm0, $0xb8;
	[tilespmem:$0x1B800] =	vst v63  }
0x44a: {  	s21 =	simm.s32 $0xF800  }
0x44b: {  	[tilespmem:s21], [sflag:$0x2] =	stream.indirect_vreg.gather [hbm4b:s24+s3], $0x80, v2, vm0, $0xb8;
	[tilespmem:$0x1B800] =	vst v63  }
0x44c: {  	s25 =	simm.s32 $0x10000  }
0x44d: {  	[tilespmem:s25], [sflag:$0x2] =	stream.indirect_vreg.gather [hbm4b:s28+s3], $0x80, v2, vm0, $0xb8;
	[tilespmem:$0x1B800] =	vst v63  }
0x44e: {  	s28 =	simm.s32 $0x10800  }
0x44f: {  	[tilespmem:s28], [sflag:$0x2] =	stream.indirect_vreg.gather [hbm4b:s29+s3], $0x80, v2, vm0, $0xb8;
	[tilespmem:$0x1B800] =	vst v63  }
0x450: {  	s29 =	simm.s32 $0x11000  }
0x451: {  	[tilespmem:s29], [sflag:$0x2] =	stream.indirect_vreg.gather [hbm4b:s30+s3], $0x80, v2, vm0, $0xb8;
	[tilespmem:$0x1B800] =	vst v63  }
0x452: {  	s30 =	simm.s32 $0x11800  }
0x453: {  	[tilespmem:s30], [sflag:$0x2] =	stream.indirect_vreg.gather [hbm4b:s31+s3], $0x80, v2, vm0, $0xb8;
	[tilespmem:$0x1B800] =	vst v63  }
0x454: {  	s31 =	simm.s32 $0x12000  }
0x455: {  	[tilespmem:s31], [sflag:$0x2] =	stream.indirect_vreg.gather [hbm4b:s13+s3], $0x80, v2, vm0, $0xb8;
	[tilespmem:$0x1B800] =	vst v63  }
0x456: {  	s13 =	simm.s32 $0x12800  }
0x457: {  	[tilespmem:s13], [sflag:$0x2] =	stream.indirect_vreg.gather [hbm4b:s14+s3], $0x80, v2, vm0, $0xb8;
	[tilespmem:$0x1B800] =	vst v63  }
0x458: {  	s20 =	simm.s32 $0x13000  }
0x459: {  	[tilespmem:s20], [sflag:$0x2] =	stream.indirect_vreg.gather [hbm4b:s15+s3], $0x80, v2, vm0, $0xb8;
	[tilespmem:$0x1B800] =	vst v63  }
0x45a: {  	s21 =	simm.s32 $0x13800  }
0x45b: {  	[tilespmem:s21], [sflag:$0x2] =	stream.indirect_vreg.gather [hbm4b:s16+s3], $0x80, v2, vm0, $0xb8;
	[tilespmem:$0x1B800] =	vst v63  }
0x45c: {  	s24 =	simm.s32 $0x14000  }
0x45d: {  	[tilespmem:s24], [sflag:$0x2] =	stream.indirect_vreg.gather [hbm4b:s17+s3], $0x80, v2, vm0, $0xb8;
	[tilespmem:$0x1B800] =	vst v63  }
0x45e: {  	s25 =	simm.s32 $0x14800  }
0x45f: {  	[tilespmem:s25], [sflag:$0x2] =	stream.indirect_vreg.gather [hbm4b:s18+s3], $0x80, v2, vm0, $0xb8;
	[tilespmem:$0x1B800] =	vst v63  }
0x460: {  	s28 =	simm.s32 $0x15000  }
0x461: {  	[tilespmem:s28], [sflag:$0x2] =	stream.indirect_vreg.gather [hbm4b:s19+s3], $0x80, v2, vm0, $0xb8;
	[tilespmem:$0x1B800] =	vst v63  }
0x462: {  	s29 =	simm.s32 $0x15800  }
0x463: {  	[tilespmem:s29], [sflag:$0x2] =	stream.indirect_vreg.gather [hbm4b:s1+s3], $0x80, v2, vm0, $0xb8;
	[tilespmem:$0x1B800] =	vst v63  }
0x464: {  	s30 =	simm.s32 $0x16000  }
0x465: {  	[tilespmem:s30], [sflag:$0x2] =	stream.indirect_vreg.gather [hbm4b:s6+s3], $0x80, v2, vm0, $0xb8;
	[tilespmem:$0x1B800] =	vst v63  }
0x466: {  	s31 =	simm.s32 $0x16800  }
0x467: {  	[tilespmem:s31], [sflag:$0x2] =	stream.indirect_vreg.gather [hbm4b:s22+s3], $0x80, v2, vm0, $0xb8;
	[tilespmem:$0x1B800] =	vst v63  }
0x468: {  	s6 =	simm.s32 $0x17000  }
0x469: {  	[tilespmem:s6], [sflag:$0x2] =	stream.indirect_vreg.gather [hbm4b:s23+s3], $0x80, v2, vm0, $0xb8;
	[tilespmem:$0x1B800] =	vst v63  }
0x46a: {  	s7 =	simm.s32 $0x17800  }
0x46b: {  	[tilespmem:s7], [sflag:$0x2] =	stream.indirect_vreg.gather [hbm4b:s8+s3], $0x80, v2, vm0, $0xb8;
	[tilespmem:$0x1B800] =	vst v63  }
0x46c: {  	s13 =	simm.s32 $0x18000  }
0x46d: {  	[tilespmem:s13], [sflag:$0x2] =	stream.indirect_vreg.gather [hbm4b:s26+s3], $0x80, v2, vm0, $0xb8;
	[tilespmem:$0x1B800] =	vst v63  }
0x46e: {  	s14 =	simm.s32 $0x18800  }
0x46f: {  	[tilespmem:s14], [sflag:$0x2] =	stream.indirect_vreg.gather [hbm4b:s9+s3], $0x80, v2, vm0, $0xb8;
	[tilespmem:$0x1B800] =	vst v63  }
0x470: {  	s15 =	simm.s32 $0x19000  }
0x471: {  	[tilespmem:s15], [sflag:$0x2] =	stream.indirect_vreg.gather [hbm4b:s10+s3], $0x80, v2, vm0, $0xb8;
	[tilespmem:$0x1B800] =	vst v63  }
0x472: {  	s16 =	simm.s32 $0x19800  }
0x473: {  	[tilespmem:s16], [sflag:$0x2] =	stream.indirect_vreg.gather [hbm4b:s11+s3], $0x80, v2, vm0, $0xb8;
	[tilespmem:$0x1B800] =	vst v63  }
0x474: {  	s17 =	simm.s32 $0x1A000  }
0x475: {  	[tilespmem:s17], [sflag:$0x2] =	stream.indirect_vreg.gather [hbm4b:s12+s3], $0x80, v2, vm0, $0xb8;
	[tilespmem:$0x1B800] =	vst v63  }
0x476: {  	s20 =	sld [smem:$0x7FD];
	s18 =	simm.s32 $0x1A800  }
0x477: {  	[tilespmem:s18], [sflag:$0x2] =	stream.indirect_vreg.gather [hbm4b:s4+s3], $0x80, v2, vm0, $0xb8;
	[tilespmem:$0x1B800] =	vst v63  }
0x478: {  	s21 =	simm.s32 $0x1;
	s19 =	simm.s32 $0x1B000  }
0x479: {  	[tilespmem:s19], [sflag:$0x2] =	stream.indirect_vreg.gather [hbm4b:s20+s3], $0x80, v2, vm0, $0xb8;
	[tilespmem:$0x1B800] =	vst v63  }
0x47a: {  	_ =	swait.ge [sflag:s21], $0xD800  }
0x47b: {  	s0 =	simm.s32 $0x2;
	s24 =	simm.s32 $0x400;
	[sflag:s21] =	ssyncset.done $0x0  }
0x47c: {  	s23 =	simm.s32 $0x800;
	s22 =	rddreg [dreg:$0x11];
	[sflag:s21] =	ssyncadd.s32 $0xFFFF2800  }
0x47d: {  	[hbm4b:s22+s5] =	stream.strided.scatter [tilespmem:s23], [sflag:$0x3], $0xD800, s24, s5, $0x38;
	[tilespmem:$0x1B800] =	vst v63  }
0x47e: {  	_ =	swait.ge [sflag:s0], $0xD800  }
0x47f: {  	s2 =	simm.s32 $0xE000;
	[sflag:s0] =	ssyncset.done $0x0  }
0x480: {  	s28 =	simm.s32 $0x3;
	s26 =	rddreg [dreg:$0x12];
	[sflag:s0] =	ssyncadd.s32 $0xFFFF2800  }
0x481: {  	[hbm4b:s26+s5] =	stream.strided.scatter [tilespmem:s2], [sflag:$0x4], $0xD800, s24, s5, $0x38;
	[tilespmem:$0x1B800] =	vst v63  }
0x482: {  	_ =	swait.ge [sflag:s28], $0xD800  }
0x483: {  	[sflag:s28] =	ssyncset.done $0x0  }
0x484: {  	s29 =	simm.s32 $0x4;
	[sflag:s28] =	ssyncadd.s32 $0xFFFF2800  }
0x485: {  	_ =	swait.ge [sflag:s29], $0xD800  }
0x486: {  	s31 =	rddreg [dreg:$0x14]  }
0x487: {  	p0 =	sne.s32 s31, $0x1  }
.Ltmp0:
0x488: {  	_ = 	snop;
	(pc) =	sbr.rel @p0 .LBB2_1-.Ltmp0, $3  }
0x489: {  	_ =	sdelay $0x1  }
0x48a: {  	s30 =	simm.s32 $0x4;
	[sflag:s29] =	ssyncset.done $0x0;
	s25 =	sadd.s32 $0xFFFFFFFF, s31  }
0x48b: {  	[sflag:s30] =	ssyncadd.s32 $0xFFFF2800;
	[dreg:$0x14] =	wrdreg s25  }
0x48c: {  	_ =	sfence.sel $0x180000  }
0x48d: {  	[bflag:$0x0] =	sbarrier.arrive $0xFFFF  }
0x48e: {  	_ =	strace $0x9000004A  }
0x48f: {  	s0 =	stileid.u32;
	[bflag:$0x2] =	sbarrier.arrive $0xFFFF  }
0x490: {  	p0 =	sne.s32 s0, $0x0;
	s0 =	rddreg [dreg:$0x2]  }
0x491: {  	s0 =	sadd.s32 @!p0 $0x100000, s0  }
0x492: {  	[sflag:s0] =	ssyncadd.tile.s32 @!p0 $0x1;
	_ =	shalt  }
.Lfunc_end2:
_tile_overlayer_lowered:
.L_overlay_start_2:
0x493: {  	(tag) =	ssettag $0x2  }
0x494: {  	s0 =	rddreg [dreg:$0x0];
	s2 =	stileid.u32  }
0x495: {  	s1 =	rddreg [dreg:$0x1];
	p0 =	sne.s32 s2, $0x0  }
0x496: {  	s3 =	rddreg [dreg:$0x2];
	[bflag:$0x3] =	sbarrier.arrive $0xFFFF;
	s2 =	simm.s32 @!p0 $0x1C05  }
0x497: {  	[timem:s3], [sflag:s2] =	dma.local @!p0 [hbm:s0], s1  }
0x498: {  	s0 =	simm.s32 @!p0 $0x5  }
0x499: {  	_ =	swait.ge @!p0 [sflag:s0], s1  }
0x49a: {  	s1 =	ssub.s32 @!p0 $0x0, s1;
	[sflag:s0] =	ssyncset.done @!p0 $0x0  }
0x49b: {  	[sflag:s0] =	ssyncadd.s32 @!p0 s1  }
0x49c: {  	[bflag:$0x3] =	sbarrier.arrive $0xFFFF  }
0x49d: {  	_ =	shalt  }

// kernel: sparse-core-data-format-call.cloned.1.call-start
scs
called_computation_lowered:
.L_overlay_start_0:
0x0: {  	s2 =	sld [smem:$0x3FD9]  }
0x1: {  	s3 =	sld [smem:$0x3FFE];
	_ =	sdelay $0x1  }
0x2: {  	s1 =	srdreg.scid  }
0x3: {  	s0 =	sand.u32 $0x1, s1  }
0x4: {  	s16 =	sshll.u32 s0, $0xA;
	s2 =	sadd.s32 s3, s2  }
0x5: {  	s2 =	sadd.s32 s2, s16  }
0x6: {  	[smem:$0x3FC5] =	sst s2  }
0x7: {  	_ = 	snop  }
0x8: {  	s2 =	sld [smem:$0x3FD0];
	_ =	sdelay $0x2  }
0x9: {  	s4 =	simm.s32 $0xA;
	s5 =	simm.s32 $0x10;
	s17 =	sld [smem:$0x3FC8]  }
0xa: {  	[smem:s5], [sflag:s4] =	dma.local [hbm:s2], $0x1  }
0xb: {  	_ =	swait.eq [sflag:s4], $0x1  }
0xc: {  	[sflag:s4] =	ssyncset.done $0x0  }
0xd: {  	[sflag:s4] =	ssyncadd.s32 $0xFFFFFFFF  }
0xe: {  	s18 =	sld [smem:$0x10];
	(tm) =	ssettm $0x1  }
0xf: {  	s19 =	sld [smem:$0x3FFB];
	_ =	sdelay $0x3  }
0x10: {  	_ =	strace s19  }
0x11: {  	s4 =	sld [smem:$0x3FFC];
	_ =	sdelay $0x3  }
0x12: {  	_ =	strace s4  }
0x13: {  	s4 =	sld [smem:$0x3FFD];
	_ =	sdelay $0x3  }
0x14: {  	_ =	strace s4  }
0x15: {  	_ =	strace $0x8FFFFFFF  }
0x16: {  	s20 =	sld [smem:$0x3FDB];
	_ =	sdelay $0x1  }
0x17: {  	s21 =	simm.s32 $_scs_section_size  }
0x18: {  	s6 =	simm.s32 $_size__tile_overlayer_lowered;
	s7 =	simm.s32 $_tile_overlayer_lowered  }
0x19: {  	s24 =	simm.s32 $0x1BFF;
	s23 =	sshll.u32 s7, $0x1;
	s4 =	sadd.s32 s21, s20  }
0x1a: {  	s8 =	simm.s32 $0x0;
	s22 =	sshll.u32 s6, $0x1;
	s6 =	sadd.s32 s23, s4  }
0x1b: {  	[timem:s8], [sflag:s24] =	dma.local [hbm:s6], s22  }
0x1c: {  	_ =	swait.ge [sflag:s24], s22  }
0x1d: {  	s5 =	ssub.s32 $0x0, s22;
	[sflag:s24] =	ssyncset.done $0x0  }
0x1e: {  	[sflag:s24] =	ssyncadd.s32 s5;
	_ =	sdelay $0x1  }
0x1f: {  	s25 =	simm.s32 $0x1B8B  }
0x20: {  	_ =	swait.ge [sflag:s25], $0x1  }
0x21: {  	[sflag:s25] =	ssyncset.done $0x0  }
0x22: {  	s26 =	simm.s32 $0x1B8E;
	[sflag:s25] =	ssyncadd.s32 $0xFFFFFFFF  }
0x23: {  	s27 =	simm.s32 $execute0_lowered;
	[smem:$0x3FD2] =	sst s26  }
0x24: {  	s5 =	sshll.u32 s27, $0x1;
	_ =	strace $0x80000046;
	[dreg:$0x1] =	wrdreg $0xFFFFFFFF  }
0x25: {  	s28 =	simm.s32 $_size_execute0_lowered;
	s4 =	sadd.s32 s4, s5;
	[dreg:$0x0] =	wrdreg $0x0  }
0x26: {  	s5 =	sshll.u32 s28, $0x1;
	[dreg:$0x2] =	wrdreg s4  }
0x27: {  	[dreg:$0x3] =	wrdreg s5  }
0x28: {  	[dreg:$0x4] =	wrdreg $0xC0  }
0x29: {  	_ =	task [dreg:s8], $0x5FFFF  }
0x2a: {  	[dreg:$0x1] =	wrdreg $0xFFFFFFFF  }
0x2b: {  	[dreg:$0x0] =	wrdreg $0x60  }
0x2c: {  	[dreg:$0x2] =	wrdreg s17  }
0x2d: {  	[dreg:$0x3] =	wrdreg s18  }
0x2e: {  	[dreg:$0x4] =	wrdreg $0x9  }
0x2f: {  	_ =	task.clear_ibuf [dreg:s8], $0x5FFFF;
	_ =	strace $0x90000046  }
0x30: {  	s29 =	simm.s32 $0x9;
	_ =	strace $0x80000048  }
0x31: {  	_ =	swait.ge [sflag:s29], $0x1  }
0x32: {  	[sflag:s29] =	ssyncadd.s32 $0xFFFFFFFF  }
0x33: {  	_ =	strace $0x90000048  }
0x34: {  	_ =	sfence  }
0x35: {  	s30 =	sld [smem:$0x0];
	_ =	sdelay $0x2  }
0x36: {  	s31 =	sshll.u32 s1, $0xD;
	s1 =	sshrl.u32 s1, $0x2  }
0x37: {  	s3 =	sand.u32 $0x4000, s31;
	s1 =	sadd.s32 s1, s30  }
0x38: {  	s0 =	sor.u32 s3, s0;
	s1 =	sshll.u32 s1, $0x11  }
0x39: {  	s0 =	sor.u32 s1, s0  }
0x3a: {  	s0 =	sadd.s32 $0x8F2B, s0  }
0x3b: {  	[sflag:s0] =	ssyncadd.remote.s32 $0x1  }
0x3c: {  	_ =	sfence.sel $0xFFFF  }
0x3d: {  	[dreg:$0x0] =	wrdreg $0xFFFFFFFF;
	(pc) =	sbr.abs _section_cstart, $3  }
0x3e: {  	[dreg:$0x1] =	wrdreg $0xFFFFFFFF  }
0x3f: {  	_ =	task.clear_ibuf [dreg:s8], $0x2FFFF;
	_ =	strace $0x9FFFFFFF  }
0x40: {  	(tm) =	ssettm $0x7FFFFFFF  }
0x41: {  	_ =	shalt  }
tec
execute0_lowered:
.L_overlay_start_1:
0x0: {  	(tag) =	ssettag $0x1  }
0x1: {  	s2 =	rddreg [dreg:$0x0];
	s0 =	srdreg.scid  }
0x2: {  	_ =	strace $0x80000047;
	s1 =	stileid.u32;
	s4 =	simm.s32 $0x1  }
.Ltmp0:
0x3: {  	s31 =	simm.s32 $0x2;
	s0 =	sshll.u32 s0, $0x4;
	(pc) =	sbr.rel .LBB1_1-.Ltmp0, $4  }
0x4: {  	s12 =	simm.s32 $0x0;
	s13 =	simm.s32 $0x0;
	s0 =	sand.u32 $0x10, s0  }
0x5: {  	s8 =	simm.s32 $0x0;
	s10 =	simm.s32 $0x0;
	s0 =	sor.u32 s1, s0  }
0x6: {  	s9 =	simm.s32 $0x0;
	[sflag:s4] =	ssyncpa.u1 $0x0;
	s5 =	sshll.u32 s0, $0x5  }
0x7: {  	s7 =	simm.s32 $0x0;
	[sflag:s31] =	ssyncpa.u1 $0x0;
	s11 =	smov.u32 s5  }
.LBB1_12:
0x8: {  	s0 =	sshrl.u32 s10, $0x3  }
0x9: {  	s1 =	sshll.u32 s8, $0x3;
	s0 =	smul.u32 $0x1B000, s0  }
0xa: {  	s3 =	sshll.u32 s10, $0x7;
	s1 =	sand.u32 $0xFFFFFC00, s1  }
0xb: {  	s27 =	sand.u32 $0x380, s3;
	s0 =	sadd.s32 s0, s1  }
0xc: {  	s0 =	sor.u32 s27, s0  }
0xd: {  	s1 =	sshrl.u32 s0, $0x9  }
0xe: {  	s1 =	smulhi.u32 $0x97B425F, s1;
	_ =	sdelay $0x1  }
0xf: {  	s28 =	smulhi.u32 $0x418938, s1  }
0x10: {  	s6 =	smul.u32 $0x3600, s1  }
0x11: {  	s16 =	sand.u32 $0x7F, s8;
	s3 =	smul.u32 $0x3E8, s28  }
0x12: {  	s0 =	sor.u32 s16, s0  }
0x13: {  	s30 =	rddreg [dreg:$0x1];
	s0 =	ssub.s32 s0, s6;
	s1 =	ssub.s32 s1, s3  }
0x14: {  	s29 =	sshrl.u32 s0, $0x3;
	s0 =	sand.u32 $0x7, s0;
	s1 =	smul.u32 $0x6C0, s1  }
0x15: {  	s3 =	sadd.s32 s30, s29;
	s0 =	sshll.u32 s0, $0x12  }
0x16: {  	s31 =	simm.s32 $0x1B000;
	s0 =	sor.u32 $0x1000, s0;
	s1 =	sadd.s32 s1, s3  }
0x17: {  	[hbm4b:s1+s0] =	stream.strided.scatter [tilespmem:s15], [sflag:$0x2], s14, s31, s0, $0x38;
	[tilespmem:$0x10000] =	vst v63  }
.LBB1_13:
0x18: {  	p0 =	slt.u32 s7, $0x2  }
0x19: {  	s1 =	smov.u32 s13;
	s3 =	smov.u32 s12;
	p1 =	sgt.s32 @!p0 s13, $0x3C8  }
0x1a: {  	s0 =	sshra.s32 @!p0 s13, $0x1F;
	p2 =	sgt.s32 @!p0 s12, $0x3400;
	s6 =	sshra.s32 @!p0 s12, $0x1F  }
0x1b: {  	p1 =	por !p1, p0;
	s0 =	sand.u32 @!p0 s0, s13;
	p2 =	por !p2, p0  }
0x1c: {  	s6 =	sand.u32 @!p0 s6, s12;
	s1 =	simm.s32 @p1 $0x3C8;
	s3 =	simm.s32 @p2 $0x3400  }
0x1d: {  	s0 =	ssub.s32 @!p0 s1, s0;
	s1 =	ssub.s32 @!p0 s3, s6  }
0x1e: {  	s3 =	sadd.s32 @!p0 $0xFFFFFC38, s0;
	s6 =	sadd.s32 @!p0 $0xFFFFCC00, s1  }
0x1f: {  	s0 =	ssub.s32 @!p0 $0x3E8, s0;
	p1 =	sgt.s32 @!p0 s3, $0x1F;
	p2 =	sgt.s32 @!p0 s6, $0x1FF  }
0x20: {  	s1 =	ssub.s32 @!p0 $0x3600, s1;
	p1 =	por !p1, p0;
	p2 =	por !p2, p0  }
0x21: {  	s0 =	simm.s32 @!p1 $0x0;
	s1 =	simm.s32 @!p2 $0x0  }
0x22: {  	s0 =	smul.u32 @!p0 s0, s1;
	s1 =	sadd.s32 $0x200, s9  }
0x23: {  	s14 =	smov.u32 s11;
	s6 =	sadd.s32 $0x400, s11;
	p1 =	sgt.s32 s1, $0x35FF  }
0x24: {  	s14 =	smov.u32 @p1 s6  }
0x25: {  	s7 =	sadd.s32 $0x1, s7;
	s1 =	simm.s32 @p1 $0x0;
	p1 =	sgt.s32 s14, $0x3E7  }
0x26: {  	s14 =	smov.u32 @p1 s5;
	p1 =	sne.s32 s7, $0x1D  }
.Ltmp1:
0x27: {  	_ = 	snop;
	(pc) =	sbr.rel @!p1 .LBB1_14-.Ltmp1, $4  }
0x28: {  	s12 =	smov.u32 s8;
	s3 =	simm.s32 @!p0 $0x2;
	s0 =	sand.u32 @!p0 $0x3FFFFFFF, s0  }
0x29: {  	s13 =	smov.u32 s10;
	s8 =	smov.u32 s9;
	_ =	swait.ge @!p0 [sflag:s3], s0  }
0x2a: {  	s10 =	smov.u32 s11;
	s0 =	ssub.s32 @!p0 $0x0, s0;
	[sflag:s3] =	ssyncset.done @!p0 $0x0  }
0x2b: {  	s9 =	smov.u32 s1;
	[sflag:s3] =	ssyncadd.s32 @!p0 s0;
	s11 =	smov.u32 s14  }
.LBB1_1:
0x2c: {  	p0 =	sgt.u32 s7, $0x1A  }
0x2d: {  	p1 =	sgt.s32 @!p0 s11, $0x3C8  }
0x2e: {  	s0 =	smov.u32 s11;
	s14 =	smov.u32 s9;
	p1 =	por !p1, p0  }
0x2f: {  	s1 =	sshra.s32 @!p0 s11, $0x1F;
	s0 =	simm.s32 @p1 $0x3C8;
	p1 =	sgt.s32 @!p0 s9, $0x3400  }
0x30: {  	s15 =	sshra.s32 @!p0 s9, $0x1F;
	s1 =	sand.u32 @!p0 s1, s11;
	p1 =	por !p1, p0  }
0x31: {  	s0 =	ssub.s32 @!p0 s0, s1;
	s1 =	sand.u32 @!p0 s15, s9;
	s14 =	simm.s32 @p1 $0x3400  }
0x32: {  	s15 =	sshrl.u32 @!p0 s9, $0x9;
	s16 =	sadd.s32 @!p0 $0xFFFFFC38, s0;
	s1 =	ssub.s32 @!p0 s14, s1  }
0x33: {  	s14 =	smulhi.u32 @!p0 $0x97B425F, s15;
	p1 =	sgt.s32 @!p0 s16, $0x1F;
	s15 =	sadd.s32 @!p0 $0xFFFFCC00, s1  }
0x34: {  	s0 =	ssub.s32 @!p0 $0x3E8, s0;
	p1 =	por !p1, p0;
	p2 =	sgt.s32 @!p0 s15, $0x1FF  }
0x35: {  	s1 =	ssub.s32 @!p0 $0x3600, s1;
	s0 =	simm.s32 @!p1 $0x0;
	p1 =	por !p2, p0  }
0x36: {  	s14 =	smul.u32 @!p0 $0x3600, s14;
	s1 =	simm.s32 @!p1 $0x0  }
0x37: {  	s15 =	sxor.u32 @!p0 $0xFFFFFFFF, s7;
	s0 =	smul.u32 @!p0 s0, s1  }
0x38: {  	s14 =	ssub.s32 @!p0 s9, s14;
	s1 =	sshll.u32 @!p0 s15, $0xE;
	s15 =	smul.u32 @!p0 $0x6C0, s11  }
0x39: {  	s16 =	sand.u32 @!p0 $0x7, s14;
	s14 =	sshrl.u32 @!p0 s14, $0x3;
	s1 =	sand.u32 @!p0 $0x4000, s1  }
0x3a: {  	s16 =	sshll.u32 @!p0 s16, $0x12;
	s0 =	sand.u32 @!p0 $0x3FFFFFFF, s0;
	s15 =	sadd.s32 @!p0 s2, s15  }
0x3b: {  	s14 =	sadd.s32 @!p0 s14, s15;
	s15 =	sor.u32 @!p0 $0x200, s16;
	s16 =	simm.s32 @!p0 $0x3600  }
0x3c: {  	[tilespmem:s1], [sflag:$0x1] =	stream.strided.gather @!p0 [hbm4b:s14+s15], s0, s16, s15, $0x38;
	[tilespmem:$0x10000] =	vst v63  }
0x3d: {  	p0 =	seq.s32 s7, $0x0  }
0x3e: {  	p1 =	seq.s32 @!p0 s7, $0x1C  }
0x3f: {  	p0 =	por p0, p1  }
.Ltmp2:
0x40: {  	_ = 	snop;
	(pc) =	sbr.rel @p0 .LBB1_13-.Ltmp2, $1  }
0x41: {  	_ =	sdelay $0x3  }
0x42: {  	p0 =	sgt.s32 s10, $0x3C8  }
0x43: {  	s0 =	smov.u32 s10;
	s1 =	sshra.s32 s10, $0x1F;
	s14 =	smov.u32 s8  }
0x44: {  	s15 =	sshra.s32 s8, $0x1F;
	s0 =	simm.s32 @!p0 $0x3C8;
	p0 =	sgt.s32 s8, $0x3400  }
0x45: {  	s1 =	sand.u32 s1, s10;
	s29 =	sand.u32 s15, s8;
	s14 =	simm.s32 @!p0 $0x3400  }
0x46: {  	s0 =	ssub.s32 s0, s1;
	s1 =	ssub.s32 s14, s29  }
0x47: {  	s30 =	sadd.s32 $0xFFFFFC38, s0;
	s0 =	ssub.s32 $0x3E8, s0;
	s14 =	sadd.s32 $0xFFFFCC00, s1  }
0x48: {  	p0 =	sgt.s32 s30, $0x1F;
	s1 =	ssub.s32 $0x3600, s1;
	p1 =	sgt.s32 s14, $0x1FF  }
0x49: {  	s0 =	simm.s32 @p0 $0x0;
	s1 =	simm.s32 @p1 $0x0  }
0x4a: {  	s0 =	smul.u32 s0, s1;
	s1 =	sadd.s32 $0x20, s10  }
0x4b: {  	p0 =	slt.s32 s1, $0x3E8  }
0x4c: {  	s1 =	simm.s32 @!p0 $0x3E8  }
0x4d: {  	s16 =	ssub.s32 s1, s10  }
0x4e: {  	p0 =	slt.s32 s16, $0x1  }
.Ltmp3:
0x4f: {  	_ = 	snop;
	(pc) =	sbr.rel @p0 .LBB1_12-.Ltmp3, $4  }
0x50: {  	s14 =	sand.u32 $0x3FFFFFFF, s0  }
0x51: {  	s31 =	sshll.u32 s7, $0xE;
	_ =	swait.ge [sflag:s4], s14  }
0x52: {  	s17 =	sand.u32 $0x4000, s31;
	s0 =	ssub.s32 $0x0, s14;
	[sflag:s4] =	ssyncset.done $0x0  }
0x53: {  	s15 =	sor.u32 $0x8000, s17;
	[sflag:s4] =	ssyncadd.s32 s0  }
0x54: {  	s0 =	sadd.s32 $0x200, s8  }
0x55: {  	p0 =	slt.s32 s0, $0x3600  }
0x56: {  	s0 =	simm.s32 @!p0 $0x3600  }
.Ltmp4:
0x57: {  	s0 =	ssub.s32 s0, s8;
	(pc) =	sbr.rel .LBB1_4-.Ltmp4, $4  }
0x58: {  	s1 =	sadd.s32 $0xF, s0  }
0x59: {  	s22 =	simm.s32 $0x0;
	s18 =	sand.u32 $0xFFFFFFF0, s1  }
0x5a: {  	s0 =	sshll.u32 s1, $0x3;
	s19 =	sand.u32 $0xFFFFFE00, s1;
	p0 =	slt.s32 s1, $0x200  }
0x5b: {  	s20 =	sand.u32 $0xFFFFF000, s0;
	s0 =	simm.s32 $0x0;
	p1 =	sge.s32 s19, s18  }
.LBB1_11:
0x5c: {  	s22 =	sadd.s32 $0x1, s22  }
0x5d: {  	p2 =	sne.s32 s22, s16  }
.Ltmp5:
0x5e: {  	_ = 	snop;
	(pc) =	sbr.rel @!p2 .LBB1_12-.Ltmp5, $2  }
0x5f: {  	_ =	sdelay $0x2  }
0x60: {  	s0 =	sadd.s32 $0x200, s0  }
.LBB1_4:
.Ltmp6:
0x61: {  	(pc) =	sbr.rel @p0 .LBB1_8-.Ltmp6, $3  }
0x62: {  	_ =	sdelay $0x1  }
0x63: {  	s1 =	sshll.u32 s22, $0x7  }
0x64: {  	s23 =	sand.u32 $0x3000, s0;
	s25 =	sand.u32 $0x200, s1;
	s24 =	sand.u32 $0x180, s1  }
0x65: {  	s21 =	sshll.u32 s22, $0x9  }
0x66: {  	s1 =	sand.u32 $0x380, s1;
	s27 =	sadd.s32 s21, s17  }
0x67: {  	v1 =	vmov s1;
	v2 =	vld [tilespmem:s27+$0x180]  }
0x68: {  	v0 =	vmov s24;
	v3 =	vld [tilespmem:s27+$0x1F0]  }
0x69: {  	s29 =	sor.u32 $0xC00, s21;
	v4 =	vld [tilespmem:s27+$0x100]  }
0x6a: {  	s3 =	sand.u32 $0x3C00, s29;
	v6 =	vld [tilespmem:s27+$0x80]  }
0x6b: {  	s28 =	sor.u32 $0x800, s21;
	v5 =	vld [tilespmem:s27+$0x170];
	s1 =	sadd.s32 s3, s15  }
0x6c: {  	s26 =	sor.u32 $0x400, s23;
	v7 =	vld [tilespmem:s27+$0xF0];
	s6 =	sand.u32 $0x3800, s28;
	s30 =	sadd.s32 s25, s1;
	[tilespmem:v1+s1+$0x0 ss:$0x1] =	vst.idx.msk $0xffff, v2  }
0x6d: {  	s3 =	sadd.s32 s6, s15;
	s6 =	sand.u32 $0x3400, s26;
	v2 =	vld [tilespmem:s27+$0x0];
	[tilespmem:v0+s30+$0x70 ss:$0x1] =	vst.idx.msk $0xffff, v3  }
0x6e: {  	s21 =	sadd.s32 s6, s15;
	v3 =	vld [tilespmem:s27+$0x70];
	[tilespmem:v1+s3+$0x0 ss:$0x1] =	vst.idx.msk $0xffff, v4  }
0x6f: {  	s1 =	sadd.s32 s25, s3;
	v4 =	vld [tilespmem:s27+$0x10];
	[tilespmem:v1+s21+$0x0 ss:$0x1] =	vst.idx.msk $0xffff, v6  }
0x70: {  	s21 =	sadd.s32 s25, s21;
	[tilespmem:v0+s1+$0x70 ss:$0x1] =	vst.idx.msk $0xffff, v5;
	v5 =	vld [tilespmem:s27+$0x20]  }
0x71: {  	s31 =	sadd.s32 s23, s15;
	v6 =	vld [tilespmem:s27+$0x30];
	[tilespmem:v0+s21+$0x70 ss:$0x1] =	vst.idx.msk $0xffff, v7  }
0x72: {  	v7 =	vld [tilespmem:s27+$0x50];
	[tilespmem:v1+s31+$0x0 ss:$0x1] =	vst.idx.msk $0xffff, v2;
	s31 =	sadd.s32 s25, s31  }
0x73: {  	v2 =	vld [tilespmem:s27+$0x40];
	[tilespmem:v0+s31+$0x70 ss:$0x1] =	vst.idx.msk $0xffff, v3  }
0x74: {  	[tilespmem:v0+s31+$0x10 ss:$0x1] =	vst.idx.msk $0xffff, v4;
	v3 =	vld [tilespmem:s27+$0x60]  }
0x75: {  	[tilespmem:v0+s31+$0x20 ss:$0x1] =	vst.idx.msk $0xffff, v5;
	v4 =	vld [tilespmem:s27+$0x90]  }
0x76: {  	[tilespmem:v0+s31+$0x30 ss:$0x1] =	vst.idx.msk $0xffff, v6;
	v5 =	vld [tilespmem:s27+$0xA0]  }
0x77: {  	[tilespmem:v0+s31+$0x50 ss:$0x1] =	vst.idx.msk $0xffff, v7;
	v6 =	vld [tilespmem:s27+$0xC0]  }
0x78: {  	[tilespmem:v0+s31+$0x40 ss:$0x1] =	vst.idx.msk $0xffff, v2;
	v2 =	vld [tilespmem:s27+$0xB0]  }
0x79: {  	[tilespmem:v0+s31+$0x60 ss:$0x1] =	vst.idx.msk $0xffff, v3;
	v3 =	vld [tilespmem:s27+$0xD0]  }
0x7a: {  	[tilespmem:v0+s21+$0x10 ss:$0x1] =	vst.idx.msk $0xffff, v4;
	v4 =	vld [tilespmem:s27+$0xE0]  }
0x7b: {  	[tilespmem:v0+s21+$0x20 ss:$0x1] =	vst.idx.msk $0xffff, v5;
	v5 =	vld [tilespmem:s27+$0x110]  }
0x7c: {  	v7 =	vld [tilespmem:s27+$0x190];
	[tilespmem:v0+s21+$0x40 ss:$0x1] =	vst.idx.msk $0xffff, v6  }
0x7d: {  	[tilespmem:v0+s21+$0x30 ss:$0x1] =	vst.idx.msk $0xffff, v2;
	v2 =	vld [tilespmem:s27+$0x120]  }
0x7e: {  	[tilespmem:v0+s21+$0x50 ss:$0x1] =	vst.idx.msk $0xffff, v3;
	v3 =	vld [tilespmem:s27+$0x140]  }
0x7f: {  	[tilespmem:v0+s21+$0x60 ss:$0x1] =	vst.idx.msk $0xffff, v4;
	v4 =	vld [tilespmem:s27+$0x150]  }
0x80: {  	[tilespmem:v0+s1+$0x10 ss:$0x1] =	vst.idx.msk $0xffff, v5;
	v5 =	vld [tilespmem:s27+$0x160]  }
0x81: {  	p2 =	sgt.s32 s19, $0x200;
	v6 =	vld [tilespmem:s27+$0x130];
	[tilespmem:v0+s30+$0x10 ss:$0x1] =	vst.idx.msk $0xffff, v7  }
.Ltmp7:
0x82: {  	[tilespmem:v0+s1+$0x20 ss:$0x1] =	vst.idx.msk $0xffff, v2;
	v2 =	vld [tilespmem:s27+$0x1A0];
	(pc) =	sbr.rel @!p2 .LBB1_7-.Ltmp7, $4  }
0x83: {  	[tilespmem:v0+s1+$0x40 ss:$0x1] =	vst.idx.msk $0xffff, v3;
	v3 =	vld [tilespmem:s27+$0x1B0]  }
0x84: {  	[tilespmem:v0+s1+$0x50 ss:$0x1] =	vst.idx.msk $0xffff, v4;
	v4 =	vld [tilespmem:s27+$0x1C0]  }
0x85: {  	[tilespmem:v0+s1+$0x60 ss:$0x1] =	vst.idx.msk $0xffff, v5;
	v5 =	vld [tilespmem:s27+$0x1D0]  }
0x86: {  	s31 =	simm.s32 $0x200;
	[tilespmem:v0+s1+$0x30 ss:$0x1] =	vst.idx.msk $0xffff, v6;
	v6 =	vld [tilespmem:s27+$0x1E0];
	s21 =	smov.u32 s0  }
.LBB1_6:
0x87: {  	v7 =	vld [tilespmem:s27+$0x180];
	[tilespmem:v0+s30+$0x20 ss:$0x1] =	vst.idx.msk $0xffff, v2  }
0x88: {  	v2 =	vld [tilespmem:s27+$0x1F0];
	[tilespmem:v0+s30+$0x30 ss:$0x1] =	vst.idx.msk $0xffff, v3  }
0x89: {  	s29 =	sadd.s32 $0x1000, s29;
	v3 =	vld [tilespmem:s27+$0x100];
	[tilespmem:v0+s30+$0x40 ss:$0x1] =	vst.idx.msk $0xffff, v4  }
0x8a: {  	s1 =	sand.u32 $0x3C00, s29;
	v4 =	vld [tilespmem:s27+$0x170];
	[tilespmem:v0+s30+$0x50 ss:$0x1] =	vst.idx.msk $0xffff, v5  }
0x8b: {  	s28 =	sadd.s32 $0x1000, s28;
	s1 =	sadd.s32 s1, s15;
	v5 =	vld [tilespmem:s27+$0x80];
	[tilespmem:v0+s30+$0x60 ss:$0x1] =	vst.idx.msk $0xffff, v6  }
0x8c: {  	s3 =	sand.u32 $0x3800, s28;
	s30 =	sadd.s32 s25, s1;
	v6 =	vld [tilespmem:s27+$0xF0];
	[tilespmem:v1+s1+$0x0 ss:$0x1] =	vst.idx.msk $0xffff, v7  }
0x8d: {  	s26 =	sadd.s32 $0x1000, s26;
	s1 =	sadd.s32 s3, s15;
	v7 =	vld [tilespmem:s27+$0x0];
	[tilespmem:v0+s30+$0x70 ss:$0x1] =	vst.idx.msk $0xffff, v2  }
0x8e: {  	s31 =	sadd.s32 $0x200, s31;
	s3 =	sand.u32 $0x3400, s26;
	v2 =	vld [tilespmem:s27+$0x70];
	[tilespmem:v1+s1+$0x0 ss:$0x1] =	vst.idx.msk $0xffff, v3;
	s1 =	sadd.s32 s25, s1  }
0x8f: {  	s21 =	sadd.s32 $0x1000, s21;
	p2 =	slt.s32 s31, s19;
	s3 =	sadd.s32 s3, s15;
	v3 =	vld [tilespmem:s27+$0x10];
	[tilespmem:v0+s1+$0x70 ss:$0x1] =	vst.idx.msk $0xffff, v4  }
0x90: {  	s6 =	sand.u32 $0x3000, s21;
	v4 =	vld [tilespmem:s27+$0x20];
	[tilespmem:v1+s3+$0x0 ss:$0x1] =	vst.idx.msk $0xffff, v5;
	s3 =	sadd.s32 s25, s3  }
0x91: {  	s6 =	sadd.s32 s6, s15;
	v5 =	vld [tilespmem:s27+$0x30];
	[tilespmem:v0+s3+$0x70 ss:$0x1] =	vst.idx.msk $0xffff, v6  }
0x92: {  	[tilespmem:v1+s6+$0x0 ss:$0x1] =	vst.idx.msk $0xffff, v7;
	s6 =	sadd.s32 s25, s6;
	v6 =	vld [tilespmem:s27+$0x40]  }
0x93: {  	v7 =	vld [tilespmem:s27+$0x50];
	[tilespmem:v0+s6+$0x70 ss:$0x1] =	vst.idx.msk $0xffff, v2  }
0x94: {  	[tilespmem:v0+s6+$0x10 ss:$0x1] =	vst.idx.msk $0xffff, v3;
	v2 =	vld [tilespmem:s27+$0x60]  }
0x95: {  	[tilespmem:v0+s6+$0x20 ss:$0x1] =	vst.idx.msk $0xffff, v4;
	v3 =	vld [tilespmem:s27+$0x90]  }
0x96: {  	[tilespmem:v0+s6+$0x30 ss:$0x1] =	vst.idx.msk $0xffff, v5;
	v4 =	vld [tilespmem:s27+$0xA0]  }
0x97: {  	[tilespmem:v0+s6+$0x40 ss:$0x1] =	vst.idx.msk $0xffff, v6;
	v5 =	vld [tilespmem:s27+$0xB0]  }
0x98: {  	[tilespmem:v0+s6+$0x50 ss:$0x1] =	vst.idx.msk $0xffff, v7;
	v6 =	vld [tilespmem:s27+$0xC0]  }
0x99: {  	[tilespmem:v0+s6+$0x60 ss:$0x1] =	vst.idx.msk $0xffff, v2;
	v2 =	vld [tilespmem:s27+$0xD0]  }
0x9a: {  	[tilespmem:v0+s3+$0x10 ss:$0x1] =	vst.idx.msk $0xffff, v3;
	v3 =	vld [tilespmem:s27+$0xE0]  }
0x9b: {  	[tilespmem:v0+s3+$0x20 ss:$0x1] =	vst.idx.msk $0xffff, v4;
	v4 =	vld [tilespmem:s27+$0x110]  }
0x9c: {  	[tilespmem:v0+s3+$0x30 ss:$0x1] =	vst.idx.msk $0xffff, v5;
	v5 =	vld [tilespmem:s27+$0x120]  }
0x9d: {  	[tilespmem:v0+s3+$0x40 ss:$0x1] =	vst.idx.msk $0xffff, v6;
	v6 =	vld [tilespmem:s27+$0x130]  }
0x9e: {  	[tilespmem:v0+s3+$0x50 ss:$0x1] =	vst.idx.msk $0xffff, v2;
	v7 =	vld [tilespmem:s27+$0x140]  }
0x9f: {  	[tilespmem:v0+s3+$0x60 ss:$0x1] =	vst.idx.msk $0xffff, v3;
	v8 =	vld [tilespmem:s27+$0x150]  }
0xa0: {  	[tilespmem:v0+s1+$0x10 ss:$0x1] =	vst.idx.msk $0xffff, v4;
	v9 =	vld [tilespmem:s27+$0x160]  }
0xa1: {  	[tilespmem:v0+s1+$0x20 ss:$0x1] =	vst.idx.msk $0xffff, v5;
	v10 =	vld [tilespmem:s27+$0x190]  }
.Ltmp8:
0xa2: {  	[tilespmem:v0+s1+$0x30 ss:$0x1] =	vst.idx.msk $0xffff, v6;
	v2 =	vld [tilespmem:s27+$0x1A0];
	(pc) =	sbr.rel @p2 .LBB1_6-.Ltmp8, $4  }
0xa3: {  	[tilespmem:v0+s1+$0x40 ss:$0x1] =	vst.idx.msk $0xffff, v7;
	v3 =	vld [tilespmem:s27+$0x1B0]  }
0xa4: {  	[tilespmem:v0+s1+$0x50 ss:$0x1] =	vst.idx.msk $0xffff, v8;
	v4 =	vld [tilespmem:s27+$0x1C0]  }
0xa5: {  	[tilespmem:v0+s1+$0x60 ss:$0x1] =	vst.idx.msk $0xffff, v9;
	v5 =	vld [tilespmem:s27+$0x1D0]  }
0xa6: {  	[tilespmem:v0+s30+$0x10 ss:$0x1] =	vst.idx.msk $0xffff, v10;
	v6 =	vld [tilespmem:s27+$0x1E0]  }
.LBB1_7:
0xa7: {  	_ =	sdelay $0x3  }
0xa8: {  	[tilespmem:v0+s30+$0x20 ss:$0x1] =	vst.idx.msk $0xffff, v2  }
0xa9: {  	[tilespmem:v0+s30+$0x30 ss:$0x1] =	vst.idx.msk $0xffff, v3  }
0xaa: {  	[tilespmem:v0+s30+$0x40 ss:$0x1] =	vst.idx.msk $0xffff, v4  }
0xab: {  	[tilespmem:v0+s30+$0x50 ss:$0x1] =	vst.idx.msk $0xffff, v5  }
0xac: {  	[tilespmem:v0+s30+$0x60 ss:$0x1] =	vst.idx.msk $0xffff, v6  }
.LBB1_8:
.Ltmp9:
0xad: {  	(pc) =	sbr.rel @p1 .LBB1_11-.Ltmp9, $1  }
0xae: {  	_ =	sdelay $0x3  }
0xaf: {  	s1 =	sshll.u32 s22, $0xB  }
0xb0: {  	s1 =	sshra.s32 s1, $0x2  }
0xb1: {  	s26 =	sadd.s32 s1, s17  }
0xb2: {  	v0 =	vmov s26;
	_ =	sdelay $0x1  }
0xb3: {  	s21 =	sadd.s32 s25, s15  }
0xb4: {  	s21 =	sadd.s32 s24, s21;
	s1 =	sadd.s32 s23, s20;
	s23 =	smov.u32 s19  }
.LBB1_10:
0xb5: {  	s3 =	sand.u32 $0x1F0, s23;
	s31 =	sand.u32 $0x70, s23;
	s23 =	sadd.s32 $0x10, s23  }
0xb6: {  	v1 =	vld.idx.msk [tilespmem:v0+s3+$0x0 ss:$0x1], $0xffff;
	p2 =	slt.s32 s23, s18  }
.Ltmp10:
0xb7: {  	_ = 	snop;
	(pc) =	sbr.rel @p2 .LBB1_10-.Ltmp10, $4  }
0xb8: {  	s6 =	sand.u32 $0x3C00, s1  }
0xb9: {  	s6 =	sadd.s32 s6, s21  }
0xba: {  	s3 =	sadd.s32 s31, s6  }
0xbb: {  	s1 =	sadd.s32 $0x80, s1;
	[tilespmem:s3+$0x0] =	vst v1  }
.Ltmp11:
0xbc: {  	_ = 	snop;
	(pc) =	sbr.rel .LBB1_11-.Ltmp11, $1  }
0xbd: {  	_ =	sdelay $0x3  }
.LBB1_14:
0xbe: {  	_ =	sfence.sel $0x180000  }
0xbf: {  	s0 =	simm.s32 $0x1;
	[bflag:$0x0] =	sbarrier.arrive $0xFFFF  }
0xc0: {  	s30 =	simm.s32 $0x2;
	[sflag:s0] =	ssyncpa.u1 $0x1  }
0xc1: {  	[sflag:s30] =	ssyncpa.u1 $0x1  }
0xc2: {  	_ =	strace $0x90000047  }
0xc3: {  	s31 =	stileid.u32;
	[bflag:$0x2] =	sbarrier.arrive $0xFFFF  }
0xc4: {  	p0 =	sne.s32 s31, $0x0;
	s0 =	rddreg [dreg:$0x2]  }
0xc5: {  	s0 =	sadd.s32 @!p0 $0x100000, s0  }
0xc6: {  	[sflag:s0] =	ssyncadd.tile.s32 @!p0 $0x1;
	_ =	shalt  }
.Lfunc_end1:
_tile_overlayer_lowered:
.L_overlay_start_2:
0xc7: {  	(tag) =	ssettag $0x2  }
0xc8: {  	s0 =	rddreg [dreg:$0x0];
	s2 =	stileid.u32  }
0xc9: {  	s1 =	rddreg [dreg:$0x1];
	p0 =	sne.s32 s2, $0x0  }
0xca: {  	s3 =	rddreg [dreg:$0x2];
	[bflag:$0x3] =	sbarrier.arrive $0xFFFF;
	s2 =	simm.s32 @!p0 $0x1C01  }
0xcb: {  	[timem:s3], [sflag:s2] =	dma.local @!p0 [hbm:s0], s1  }
0xcc: {  	s0 =	simm.s32 @!p0 $0x1  }
0xcd: {  	_ =	swait.ge @!p0 [sflag:s0], s1  }
0xce: {  	s1 =	ssub.s32 @!p0 $0x0, s1;
	[sflag:s0] =	ssyncset.done @!p0 $0x0  }
0xcf: {  	[sflag:s0] =	ssyncadd.s32 @!p0 s1  }
0xd0: {  	[bflag:$0x3] =	sbarrier.arrive $0xFFFF  }
0xd1: {  	_ =	shalt  }

</sc_bundles>
